<compile_context>
chip_gen: v7x
topology: tpu7x:2x2x1
jax: 0.10.2.dev20260603
libtpu: 0.0.44.dev20260713+nightly
codegen_flags: <defaults>
</compile_context>

<pallas_src>
import functools

import jax
import jax.numpy as jnp
from jax import lax
from jax.experimental import pallas as pl
from jax.experimental.pallas import tpu as pltpu
from jax.experimental.pallas import tpu_sc as plsc

N = 10000
E = 320000
D = 128
NC = 2
NS = 16
NW = NC * NS
K = 64
NCHUNK = 160
EPT = K * NCHUNK
NSLOT = 5
NAGG = N + NS * 16
ROWS_PT = 640
ROWS_LAST = N - 15 * ROWS_PT
CB = 768
CPT = CB // NW


def _agg_body(h_hbm, src_hbm, dst_hbm, zeros_hbm, out_hbm,
              sbufs, dbufs, rbufs, agg, ssems, dsems, gsems, csems):
    c = lax.axis_index("c")
    s = lax.axis_index("s")
    wid = s * NC + c

    row0 = pl.multiple_of(s * ROWS_PT, 8)

    @pl.when(s < NS - 1)
    def _():
        pltpu.sync_copy(zeros_hbm.at[pl.ds(row0, ROWS_PT)],
                        agg.at[pl.ds(row0, ROWS_PT)])

    @pl.when(s == NS - 1)
    def _():
        pltpu.sync_copy(zeros_hbm.at[pl.ds(row0, ROWS_LAST)],
                        agg.at[pl.ds(row0, ROWS_LAST)])

    plsc.subcore_barrier()
    ebase = pl.multiple_of(wid * EPT, 8)

    def idx_start(j, p):
        off = pl.multiple_of(ebase + j * K, 8)
        pltpu.async_copy(src_hbm.at[pl.ds(off, K)], sbufs[p], ssems[p])
        pltpu.async_copy(dst_hbm.at[pl.ds(off, K)], dbufs[p], dsems[p])

    def idx_wait(sem, buf):
        pltpu.make_async_copy(src_hbm.at[pl.ds(0, K)], buf, sem).wait()

    for p in range(NSLOT):
        idx_start(p, p)

    @pl.loop(0, NCHUNK, step=NSLOT)
    def _(g):
        descs = []
        for b in range(NSLOT):
            idx_wait(ssems[b], sbufs[b])
            descs.append(pltpu.async_copy(h_hbm.at[sbufs[b]], rbufs[b],
                                          gsems[b]))
        sdescs = []
        for b in range(NSLOT):
            descs[b].wait()
            idx_wait(dsems[b], dbufs[b])
            sdescs.append(pltpu.async_copy(rbufs[b], agg.at[dbufs[b]],
                                           csems[b], add=True))
        for b in range(NSLOT):
            sdescs[b].wait()

            @pl.when(g + b + NSLOT < NCHUNK)
            def _():
                idx_start(g + b + NSLOT, b)

    plsc.subcore_barrier()

    obase = pl.multiple_of(c * N + s * ROWS_PT, 8)

    @pl.when(s < NS - 1)
    def _():
        pltpu.sync_copy(agg.at[pl.ds(row0, ROWS_PT)],
                        out_hbm.at[pl.ds(obase, ROWS_PT)])

    @pl.when(s == NS - 1)
    def _():
        pltpu.sync_copy(agg.at[pl.ds(row0, ROWS_LAST)],
                        out_hbm.at[pl.ds(obase, ROWS_LAST)])


_agg_call = pl.kernel(
    _agg_body,
    out_type=jax.ShapeDtypeStruct((NC * N, D), jnp.float32),
    mesh=plsc.VectorSubcoreMesh(core_axis_name="c", subcore_axis_name="s"),
    scratch_types=[
        [pltpu.VMEM((K,), jnp.int32)] * NSLOT,
        [pltpu.VMEM((K,), jnp.int32)] * NSLOT,
        [pltpu.VMEM((K, D), jnp.float32)] * NSLOT,
        pltpu.VMEM_SHARED((NAGG, D), jnp.float32),
        [pltpu.SemaphoreType.DMA] * NSLOT,
        [pltpu.SemaphoreType.DMA] * NSLOT,
        [pltpu.SemaphoreType.DMA] * NSLOT,
        [pltpu.SemaphoreType.DMA] * NSLOT,
    ],
)


def _gather_body(h_hbm, idx_hbm, out_hbm, idx_v, rows_v, sem):
    c = lax.axis_index("c")
    s = lax.axis_index("s")
    wid = s * NC + c
    base = pl.multiple_of(wid * CPT, 8)
    pltpu.sync_copy(idx_hbm.at[pl.ds(base, CPT)], idx_v)
    pltpu.async_copy(h_hbm.at[idx_v], rows_v, sem).wait()
    pltpu.sync_copy(rows_v, out_hbm.at[pl.ds(base, CPT)])


_gather_call = pl.kernel(
    _gather_body,
    out_type=jax.ShapeDtypeStruct((CB, D), jnp.float32),
    mesh=plsc.VectorSubcoreMesh(core_axis_name="c", subcore_axis_name="s"),
    scratch_types=[
        pltpu.VMEM((CPT,), jnp.int32),
        pltpu.VMEM((CPT, D), jnp.float32),
        pltpu.SemaphoreType.DMA,
    ],
)


_MLP_BLK = 1000


def _mlp_body(h_ref, p0_ref, p1_ref, w1_ref, b1_ref, w2_ref, b2_ref, o_ref):
    z = h_ref[...] + p0_ref[...] + p1_ref[...]
    a = jnp.dot(z, w1_ref[...], preferred_element_type=jnp.float32) + b1_ref[...]
    a = jnp.maximum(a, 0.0)
    o_ref[...] = (jnp.dot(a, w2_ref[...], preferred_element_type=jnp.float32)
                  + b2_ref[...])


def _mlp(h, p0, p1, w1, b1, w2, b2):
    grid = (N // _MLP_BLK,)
    blk = lambda i: (i, 0)
    zero = lambda i: (0, 0)
    return pl.pallas_call(
        _mlp_body,
        grid=grid,
        in_specs=[
            pl.BlockSpec((_MLP_BLK, D), blk),
            pl.BlockSpec((_MLP_BLK, D), blk),
            pl.BlockSpec((_MLP_BLK, D), blk),
            pl.BlockSpec((D, D), zero),
            pl.BlockSpec((1, D), zero),
            pl.BlockSpec((D, D), zero),
            pl.BlockSpec((1, D), zero),
        ],
        out_specs=pl.BlockSpec((_MLP_BLK, D), blk),
        out_shape=jax.ShapeDtypeStruct((N, D), jnp.float32),
    )(h, p0, p1, w1, b1.reshape(1, D), w2, b2.reshape(1, D))


def _score_body(tt_ref, g_ref, tab_ref, wp1_ref, bp1_ref, wp2_ref, bp2_ref,
                o_ref):
    U = g_ref[0:256, :]
    V = g_ref[256:512, :]
    fu = g_ref[512:513, :]
    fv = g_ref[513:514, :]
    S = U + V
    A = jnp.abs(U - V)
    ffs = fu + fv
    ffd = jnp.abs(fu - fv)
    ti = tt_ref[0]
    temb = tab_ref[pl.ds(ti, 1), :]
    dot = lambda a, b: jnp.dot(a, b, preferred_element_type=jnp.float32)
    base = (dot(ffs, wp1_ref[0:128, :]) + dot(ffd, wp1_ref[128:256, :])
            + dot(temb, wp1_ref[512:640, :]) + bp1_ref[...])
    hid = jnp.maximum(
        dot(S, wp1_ref[256:384, :]) + dot(A, wp1_ref[384:512, :]) + base, 0.0)
    o_ref[...] = (jnp.sum(hid * wp2_ref[...], axis=1, keepdims=True)
                  + bp2_ref[...])


def _score(tt, gat, t_table, wp1, bp1, wp2, bp2):
    return pl.pallas_call(
        _score_body,
        in_specs=[
            pl.BlockSpec(memory_space=pltpu.SMEM),
            pl.BlockSpec(memory_space=pltpu.VMEM),
            pl.BlockSpec(memory_space=pltpu.VMEM),
            pl.BlockSpec(memory_space=pltpu.VMEM),
            pl.BlockSpec(memory_space=pltpu.VMEM),
            pl.BlockSpec(memory_space=pltpu.VMEM),
            pl.BlockSpec(memory_space=pltpu.VMEM),
        ],
        out_shape=jax.ShapeDtypeStruct((256, 1), jnp.float32),
    )(tt, gat, t_table, wp1, bp1.reshape(1, D), wp2.reshape(1, D),
      bp2.reshape(1, 1))


def kernel(x, edge_index, first_edge, candidate_edges, t,
           w1_0, b1_0, w2_0, b2_0, w1_1, b1_1, w2_1, b2_1,
           w1_2, b1_2, w2_2, b2_2, wp1, bp1, wp2, bp2, t_table):
    real = E // NW
    pad = EPT - real
    dummy = (N + (jnp.arange(NW, dtype=edge_index.dtype) // NC)[:, None] * 16
             + (jnp.arange(pad, dtype=edge_index.dtype) % 16)[None, :])
    psrc = jnp.broadcast_to(
        (jnp.arange(pad, dtype=edge_index.dtype) * 37) % N, (NW, pad))
    src = jnp.concatenate([
        edge_index[0].reshape(NW, real), psrc], axis=1).reshape(-1)
    dst = jnp.concatenate([
        edge_index[1].reshape(NW, real),
        dummy], axis=1).reshape(-1)
    zeros = jnp.zeros((N, D), jnp.float32)

    h = x
    for (w1, b1, w2, b2) in ((w1_0, b1_0, w2_0, b2_0),
                             (w1_1, b1_1, w2_1, b2_1),
                             (w1_2, b1_2, w2_2, b2_2)):
        parts = _agg_call(h, src, dst, zeros)
        h = _mlp(h, parts[:N], parts[N:], w1, b1, w2, b2)

    gidx = jnp.concatenate([
        candidate_edges[:, 0], candidate_edges[:, 1], first_edge,
        jnp.zeros((CB - 2 * 256 - 2,), jnp.int32),
    ]).astype(jnp.int32)
    gat = _gather_call(h, gidx)

    tt = jnp.clip(t, 0, t_table.shape[0] - 1).astype(jnp.int32).reshape(1)
    scores = _score(tt, gat, t_table, wp1, bp1, wp2, bp2)
    return scores[:, 0]

# --- scband reference (transcript-rebuilt; emitter-appended) ---
"""Pipeline reference for scband-graph-er-55825984913984 (READ-ONLY COPY).

The authoritative reference and input builder live on the scoring server;
editing this copy changes nothing except your own understanding.
"""

import jax, jax.numpy as jnp
import numpy as np

N = 10000
E = 320000
D = 128
H = 128
T = 1000
C = 256


def setup_inputs(seed: int = 0) -> dict:
    key = jax.random.key(seed)
    ks = jax.random.split(key, 24)
    inp = {}
    inp["x"] = jax.random.normal(ks[0], (N, D), dtype=jnp.float32)
    inp["edge_index"] = jax.random.randint(ks[1], (2, E), 0, N)
    inp["first_edge"] = jax.random.randint(ks[2], (2,), 0, N)
    inp["candidate_edges"] = jax.random.randint(ks[3], (C, 2), 0, N)
    inp["t"] = 500
    # GIN layer 0 MLP: Linear(D->H), ReLU, Linear(H->H)
    inp["w1_0"] = jax.random.normal(ks[4], (D, H), dtype=jnp.float32) * (1.0 / np.sqrt(D))
    inp["b1_0"] = jnp.zeros((H,), dtype=jnp.float32)
    inp["w2_0"] = jax.random.normal(ks[5], (H, H), dtype=jnp.float32) * (1.0 / np.sqrt(H))
    inp["b2_0"] = jnp.zeros((H,), dtype=jnp.float32)
    # GIN layers 1,2: Linear(H->H), ReLU, Linear(H->H)
    inp["w1_1"] = jax.random.normal(ks[6], (H, H), dtype=jnp.float32) * (1.0 / np.sqrt(H))
    inp["b1_1"] = jnp.zeros((H,), dtype=jnp.float32)
    inp["w2_1"] = jax.random.normal(ks[7], (H, H), dtype=jnp.float32) * (1.0 / np.sqrt(H))
    inp["b2_1"] = jnp.zeros((H,), dtype=jnp.float32)
    inp["w1_2"] = jax.random.normal(ks[8], (H, H), dtype=jnp.float32) * (1.0 / np.sqrt(H))
    inp["b1_2"] = jnp.zeros((H,), dtype=jnp.float32)
    inp["w2_2"] = jax.random.normal(ks[9], (H, H), dtype=jnp.float32) * (1.0 / np.sqrt(H))
    inp["b2_2"] = jnp.zeros((H,), dtype=jnp.float32)
    # edge predictor: Linear(4H+H -> H), ReLU, Linear(H -> 1)
    inp["wp1"] = jax.random.normal(ks[10], (5 * H, H), dtype=jnp.float32) * (1.0 / np.sqrt(5 * H))
    inp["bp1"] = jnp.zeros((H,), dtype=jnp.float32)
    inp["wp2"] = jax.random.normal(ks[11], (H, 1), dtype=jnp.float32) * (1.0 / np.sqrt(H))
    inp["bp2"] = jnp.zeros((1,), dtype=jnp.float32)
    # time embedding table [T+1, H]
    inp["t_table"] = jax.random.normal(ks[12], (T + 1, H), dtype=jnp.float32) * 0.05
    return inp


def _gin_layer(h, edge_index, w1, b1, w2, b2):
    # GINConv with eps=0: out = MLP(x_i + sum_{j in N(i)} x_j)
    src = edge_index[0]
    dst = edge_index[1]
    agg = jnp.zeros_like(h).at[dst].add(h[src])
    z = h + agg
    return jnp.maximum(z @ w1 + b1, 0.0) @ w2 + b2


def _edge_rep(h, u, v):
    # method 'sum_absdiff': cat([x_u + x_v, |x_u - x_v|])
    xu = h[u]
    xv = h[v]
    return jnp.concatenate([xu + xv, jnp.abs(xu - xv)], axis=-1)


def reference(x, edge_index, first_edge, candidate_edges, t, w1_0, b1_0, w2_0, b2_0, w1_1, b1_1, w2_1, b2_1, w1_2, b1_2, w2_2, b2_2, wp1, bp1, wp2, bp2, t_table):
    h = x
    for (w1, b1, w2, b2) in [(w1_0, b1_0, w2_0, b2_0), (w1_1, b1_1, w2_1, b2_1), (w1_2, b1_2, w2_2, b2_2)]:
        h = _gin_layer(h, edge_index, w1, b1, w2, b2)
    first_feat = _edge_rep(h, first_edge[0], first_edge[1])  # [2H]
    tt = jnp.clip(t, 0, t_table.shape[0] - 1)
    temb = t_table[tt]  # [H]
    cu = candidate_edges[:, 0]
    cv = candidate_edges[:, 1]
    cand_feat = jnp.concatenate([h[cu] + h[cv], jnp.abs(h[cu] - h[cv])], axis=-1)  # [C, 2H]
    Cn = cand_feat.shape[0]
    feat = jnp.concatenate([
        jnp.broadcast_to(first_feat, (Cn, first_feat.shape[0])),
        cand_feat,
        jnp.broadcast_to(temb, (Cn, temb.shape[0])),
    ], axis=-1)  # [C, 5H]
    scores = jnp.maximum(feat @ wp1 + bp1, 0.0) @ wp2 + bp2  # [C, 1]
    return scores[:, 0]

if __name__ == "__main__":
    import jax
    _d = setup_inputs()
    print(jax.jit(kernel)(*tuple(_d.values())))

</pallas_src>

<mosaic_0001>
#map = affine_map<(d0, d1) -> (0, 0)>
#map1 = affine_map<(d0, d1) -> (0)>
module attributes {stable_mosaic.version = 14 : i64} {
  func.func @_agg_body(%arg0: i32, %arg1: i32, %arg2: memref<10000x128xf32, #tpu.memory_space<hbm>>, %arg3: memref<327680xi32, #tpu.memory_space<hbm>>, %arg4: memref<327680xi32, #tpu.memory_space<hbm>>, %arg5: memref<10000x128xf32, #tpu.memory_space<hbm>>, %arg6: memref<20000x128xf32, #tpu.memory_space<hbm>>, %arg7: memref<64xi32, #tpu.memory_space<vmem>>, %arg8: memref<64xi32, #tpu.memory_space<vmem>>, %arg9: memref<64xi32, #tpu.memory_space<vmem>>, %arg10: memref<64xi32, #tpu.memory_space<vmem>>, %arg11: memref<64xi32, #tpu.memory_space<vmem>>, %arg12: memref<64xi32, #tpu.memory_space<vmem>>, %arg13: memref<64xi32, #tpu.memory_space<vmem>>, %arg14: memref<64xi32, #tpu.memory_space<vmem>>, %arg15: memref<64xi32, #tpu.memory_space<vmem>>, %arg16: memref<64xi32, #tpu.memory_space<vmem>>, %arg17: memref<64x128xf32, #tpu.memory_space<vmem>>, %arg18: memref<64x128xf32, #tpu.memory_space<vmem>>, %arg19: memref<64x128xf32, #tpu.memory_space<vmem>>, %arg20: memref<64x128xf32, #tpu.memory_space<vmem>>, %arg21: memref<64x128xf32, #tpu.memory_space<vmem>>, %arg22: memref<10256x128xf32, #tpu.memory_space<vmem_shared>>, %arg23: memref<!tpu.dma_semaphore, #tpu.memory_space<semaphore_mem>>, %arg24: memref<!tpu.dma_semaphore, #tpu.memory_space<semaphore_mem>>, %arg25: memref<!tpu.dma_semaphore, #tpu.memory_space<semaphore_mem>>, %arg26: memref<!tpu.dma_semaphore, #tpu.memory_space<semaphore_mem>>, %arg27: memref<!tpu.dma_semaphore, #tpu.memory_space<semaphore_mem>>, %arg28: memref<!tpu.dma_semaphore, #tpu.memory_space<semaphore_mem>>, %arg29: memref<!tpu.dma_semaphore, #tpu.memory_space<semaphore_mem>>, %arg30: memref<!tpu.dma_semaphore, #tpu.memory_space<semaphore_mem>>, %arg31: memref<!tpu.dma_semaphore, #tpu.memory_space<semaphore_mem>>, %arg32: memref<!tpu.dma_semaphore, #tpu.memory_space<semaphore_mem>>, %arg33: memref<!tpu.dma_semaphore, #tpu.memory_space<semaphore_mem>>, %arg34: memref<!tpu.dma_semaphore, #tpu.memory_space<semaphore_mem>>, %arg35: memref<!tpu.dma_semaphore, #tpu.memory_space<semaphore_mem>>, %arg36: memref<!tpu.dma_semaphore, #tpu.memory_space<semaphore_mem>>, %arg37: memref<!tpu.dma_semaphore, #tpu.memory_space<semaphore_mem>>, %arg38: memref<!tpu.dma_semaphore, #tpu.memory_space<semaphore_mem>>, %arg39: memref<!tpu.dma_semaphore, #tpu.memory_space<semaphore_mem>>, %arg40: memref<!tpu.dma_semaphore, #tpu.memory_space<semaphore_mem>>, %arg41: memref<!tpu.dma_semaphore, #tpu.memory_space<semaphore_mem>>, %arg42: memref<!tpu.dma_semaphore, #tpu.memory_space<semaphore_mem>>) attributes {dimension_semantics = [#tpu.dimension_semantics<core_parallel>, #tpu.dimension_semantics<subcore_parallel>], iteration_bounds = array<i64: 2, 16>, scalar_prefetch = 0 : i64, scratch_operands = 36 : i64, tpu.core_type = #tpu.core_type<sc_vector_subcore>, window_params = [{transform_indices = #map}, {transform_indices = #map1}, {transform_indices = #map1}, {transform_indices = #map}, {transform_indices = #map}]} {
    %mul3A = arith.constant 2 : i32
    %mul3A_0 = arith.muli %arg1, %mul3A : i32
    %add3A = arith.addi %mul3A_0, %arg0 : i32
    %mul3A_1 = arith.constant 640 : i32
    %mul3A_2 = arith.muli %arg1, %mul3A_1 : i32
    %multiple_of3A = tpu.assume_multiple %mul3A_2, 8 : i32
    %lt3A = arith.constant 15 : i32
    %lt3A_3 = arith.cmpi slt, %arg1, %lt3A : i32
    %convert_element_type3A = arith.extui %lt3A_3 : i1 to i32
    %cond3A = arith.constant 0 : i32
    %cond3A_4 = arith.cmpi ne, %convert_element_type3A, %cond3A : i32
    scf.if %cond3A_4 {
      "tpu.region"() ({
        %run_scoped3A = tpu.sem_alloc : memref<!tpu.dma_semaphore, #tpu.memory_space<semaphore_mem>>
        %dma_start3A_67 = arith.constant 0 : i32
        %dma_start3A_68 = tpu.memref_slice %arg22[%multiple_of3A, %dma_start3A_67] : memref<10256x128xf32, #tpu.memory_space<vmem_shared>> -> memref<640x128xf32, #tpu.memory_space<vmem_shared>>
        %dma_start3A_69 = arith.constant 0 : i32
        %dma_start3A_70 = tpu.memref_slice %arg5[%multiple_of3A, %dma_start3A_69] : memref<10000x128xf32, #tpu.memory_space<hbm>> -> memref<640x128xf32, #tpu.memory_space<hbm>>
        tpu.enqueue_dma source(%dma_start3A_70 : memref<640x128xf32, #tpu.memory_space<hbm>>) target(%dma_start3A_68 : memref<640x128xf32, #tpu.memory_space<vmem_shared>>) target_semaphore(%run_scoped3A : memref<!tpu.dma_semaphore, #tpu.memory_space<semaphore_mem>>)
        %dma_wait3A = arith.constant 0 : i32
        %dma_wait3A_71 = tpu.memref_slice %arg22[%multiple_of3A, %dma_wait3A] : memref<10256x128xf32, #tpu.memory_space<vmem_shared>> -> memref<640x128xf32, #tpu.memory_space<vmem_shared>>
        %dma_wait3A_72 = arith.constant 0 : i32
        %dma_wait3A_73 = tpu.memref_slice %arg5[%multiple_of3A, %dma_wait3A_72] : memref<10000x128xf32, #tpu.memory_space<hbm>> -> memref<640x128xf32, #tpu.memory_space<hbm>>
        tpu.wait_dma2 semaphore(%run_scoped3A : memref<!tpu.dma_semaphore, #tpu.memory_space<semaphore_mem>>) src(%dma_wait3A_73 : memref<640x128xf32, #tpu.memory_space<hbm>>) dst(%dma_wait3A_71 : memref<640x128xf32, #tpu.memory_space<vmem_shared>>)
        tpu.yield
      }) : () -> ()
    } else {
    }
    %eq3A = arith.constant 15 : i32
    %eq3A_5 = arith.cmpi eq, %arg1, %eq3A : i32
    %convert_element_type3A_6 = arith.extui %eq3A_5 : i1 to i32
    %cond3A_7 = arith.constant 0 : i32
    %cond3A_8 = arith.cmpi ne, %convert_element_type3A_6, %cond3A_7 : i32
    scf.if %cond3A_8 {
      "tpu.region"() ({
        %run_scoped3A = tpu.sem_alloc : memref<!tpu.dma_semaphore, #tpu.memory_space<semaphore_mem>>
        %dma_start3A_67 = arith.constant 0 : i32
        %dma_start3A_68 = tpu.memref_slice %arg22[%multiple_of3A, %dma_start3A_67] : memref<10256x128xf32, #tpu.memory_space<vmem_shared>> -> memref<400x128xf32, #tpu.memory_space<vmem_shared>>
        %dma_start3A_69 = arith.constant 0 : i32
        %dma_start3A_70 = tpu.memref_slice %arg5[%multiple_of3A, %dma_start3A_69] : memref<10000x128xf32, #tpu.memory_space<hbm>> -> memref<400x128xf32, #tpu.memory_space<hbm>>
        tpu.enqueue_dma source(%dma_start3A_70 : memref<400x128xf32, #tpu.memory_space<hbm>>) target(%dma_start3A_68 : memref<400x128xf32, #tpu.memory_space<vmem_shared>>) target_semaphore(%run_scoped3A : memref<!tpu.dma_semaphore, #tpu.memory_space<semaphore_mem>>)
        %dma_wait3A = arith.constant 0 : i32
        %dma_wait3A_71 = tpu.memref_slice %arg22[%multiple_of3A, %dma_wait3A] : memref<10256x128xf32, #tpu.memory_space<vmem_shared>> -> memref<400x128xf32, #tpu.memory_space<vmem_shared>>
        %dma_wait3A_72 = arith.constant 0 : i32
        %dma_wait3A_73 = tpu.memref_slice %arg5[%multiple_of3A, %dma_wait3A_72] : memref<10000x128xf32, #tpu.memory_space<hbm>> -> memref<400x128xf32, #tpu.memory_space<hbm>>
        tpu.wait_dma2 semaphore(%run_scoped3A : memref<!tpu.dma_semaphore, #tpu.memory_space<semaphore_mem>>) src(%dma_wait3A_73 : memref<400x128xf32, #tpu.memory_space<hbm>>) dst(%dma_wait3A_71 : memref<400x128xf32, #tpu.memory_space<vmem_shared>>)
        tpu.yield
      }) : () -> ()
    } else {
    }
    %barrier3A = arith.constant 0 : index
    tpu.barrier barrier_id(%barrier3A)
    %mul3A_9 = arith.constant 10240 : i32
    %mul3A_10 = arith.muli %add3A, %mul3A_9 : i32
    %multiple_of3A_11 = tpu.assume_multiple %mul3A_10, 8 : i32
    %add3A_12 = arith.constant 0 : i32
    %add3A_13 = arith.addi %multiple_of3A_11, %add3A_12 : i32
    %multiple_of3A_14 = tpu.assume_multiple %add3A_13, 8 : i32
    %dma_start3A = tpu.memref_slice %arg3[%multiple_of3A_14] : memref<327680xi32, #tpu.memory_space<hbm>> -> memref<64xi32, #tpu.memory_space<hbm>>
    %dma_start3A_15 = tpu.memref_slice %arg3[%multiple_of3A_14] : memref<327680xi32, #tpu.memory_space<hbm>> -> memref<64xi32, #tpu.memory_space<hbm>>
    tpu.enqueue_dma source(%dma_start3A_15 : memref<64xi32, #tpu.memory_space<hbm>>) target(%arg7 : memref<64xi32, #tpu.memory_space<vmem>>) target_semaphore(%arg23 : memref<!tpu.dma_semaphore, #tpu.memory_space<semaphore_mem>>)
    %dma_start3A_16 = tpu.memref_slice %arg4[%multiple_of3A_14] : memref<327680xi32, #tpu.memory_space<hbm>> -> memref<64xi32, #tpu.memory_space<hbm>>
    %dma_start3A_17 = tpu.memref_slice %arg4[%multiple_of3A_14] : memref<327680xi32, #tpu.memory_space<hbm>> -> memref<64xi32, #tpu.memory_space<hbm>>
    tpu.enqueue_dma source(%dma_start3A_17 : memref<64xi32, #tpu.memory_space<hbm>>) target(%arg12 : memref<64xi32, #tpu.memory_space<vmem>>) target_semaphore(%arg28 : memref<!tpu.dma_semaphore, #tpu.memory_space<semaphore_mem>>)
    %add3A_18 = arith.constant 64 : i32
    %add3A_19 = arith.addi %multiple_of3A_11, %add3A_18 : i32
    %multiple_of3A_20 = tpu.assume_multiple %add3A_19, 8 : i32
    %dma_start3A_21 = tpu.memref_slice %arg3[%multiple_of3A_20] : memref<327680xi32, #tpu.memory_space<hbm>> -> memref<64xi32, #tpu.memory_space<hbm>>
    %dma_start3A_22 = tpu.memref_slice %arg3[%multiple_of3A_20] : memref<327680xi32, #tpu.memory_space<hbm>> -> memref<64xi32, #tpu.memory_space<hbm>>
    tpu.enqueue_dma source(%dma_start3A_22 : memref<64xi32, #tpu.memory_space<hbm>>) target(%arg8 : memref<64xi32, #tpu.memory_space<vmem>>) target_semaphore(%arg24 : memref<!tpu.dma_semaphore, #tpu.memory_space<semaphore_mem>>)
    %dma_start3A_23 = tpu.memref_slice %arg4[%multiple_of3A_20] : memref<327680xi32, #tpu.memory_space<hbm>> -> memref<64xi32, #tpu.memory_space<hbm>>
    %dma_start3A_24 = tpu.memref_slice %arg4[%multiple_of3A_20] : memref<327680xi32, #tpu.memory_space<hbm>> -> memref<64xi32, #tpu.memory_space<hbm>>
    tpu.enqueue_dma source(%dma_start3A_24 : memref<64xi32, #tpu.memory_space<hbm>>) target(%arg13 : memref<64xi32, #tpu.memory_space<vmem>>) target_semaphore(%arg29 : memref<!tpu.dma_semaphore, #tpu.memory_space<semaphore_mem>>)
    %add3A_25 = arith.constant 128 : i32
    %add3A_26 = arith.addi %multiple_of3A_11, %add3A_25 : i32
    %multiple_of3A_27 = tpu.assume_multiple %add3A_26, 8 : i32
    %dma_start3A_28 = tpu.memref_slice %arg3[%multiple_of3A_27] : memref<327680xi32, #tpu.memory_space<hbm>> -> memref<64xi32, #tpu.memory_space<hbm>>
    %dma_start3A_29 = tpu.memref_slice %arg3[%multiple_of3A_27] : memref<327680xi32, #tpu.memory_space<hbm>> -> memref<64xi32, #tpu.memory_space<hbm>>
    tpu.enqueue_dma source(%dma_start3A_29 : memref<64xi32, #tpu.memory_space<hbm>>) target(%arg9 : memref<64xi32, #tpu.memory_space<vmem>>) target_semaphore(%arg25 : memref<!tpu.dma_semaphore, #tpu.memory_space<semaphore_mem>>)
    %dma_start3A_30 = tpu.memref_slice %arg4[%multiple_of3A_27] : memref<327680xi32, #tpu.memory_space<hbm>> -> memref<64xi32, #tpu.memory_space<hbm>>
    %dma_start3A_31 = tpu.memref_slice %arg4[%multiple_of3A_27] : memref<327680xi32, #tpu.memory_space<hbm>> -> memref<64xi32, #tpu.memory_space<hbm>>
    tpu.enqueue_dma source(%dma_start3A_31 : memref<64xi32, #tpu.memory_space<hbm>>) target(%arg14 : memref<64xi32, #tpu.memory_space<vmem>>) target_semaphore(%arg30 : memref<!tpu.dma_semaphore, #tpu.memory_space<semaphore_mem>>)
    %add3A_32 = arith.constant 192 : i32
    %add3A_33 = arith.addi %multiple_of3A_11, %add3A_32 : i32
    %multiple_of3A_34 = tpu.assume_multiple %add3A_33, 8 : i32
    %dma_start3A_35 = tpu.memref_slice %arg3[%multiple_of3A_34] : memref<327680xi32, #tpu.memory_space<hbm>> -> memref<64xi32, #tpu.memory_space<hbm>>
    %dma_start3A_36 = tpu.memref_slice %arg3[%multiple_of3A_34] : memref<327680xi32, #tpu.memory_space<hbm>> -> memref<64xi32, #tpu.memory_space<hbm>>
    tpu.enqueue_dma source(%dma_start3A_36 : memref<64xi32, #tpu.memory_space<hbm>>) target(%arg10 : memref<64xi32, #tpu.memory_space<vmem>>) target_semaphore(%arg26 : memref<!tpu.dma_semaphore, #tpu.memory_space<semaphore_mem>>)
    %dma_start3A_37 = tpu.memref_slice %arg4[%multiple_of3A_34] : memref<327680xi32, #tpu.memory_space<hbm>> -> memref<64xi32, #tpu.memory_space<hbm>>
    %dma_start3A_38 = tpu.memref_slice %arg4[%multiple_of3A_34] : memref<327680xi32, #tpu.memory_space<hbm>> -> memref<64xi32, #tpu.memory_space<hbm>>
    tpu.enqueue_dma source(%dma_start3A_38 : memref<64xi32, #tpu.memory_space<hbm>>) target(%arg15 : memref<64xi32, #tpu.memory_space<vmem>>) target_semaphore(%arg31 : memref<!tpu.dma_semaphore, #tpu.memory_space<semaphore_mem>>)
    %add3A_39 = arith.constant 256 : i32
    %add3A_40 = arith.addi %multiple_of3A_11, %add3A_39 : i32
    %multiple_of3A_41 = tpu.assume_multiple %add3A_40, 8 : i32
    %dma_start3A_42 = tpu.memref_slice %arg3[%multiple_of3A_41] : memref<327680xi32, #tpu.memory_space<hbm>> -> memref<64xi32, #tpu.memory_space<hbm>>
    %dma_start3A_43 = tpu.memref_slice %arg3[%multiple_of3A_41] : memref<327680xi32, #tpu.memory_space<hbm>> -> memref<64xi32, #tpu.memory_space<hbm>>
    tpu.enqueue_dma source(%dma_start3A_43 : memref<64xi32, #tpu.memory_space<hbm>>) target(%arg11 : memref<64xi32, #tpu.memory_space<vmem>>) target_semaphore(%arg27 : memref<!tpu.dma_semaphore, #tpu.memory_space<semaphore_mem>>)
    %dma_start3A_44 = tpu.memref_slice %arg4[%multiple_of3A_41] : memref<327680xi32, #tpu.memory_space<hbm>> -> memref<64xi32, #tpu.memory_space<hbm>>
    %dma_start3A_45 = tpu.memref_slice %arg4[%multiple_of3A_41] : memref<327680xi32, #tpu.memory_space<hbm>> -> memref<64xi32, #tpu.memory_space<hbm>>
    tpu.enqueue_dma source(%dma_start3A_45 : memref<64xi32, #tpu.memory_space<hbm>>) target(%arg16 : memref<64xi32, #tpu.memory_space<vmem>>) target_semaphore(%arg32 : memref<!tpu.dma_semaphore, #tpu.memory_space<semaphore_mem>>)
    %scan3A = arith.constant 0 : i32
    %scan3A_46 = arith.constant 32 : i32
    %scan3A_47 = arith.addi %scan3A, %scan3A_46 : i32
    %scan3A_48 = arith.constant 1 : i32
    scf.for %scan3A_67 = %scan3A to %scan3A_47 step %scan3A_48  : i32 {
      %mul3A_68 = arith.constant 5 : i32
      %mul3A_69 = arith.muli %scan3A_67, %mul3A_68 : i32
      %add3A_70 = arith.constant 0 : i32
      %add3A_71 = arith.addi %add3A_70, %mul3A_69 : i32
      %dma_wait3A = arith.constant 0 : i32
      %dma_wait3A_72 = tpu.memref_slice %arg3[%dma_wait3A] : memref<327680xi32, #tpu.memory_space<hbm>> -> memref<64xi32, #tpu.memory_space<hbm>>
      %dma_wait3A_73 = arith.constant 0 : i32
      %dma_wait3A_74 = tpu.memref_slice %arg3[%dma_wait3A_73] : memref<327680xi32, #tpu.memory_space<hbm>> -> memref<64xi32, #tpu.memory_space<hbm>>
      tpu.wait_dma2 semaphore(%arg23 : memref<!tpu.dma_semaphore, #tpu.memory_space<semaphore_mem>>) src(%dma_wait3A_74 : memref<64xi32, #tpu.memory_space<hbm>>) dst(%arg7 : memref<64xi32, #tpu.memory_space<vmem>>)
      %dma_start3A_75 = arith.constant 0 : i32
      %dma_start3A_76 = arith.constant 0 : i32
      %dma_start3A_77 = tpu.memref_slice %arg2[%dma_start3A_75, %dma_start3A_76] : memref<10000x128xf32, #tpu.memory_space<hbm>> -> memref<10000x128xf32, #tpu.memory_space<hbm>>
      tpu.enqueue_indirect_dma source(%dma_start3A_77 : memref<10000x128xf32, #tpu.memory_space<hbm>>) target(%arg17 : memref<64x128xf32, #tpu.memory_space<vmem>>) offsets(%arg7 : memref<64xi32, #tpu.memory_space<vmem>>) semaphore(%arg33 : memref<!tpu.dma_semaphore, #tpu.memory_space<semaphore_mem>>)
      %dma_wait3A_78 = arith.constant 0 : i32
      %dma_wait3A_79 = tpu.memref_slice %arg3[%dma_wait3A_78] : memref<327680xi32, #tpu.memory_space<hbm>> -> memref<64xi32, #tpu.memory_space<hbm>>
      %dma_wait3A_80 = arith.constant 0 : i32
      %dma_wait3A_81 = tpu.memref_slice %arg3[%dma_wait3A_80] : memref<327680xi32, #tpu.memory_space<hbm>> -> memref<64xi32, #tpu.memory_space<hbm>>
      tpu.wait_dma2 semaphore(%arg24 : memref<!tpu.dma_semaphore, #tpu.memory_space<semaphore_mem>>) src(%dma_wait3A_81 : memref<64xi32, #tpu.memory_space<hbm>>) dst(%arg8 : memref<64xi32, #tpu.memory_space<vmem>>)
      %dma_start3A_82 = arith.constant 0 : i32
      %dma_start3A_83 = arith.constant 0 : i32
      %dma_start3A_84 = tpu.memref_slice %arg2[%dma_start3A_82, %dma_start3A_83] : memref<10000x128xf32, #tpu.memory_space<hbm>> -> memref<10000x128xf32, #tpu.memory_space<hbm>>
      tpu.enqueue_indirect_dma source(%dma_start3A_84 : memref<10000x128xf32, #tpu.memory_space<hbm>>) target(%arg18 : memref<64x128xf32, #tpu.memory_space<vmem>>) offsets(%arg8 : memref<64xi32, #tpu.memory_space<vmem>>) semaphore(%arg34 : memref<!tpu.dma_semaphore, #tpu.memory_space<semaphore_mem>>)
      %dma_wait3A_85 = arith.constant 0 : i32
      %dma_wait3A_86 = tpu.memref_slice %arg3[%dma_wait3A_85] : memref<327680xi32, #tpu.memory_space<hbm>> -> memref<64xi32, #tpu.memory_space<hbm>>
      %dma_wait3A_87 = arith.constant 0 : i32
      %dma_wait3A_88 = tpu.memref_slice %arg3[%dma_wait3A_87] : memref<327680xi32, #tpu.memory_space<hbm>> -> memref<64xi32, #tpu.memory_space<hbm>>
      tpu.wait_dma2 semaphore(%arg25 : memref<!tpu.dma_semaphore, #tpu.memory_space<semaphore_mem>>) src(%dma_wait3A_88 : memref<64xi32, #tpu.memory_space<hbm>>) dst(%arg9 : memref<64xi32, #tpu.memory_space<vmem>>)
      %dma_start3A_89 = arith.constant 0 : i32
      %dma_start3A_90 = arith.constant 0 : i32
      %dma_start3A_91 = tpu.memref_slice %arg2[%dma_start3A_89, %dma_start3A_90] : memref<10000x128xf32, #tpu.memory_space<hbm>> -> memref<10000x128xf32, #tpu.memory_space<hbm>>
      tpu.enqueue_indirect_dma source(%dma_start3A_91 : memref<10000x128xf32, #tpu.memory_space<hbm>>) target(%arg19 : memref<64x128xf32, #tpu.memory_space<vmem>>) offsets(%arg9 : memref<64xi32, #tpu.memory_space<vmem>>) semaphore(%arg35 : memref<!tpu.dma_semaphore, #tpu.memory_space<semaphore_mem>>)
      %dma_wait3A_92 = arith.constant 0 : i32
      %dma_wait3A_93 = tpu.memref_slice %arg3[%dma_wait3A_92] : memref<327680xi32, #tpu.memory_space<hbm>> -> memref<64xi32, #tpu.memory_space<hbm>>
      %dma_wait3A_94 = arith.constant 0 : i32
      %dma_wait3A_95 = tpu.memref_slice %arg3[%dma_wait3A_94] : memref<327680xi32, #tpu.memory_space<hbm>> -> memref<64xi32, #tpu.memory_space<hbm>>
      tpu.wait_dma2 semaphore(%arg26 : memref<!tpu.dma_semaphore, #tpu.memory_space<semaphore_mem>>) src(%dma_wait3A_95 : memref<64xi32, #tpu.memory_space<hbm>>) dst(%arg10 : memref<64xi32, #tpu.memory_space<vmem>>)
      %dma_start3A_96 = arith.constant 0 : i32
      %dma_start3A_97 = arith.constant 0 : i32
      %dma_start3A_98 = tpu.memref_slice %arg2[%dma_start3A_96, %dma_start3A_97] : memref<10000x128xf32, #tpu.memory_space<hbm>> -> memref<10000x128xf32, #tpu.memory_space<hbm>>
      tpu.enqueue_indirect_dma source(%dma_start3A_98 : memref<10000x128xf32, #tpu.memory_space<hbm>>) target(%arg20 : memref<64x128xf32, #tpu.memory_space<vmem>>) offsets(%arg10 : memref<64xi32, #tpu.memory_space<vmem>>) semaphore(%arg36 : memref<!tpu.dma_semaphore, #tpu.memory_space<semaphore_mem>>)
      %dma_wait3A_99 = arith.constant 0 : i32
      %dma_wait3A_100 = tpu.memref_slice %arg3[%dma_wait3A_99] : memref<327680xi32, #tpu.memory_space<hbm>> -> memref<64xi32, #tpu.memory_space<hbm>>
      %dma_wait3A_101 = arith.constant 0 : i32
      %dma_wait3A_102 = tpu.memref_slice %arg3[%dma_wait3A_101] : memref<327680xi32, #tpu.memory_space<hbm>> -> memref<64xi32, #tpu.memory_space<hbm>>
      tpu.wait_dma2 semaphore(%arg27 : memref<!tpu.dma_semaphore, #tpu.memory_space<semaphore_mem>>) src(%dma_wait3A_102 : memref<64xi32, #tpu.memory_space<hbm>>) dst(%arg11 : memref<64xi32, #tpu.memory_space<vmem>>)
      %dma_start3A_103 = arith.constant 0 : i32
      %dma_start3A_104 = arith.constant 0 : i32
      %dma_start3A_105 = tpu.memref_slice %arg2[%dma_start3A_103, %dma_start3A_104] : memref<10000x128xf32, #tpu.memory_space<hbm>> -> memref<10000x128xf32, #tpu.memory_space<hbm>>
      tpu.enqueue_indirect_dma source(%dma_start3A_105 : memref<10000x128xf32, #tpu.memory_space<hbm>>) target(%arg21 : memref<64x128xf32, #tpu.memory_space<vmem>>) offsets(%arg11 : memref<64xi32, #tpu.memory_space<vmem>>) semaphore(%arg37 : memref<!tpu.dma_semaphore, #tpu.memory_space<semaphore_mem>>)
      %dma_wait3A_106 = arith.constant 0 : i32
      %dma_wait3A_107 = arith.constant 0 : i32
      %dma_wait3A_108 = tpu.memref_slice %arg2[%dma_wait3A_106, %dma_wait3A_107] : memref<10000x128xf32, #tpu.memory_space<hbm>> -> memref<10000x128xf32, #tpu.memory_space<hbm>>
      tpu.wait_indirect_dma semaphore(%arg33 : memref<!tpu.dma_semaphore, #tpu.memory_space<semaphore_mem>>) src(%dma_wait3A_108 : memref<10000x128xf32, #tpu.memory_space<hbm>>) dst(%arg17 : memref<64x128xf32, #tpu.memory_space<vmem>>)
      %dma_wait3A_109 = arith.constant 0 : i32
      %dma_wait3A_110 = tpu.memref_slice %arg3[%dma_wait3A_109] : memref<327680xi32, #tpu.memory_space<hbm>> -> memref<64xi32, #tpu.memory_space<hbm>>
      %dma_wait3A_111 = arith.constant 0 : i32
      %dma_wait3A_112 = tpu.memref_slice %arg3[%dma_wait3A_111] : memref<327680xi32, #tpu.memory_space<hbm>> -> memref<64xi32, #tpu.memory_space<hbm>>
      tpu.wait_dma2 semaphore(%arg28 : memref<!tpu.dma_semaphore, #tpu.memory_space<semaphore_mem>>) src(%dma_wait3A_112 : memref<64xi32, #tpu.memory_space<hbm>>) dst(%arg12 : memref<64xi32, #tpu.memory_space<vmem>>)
      %dma_start3A_113 = arith.constant 0 : i32
      %dma_start3A_114 = arith.constant 0 : i32
      %dma_start3A_115 = tpu.memref_slice %arg22[%dma_start3A_113, %dma_start3A_114] : memref<10256x128xf32, #tpu.memory_space<vmem_shared>> -> memref<10256x128xf32, #tpu.memory_space<vmem_shared>>
      tpu.enqueue_indirect_dma source(%arg17 : memref<64x128xf32, #tpu.memory_space<vmem>>) target(%dma_start3A_115 : memref<10256x128xf32, #tpu.memory_space<vmem_shared>>) offsets(%arg12 : memref<64xi32, #tpu.memory_space<vmem>>) semaphore(%arg38 : memref<!tpu.dma_semaphore, #tpu.memory_space<semaphore_mem>>) {add = true}
      %dma_wait3A_116 = arith.constant 0 : i32
      %dma_wait3A_117 = arith.constant 0 : i32
      %dma_wait3A_118 = tpu.memref_slice %arg2[%dma_wait3A_116, %dma_wait3A_117] : memref<10000x128xf32, #tpu.memory_space<hbm>> -> memref<10000x128xf32, #tpu.memory_space<hbm>>
      tpu.wait_indirect_dma semaphore(%arg34 : memref<!tpu.dma_semaphore, #tpu.memory_space<semaphore_mem>>) src(%dma_wait3A_118 : memref<10000x128xf32, #tpu.memory_space<hbm>>) dst(%arg18 : memref<64x128xf32, #tpu.memory_space<vmem>>)
      %dma_wait3A_119 = arith.constant 0 : i32
      %dma_wait3A_120 = tpu.memref_slice %arg3[%dma_wait3A_119] : memref<327680xi32, #tpu.memory_space<hbm>> -> memref<64xi32, #tpu.memory_space<hbm>>
      %dma_wait3A_121 = arith.constant 0 : i32
      %dma_wait3A_122 = tpu.memref_slice %arg3[%dma_wait3A_121] : memref<327680xi32, #tpu.memory_space<hbm>> -> memref<64xi32, #tpu.memory_space<hbm>>
      tpu.wait_dma2 semaphore(%arg29 : memref<!tpu.dma_semaphore, #tpu.memory_space<semaphore_mem>>) src(%dma_wait3A_122 : memref<64xi32, #tpu.memory_space<hbm>>) dst(%arg13 : memref<64xi32, #tpu.memory_space<vmem>>)
      %dma_start3A_123 = arith.constant 0 : i32
      %dma_start3A_124 = arith.constant 0 : i32
      %dma_start3A_125 = tpu.memref_slice %arg22[%dma_start3A_123, %dma_start3A_124] : memref<10256x128xf32, #tpu.memory_space<vmem_shared>> -> memref<10256x128xf32, #tpu.memory_space<vmem_shared>>
      tpu.enqueue_indirect_dma source(%arg18 : memref<64x128xf32, #tpu.memory_space<vmem>>) target(%dma_start3A_125 : memref<10256x128xf32, #tpu.memory_space<vmem_shared>>) offsets(%arg13 : memref<64xi32, #tpu.memory_space<vmem>>) semaphore(%arg39 : memref<!tpu.dma_semaphore, #tpu.memory_space<semaphore_mem>>) {add = true}
      %dma_wait3A_126 = arith.constant 0 : i32
      %dma_wait3A_127 = arith.constant 0 : i32
      %dma_wait3A_128 = tpu.memref_slice %arg2[%dma_wait3A_126, %dma_wait3A_127] : memref<10000x128xf32, #tpu.memory_space<hbm>> -> memref<10000x128xf32, #tpu.memory_space<hbm>>
      tpu.wait_indirect_dma semaphore(%arg35 : memref<!tpu.dma_semaphore, #tpu.memory_space<semaphore_mem>>) src(%dma_wait3A_128 : memref<10000x128xf32, #tpu.memory_space<hbm>>) dst(%arg19 : memref<64x128xf32, #tpu.memory_space<vmem>>)
      %dma_wait3A_129 = arith.constant 0 : i32
      %dma_wait3A_130 = tpu.memref_slice %arg3[%dma_wait3A_129] : memref<327680xi32, #tpu.memory_space<hbm>> -> memref<64xi32, #tpu.memory_space<hbm>>
      %dma_wait3A_131 = arith.constant 0 : i32
      %dma_wait3A_132 = tpu.memref_slice %arg3[%dma_wait3A_131] : memref<327680xi32, #tpu.memory_space<hbm>> -> memref<64xi32, #tpu.memory_space<hbm>>
      tpu.wait_dma2 semaphore(%arg30 : memref<!tpu.dma_semaphore, #tpu.memory_space<semaphore_mem>>) src(%dma_wait3A_132 : memref<64xi32, #tpu.memory_space<hbm>>) dst(%arg14 : memref<64xi32, #tpu.memory_space<vmem>>)
      %dma_start3A_133 = arith.constant 0 : i32
      %dma_start3A_134 = arith.constant 0 : i32
      %dma_start3A_135 = tpu.memref_slice %arg22[%dma_start3A_133, %dma_start3A_134] : memref<10256x128xf32, #tpu.memory_space<vmem_shared>> -> memref<10256x128xf32, #tpu.memory_space<vmem_shared>>
      tpu.enqueue_indirect_dma source(%arg19 : memref<64x128xf32, #tpu.memory_space<vmem>>) target(%dma_start3A_135 : memref<10256x128xf32, #tpu.memory_space<vmem_shared>>) offsets(%arg14 : memref<64xi32, #tpu.memory_space<vmem>>) semaphore(%arg40 : memref<!tpu.dma_semaphore, #tpu.memory_space<semaphore_mem>>) {add = true}
      %dma_wait3A_136 = arith.constant 0 : i32
      %dma_wait3A_137 = arith.constant 0 : i32
      %dma_wait3A_138 = tpu.memref_slice %arg2[%dma_wait3A_136, %dma_wait3A_137] : memref<10000x128xf32, #tpu.memory_space<hbm>> -> memref<10000x128xf32, #tpu.memory_space<hbm>>
      tpu.wait_indirect_dma semaphore(%arg36 : memref<!tpu.dma_semaphore, #tpu.memory_space<semaphore_mem>>) src(%dma_wait3A_138 : memref<10000x128xf32, #tpu.memory_space<hbm>>) dst(%arg20 : memref<64x128xf32, #tpu.memory_space<vmem>>)
      %dma_wait3A_139 = arith.constant 0 : i32
      %dma_wait3A_140 = tpu.memref_slice %arg3[%dma_wait3A_139] : memref<327680xi32, #tpu.memory_space<hbm>> -> memref<64xi32, #tpu.memory_space<hbm>>
      %dma_wait3A_141 = arith.constant 0 : i32
      %dma_wait3A_142 = tpu.memref_slice %arg3[%dma_wait3A_141] : memref<327680xi32, #tpu.memory_space<hbm>> -> memref<64xi32, #tpu.memory_space<hbm>>
      tpu.wait_dma2 semaphore(%arg31 : memref<!tpu.dma_semaphore, #tpu.memory_space<semaphore_mem>>) src(%dma_wait3A_142 : memref<64xi32, #tpu.memory_space<hbm>>) dst(%arg15 : memref<64xi32, #tpu.memory_space<vmem>>)
      %dma_start3A_143 = arith.constant 0 : i32
      %dma_start3A_144 = arith.constant 0 : i32
      %dma_start3A_145 = tpu.memref_slice %arg22[%dma_start3A_143, %dma_start3A_144] : memref<10256x128xf32, #tpu.memory_space<vmem_shared>> -> memref<10256x128xf32, #tpu.memory_space<vmem_shared>>
      tpu.enqueue_indirect_dma source(%arg20 : memref<64x128xf32, #tpu.memory_space<vmem>>) target(%dma_start3A_145 : memref<10256x128xf32, #tpu.memory_space<vmem_shared>>) offsets(%arg15 : memref<64xi32, #tpu.memory_space<vmem>>) semaphore(%arg41 : memref<!tpu.dma_semaphore, #tpu.memory_space<semaphore_mem>>) {add = true}
      %dma_wait3A_146 = arith.constant 0 : i32
      %dma_wait3A_147 = arith.constant 0 : i32
      %dma_wait3A_148 = tpu.memref_slice %arg2[%dma_wait3A_146, %dma_wait3A_147] : memref<10000x128xf32, #tpu.memory_space<hbm>> -> memref<10000x128xf32, #tpu.memory_space<hbm>>
      tpu.wait_indirect_dma semaphore(%arg37 : memref<!tpu.dma_semaphore, #tpu.memory_space<semaphore_mem>>) src(%dma_wait3A_148 : memref<10000x128xf32, #tpu.memory_space<hbm>>) dst(%arg21 : memref<64x128xf32, #tpu.memory_space<vmem>>)
      %dma_wait3A_149 = arith.constant 0 : i32
      %dma_wait3A_150 = tpu.memref_slice %arg3[%dma_wait3A_149] : memref<327680xi32, #tpu.memory_space<hbm>> -> memref<64xi32, #tpu.memory_space<hbm>>
      %dma_wait3A_151 = arith.constant 0 : i32
      %dma_wait3A_152 = tpu.memref_slice %arg3[%dma_wait3A_151] : memref<327680xi32, #tpu.memory_space<hbm>> -> memref<64xi32, #tpu.memory_space<hbm>>
      tpu.wait_dma2 semaphore(%arg32 : memref<!tpu.dma_semaphore, #tpu.memory_space<semaphore_mem>>) src(%dma_wait3A_152 : memref<64xi32, #tpu.memory_space<hbm>>) dst(%arg16 : memref<64xi32, #tpu.memory_space<vmem>>)
      %dma_start3A_153 = arith.constant 0 : i32
      %dma_start3A_154 = arith.constant 0 : i32
      %dma_start3A_155 = tpu.memref_slice %arg22[%dma_start3A_153, %dma_start3A_154] : memref<10256x128xf32, #tpu.memory_space<vmem_shared>> -> memref<10256x128xf32, #tpu.memory_space<vmem_shared>>
      tpu.enqueue_indirect_dma source(%arg21 : memref<64x128xf32, #tpu.memory_space<vmem>>) target(%dma_start3A_155 : memref<10256x128xf32, #tpu.memory_space<vmem_shared>>) offsets(%arg16 : memref<64xi32, #tpu.memory_space<vmem>>) semaphore(%arg42 : memref<!tpu.dma_semaphore, #tpu.memory_space<semaphore_mem>>) {add = true}
      %dma_wait3A_156 = arith.constant 0 : i32
      %dma_wait3A_157 = arith.constant 0 : i32
      %dma_wait3A_158 = tpu.memref_slice %arg22[%dma_wait3A_156, %dma_wait3A_157] : memref<10256x128xf32, #tpu.memory_space<vmem_shared>> -> memref<10256x128xf32, #tpu.memory_space<vmem_shared>>
      tpu.wait_indirect_dma semaphore(%arg38 : memref<!tpu.dma_semaphore, #tpu.memory_space<semaphore_mem>>) src(%arg17 : memref<64x128xf32, #tpu.memory_space<vmem>>) dst(%dma_wait3A_158 : memref<10256x128xf32, #tpu.memory_space<vmem_shared>>)
      %add3A_159 = arith.constant 0 : i32
      %add3A_160 = arith.addi %add3A_71, %add3A_159 : i32
      %add3A_161 = arith.constant 5 : i32
      %add3A_162 = arith.addi %add3A_160, %add3A_161 : i32
      %lt3A_163 = arith.constant 160 : i32
      %lt3A_164 = arith.cmpi slt, %add3A_162, %lt3A_163 : i32
      %convert_element_type3A_165 = arith.extui %lt3A_164 : i1 to i32
      %cond3A_166 = arith.constant 0 : i32
      %cond3A_167 = arith.cmpi ne, %convert_element_type3A_165, %cond3A_166 : i32
      scf.if %cond3A_167 {
        %add3A_216 = arith.constant 0 : i32
        %add3A_217 = arith.addi %add3A_71, %add3A_216 : i32
        %add3A_218 = arith.constant 5 : i32
        %add3A_219 = arith.addi %add3A_217, %add3A_218 : i32
        %mul3A_220 = arith.constant 64 : i32
        %mul3A_221 = arith.muli %add3A_219, %mul3A_220 : i32
        %add3A_222 = arith.addi %multiple_of3A_11, %mul3A_221 : i32
        %multiple_of3A_223 = tpu.assume_multiple %add3A_222, 8 : i32
        %dma_start3A_224 = tpu.memref_slice %arg3[%multiple_of3A_223] : memref<327680xi32, #tpu.memory_space<hbm>> -> memref<64xi32, #tpu.memory_space<hbm>>
        %dma_start3A_225 = tpu.memref_slice %arg3[%multiple_of3A_223] : memref<327680xi32, #tpu.memory_space<hbm>> -> memref<64xi32, #tpu.memory_space<hbm>>
        tpu.enqueue_dma source(%dma_start3A_225 : memref<64xi32, #tpu.memory_space<hbm>>) target(%arg7 : memref<64xi32, #tpu.memory_space<vmem>>) target_semaphore(%arg23 : memref<!tpu.dma_semaphore, #tpu.memory_space<semaphore_mem>>)
        %dma_start3A_226 = tpu.memref_slice %arg4[%multiple_of3A_223] : memref<327680xi32, #tpu.memory_space<hbm>> -> memref<64xi32, #tpu.memory_space<hbm>>
        %dma_start3A_227 = tpu.memref_slice %arg4[%multiple_of3A_223] : memref<327680xi32, #tpu.memory_space<hbm>> -> memref<64xi32, #tpu.memory_space<hbm>>
        tpu.enqueue_dma source(%dma_start3A_227 : memref<64xi32, #tpu.memory_space<hbm>>) target(%arg12 : memref<64xi32, #tpu.memory_space<vmem>>) target_semaphore(%arg28 : memref<!tpu.dma_semaphore, #tpu.memory_space<semaphore_mem>>)
      } else {
      }
      %dma_wait3A_168 = arith.constant 0 : i32
      %dma_wait3A_169 = arith.constant 0 : i32
      %dma_wait3A_170 = tpu.memref_slice %arg22[%dma_wait3A_168, %dma_wait3A_169] : memref<10256x128xf32, #tpu.memory_space<vmem_shared>> -> memref<10256x128xf32, #tpu.memory_space<vmem_shared>>
      tpu.wait_indirect_dma semaphore(%arg39 : memref<!tpu.dma_semaphore, #tpu.memory_space<semaphore_mem>>) src(%arg18 : memref<64x128xf32, #tpu.memory_space<vmem>>) dst(%dma_wait3A_170 : memref<10256x128xf32, #tpu.memory_space<vmem_shared>>)
      %add3A_171 = arith.constant 1 : i32
      %add3A_172 = arith.addi %add3A_71, %add3A_171 : i32
      %add3A_173 = arith.constant 5 : i32
      %add3A_174 = arith.addi %add3A_172, %add3A_173 : i32
      %lt3A_175 = arith.constant 160 : i32
      %lt3A_176 = arith.cmpi slt, %add3A_174, %lt3A_175 : i32
      %convert_element_type3A_177 = arith.extui %lt3A_176 : i1 to i32
      %cond3A_178 = arith.constant 0 : i32
      %cond3A_179 = arith.cmpi ne, %convert_element_type3A_177, %cond3A_178 : i32
      scf.if %cond3A_179 {
        %add3A_216 = arith.constant 1 : i32
        %add3A_217 = arith.addi %add3A_71, %add3A_216 : i32
        %add3A_218 = arith.constant 5 : i32
        %add3A_219 = arith.addi %add3A_217, %add3A_218 : i32
        %mul3A_220 = arith.constant 64 : i32
        %mul3A_221 = arith.muli %add3A_219, %mul3A_220 : i32
        %add3A_222 = arith.addi %multiple_of3A_11, %mul3A_221 : i32
        %multiple_of3A_223 = tpu.assume_multiple %add3A_222, 8 : i32
        %dma_start3A_224 = tpu.memref_slice %arg3[%multiple_of3A_223] : memref<327680xi32, #tpu.memory_space<hbm>> -> memref<64xi32, #tpu.memory_space<hbm>>
        %dma_start3A_225 = tpu.memref_slice %arg3[%multiple_of3A_223] : memref<327680xi32, #tpu.memory_space<hbm>> -> memref<64xi32, #tpu.memory_space<hbm>>
        tpu.enqueue_dma source(%dma_start3A_225 : memref<64xi32, #tpu.memory_space<hbm>>) target(%arg8 : memref<64xi32, #tpu.memory_space<vmem>>) target_semaphore(%arg24 : memref<!tpu.dma_semaphore, #tpu.memory_space<semaphore_mem>>)
        %dma_start3A_226 = tpu.memref_slice %arg4[%multiple_of3A_223] : memref<327680xi32, #tpu.memory_space<hbm>> -> memref<64xi32, #tpu.memory_space<hbm>>
        %dma_start3A_227 = tpu.memref_slice %arg4[%multiple_of3A_223] : memref<327680xi32, #tpu.memory_space<hbm>> -> memref<64xi32, #tpu.memory_space<hbm>>
        tpu.enqueue_dma source(%dma_start3A_227 : memref<64xi32, #tpu.memory_space<hbm>>) target(%arg13 : memref<64xi32, #tpu.memory_space<vmem>>) target_semaphore(%arg29 : memref<!tpu.dma_semaphore, #tpu.memory_space<semaphore_mem>>)
      } else {
      }
      %dma_wait3A_180 = arith.constant 0 : i32
      %dma_wait3A_181 = arith.constant 0 : i32
      %dma_wait3A_182 = tpu.memref_slice %arg22[%dma_wait3A_180, %dma_wait3A_181] : memref<10256x128xf32, #tpu.memory_space<vmem_shared>> -> memref<10256x128xf32, #tpu.memory_space<vmem_shared>>
      tpu.wait_indirect_dma semaphore(%arg40 : memref<!tpu.dma_semaphore, #tpu.memory_space<semaphore_mem>>) src(%arg19 : memref<64x128xf32, #tpu.memory_space<vmem>>) dst(%dma_wait3A_182 : memref<10256x128xf32, #tpu.memory_space<vmem_shared>>)
      %add3A_183 = arith.constant 2 : i32
      %add3A_184 = arith.addi %add3A_71, %add3A_183 : i32
      %add3A_185 = arith.constant 5 : i32
      %add3A_186 = arith.addi %add3A_184, %add3A_185 : i32
      %lt3A_187 = arith.constant 160 : i32
      %lt3A_188 = arith.cmpi slt, %add3A_186, %lt3A_187 : i32
      %convert_element_type3A_189 = arith.extui %lt3A_188 : i1 to i32
      %cond3A_190 = arith.constant 0 : i32
      %cond3A_191 = arith.cmpi ne, %convert_element_type3A_189, %cond3A_190 : i32
      scf.if %cond3A_191 {
        %add3A_216 = arith.constant 2 : i32
        %add3A_217 = arith.addi %add3A_71, %add3A_216 : i32
        %add3A_218 = arith.constant 5 : i32
        %add3A_219 = arith.addi %add3A_217, %add3A_218 : i32
        %mul3A_220 = arith.constant 64 : i32
        %mul3A_221 = arith.muli %add3A_219, %mul3A_220 : i32
        %add3A_222 = arith.addi %multiple_of3A_11, %mul3A_221 : i32
        %multiple_of3A_223 = tpu.assume_multiple %add3A_222, 8 : i32
        %dma_start3A_224 = tpu.memref_slice %arg3[%multiple_of3A_223] : memref<327680xi32, #tpu.memory_space<hbm>> -> memref<64xi32, #tpu.memory_space<hbm>>
        %dma_start3A_225 = tpu.memref_slice %arg3[%multiple_of3A_223] : memref<327680xi32, #tpu.memory_space<hbm>> -> memref<64xi32, #tpu.memory_space<hbm>>
        tpu.enqueue_dma source(%dma_start3A_225 : memref<64xi32, #tpu.memory_space<hbm>>) target(%arg9 : memref<64xi32, #tpu.memory_space<vmem>>) target_semaphore(%arg25 : memref<!tpu.dma_semaphore, #tpu.memory_space<semaphore_mem>>)
        %dma_start3A_226 = tpu.memref_slice %arg4[%multiple_of3A_223] : memref<327680xi32, #tpu.memory_space<hbm>> -> memref<64xi32, #tpu.memory_space<hbm>>
        %dma_start3A_227 = tpu.memref_slice %arg4[%multiple_of3A_223] : memref<327680xi32, #tpu.memory_space<hbm>> -> memref<64xi32, #tpu.memory_space<hbm>>
        tpu.enqueue_dma source(%dma_start3A_227 : memref<64xi32, #tpu.memory_space<hbm>>) target(%arg14 : memref<64xi32, #tpu.memory_space<vmem>>) target_semaphore(%arg30 : memref<!tpu.dma_semaphore, #tpu.memory_space<semaphore_mem>>)
      } else {
      }
      %dma_wait3A_192 = arith.constant 0 : i32
      %dma_wait3A_193 = arith.constant 0 : i32
      %dma_wait3A_194 = tpu.memref_slice %arg22[%dma_wait3A_192, %dma_wait3A_193] : memref<10256x128xf32, #tpu.memory_space<vmem_shared>> -> memref<10256x128xf32, #tpu.memory_space<vmem_shared>>
      tpu.wait_indirect_dma semaphore(%arg41 : memref<!tpu.dma_semaphore, #tpu.memory_space<semaphore_mem>>) src(%arg20 : memref<64x128xf32, #tpu.memory_space<vmem>>) dst(%dma_wait3A_194 : memref<10256x128xf32, #tpu.memory_space<vmem_shared>>)
      %add3A_195 = arith.constant 3 : i32
      %add3A_196 = arith.addi %add3A_71, %add3A_195 : i32
      %add3A_197 = arith.constant 5 : i32
      %add3A_198 = arith.addi %add3A_196, %add3A_197 : i32
      %lt3A_199 = arith.constant 160 : i32
      %lt3A_200 = arith.cmpi slt, %add3A_198, %lt3A_199 : i32
      %convert_element_type3A_201 = arith.extui %lt3A_200 : i1 to i32
      %cond3A_202 = arith.constant 0 : i32
      %cond3A_203 = arith.cmpi ne, %convert_element_type3A_201, %cond3A_202 : i32
      scf.if %cond3A_203 {
        %add3A_216 = arith.constant 3 : i32
        %add3A_217 = arith.addi %add3A_71, %add3A_216 : i32
        %add3A_218 = arith.constant 5 : i32
        %add3A_219 = arith.addi %add3A_217, %add3A_218 : i32
        %mul3A_220 = arith.constant 64 : i32
        %mul3A_221 = arith.muli %add3A_219, %mul3A_220 : i32
        %add3A_222 = arith.addi %multiple_of3A_11, %mul3A_221 : i32
        %multiple_of3A_223 = tpu.assume_multiple %add3A_222, 8 : i32
        %dma_start3A_224 = tpu.memref_slice %arg3[%multiple_of3A_223] : memref<327680xi32, #tpu.memory_space<hbm>> -> memref<64xi32, #tpu.memory_space<hbm>>
        %dma_start3A_225 = tpu.memref_slice %arg3[%multiple_of3A_223] : memref<327680xi32, #tpu.memory_space<hbm>> -> memref<64xi32, #tpu.memory_space<hbm>>
        tpu.enqueue_dma source(%dma_start3A_225 : memref<64xi32, #tpu.memory_space<hbm>>) target(%arg10 : memref<64xi32, #tpu.memory_space<vmem>>) target_semaphore(%arg26 : memref<!tpu.dma_semaphore, #tpu.memory_space<semaphore_mem>>)
        %dma_start3A_226 = tpu.memref_slice %arg4[%multiple_of3A_223] : memref<327680xi32, #tpu.memory_space<hbm>> -> memref<64xi32, #tpu.memory_space<hbm>>
        %dma_start3A_227 = tpu.memref_slice %arg4[%multiple_of3A_223] : memref<327680xi32, #tpu.memory_space<hbm>> -> memref<64xi32, #tpu.memory_space<hbm>>
        tpu.enqueue_dma source(%dma_start3A_227 : memref<64xi32, #tpu.memory_space<hbm>>) target(%arg15 : memref<64xi32, #tpu.memory_space<vmem>>) target_semaphore(%arg31 : memref<!tpu.dma_semaphore, #tpu.memory_space<semaphore_mem>>)
      } else {
      }
      %dma_wait3A_204 = arith.constant 0 : i32
      %dma_wait3A_205 = arith.constant 0 : i32
      %dma_wait3A_206 = tpu.memref_slice %arg22[%dma_wait3A_204, %dma_wait3A_205] : memref<10256x128xf32, #tpu.memory_space<vmem_shared>> -> memref<10256x128xf32, #tpu.memory_space<vmem_shared>>
      tpu.wait_indirect_dma semaphore(%arg42 : memref<!tpu.dma_semaphore, #tpu.memory_space<semaphore_mem>>) src(%arg21 : memref<64x128xf32, #tpu.memory_space<vmem>>) dst(%dma_wait3A_206 : memref<10256x128xf32, #tpu.memory_space<vmem_shared>>)
      %add3A_207 = arith.constant 4 : i32
      %add3A_208 = arith.addi %add3A_71, %add3A_207 : i32
      %add3A_209 = arith.constant 5 : i32
      %add3A_210 = arith.addi %add3A_208, %add3A_209 : i32
      %lt3A_211 = arith.constant 160 : i32
      %lt3A_212 = arith.cmpi slt, %add3A_210, %lt3A_211 : i32
      %convert_element_type3A_213 = arith.extui %lt3A_212 : i1 to i32
      %cond3A_214 = arith.constant 0 : i32
      %cond3A_215 = arith.cmpi ne, %convert_element_type3A_213, %cond3A_214 : i32
      scf.if %cond3A_215 {
        %add3A_216 = arith.constant 4 : i32
        %add3A_217 = arith.addi %add3A_71, %add3A_216 : i32
        %add3A_218 = arith.constant 5 : i32
        %add3A_219 = arith.addi %add3A_217, %add3A_218 : i32
        %mul3A_220 = arith.constant 64 : i32
        %mul3A_221 = arith.muli %add3A_219, %mul3A_220 : i32
        %add3A_222 = arith.addi %multiple_of3A_11, %mul3A_221 : i32
        %multiple_of3A_223 = tpu.assume_multiple %add3A_222, 8 : i32
        %dma_start3A_224 = tpu.memref_slice %arg3[%multiple_of3A_223] : memref<327680xi32, #tpu.memory_space<hbm>> -> memref<64xi32, #tpu.memory_space<hbm>>
        %dma_start3A_225 = tpu.memref_slice %arg3[%multiple_of3A_223] : memref<327680xi32, #tpu.memory_space<hbm>> -> memref<64xi32, #tpu.memory_space<hbm>>
        tpu.enqueue_dma source(%dma_start3A_225 : memref<64xi32, #tpu.memory_space<hbm>>) target(%arg11 : memref<64xi32, #tpu.memory_space<vmem>>) target_semaphore(%arg27 : memref<!tpu.dma_semaphore, #tpu.memory_space<semaphore_mem>>)
        %dma_start3A_226 = tpu.memref_slice %arg4[%multiple_of3A_223] : memref<327680xi32, #tpu.memory_space<hbm>> -> memref<64xi32, #tpu.memory_space<hbm>>
        %dma_start3A_227 = tpu.memref_slice %arg4[%multiple_of3A_223] : memref<327680xi32, #tpu.memory_space<hbm>> -> memref<64xi32, #tpu.memory_space<hbm>>
        tpu.enqueue_dma source(%dma_start3A_227 : memref<64xi32, #tpu.memory_space<hbm>>) target(%arg16 : memref<64xi32, #tpu.memory_space<vmem>>) target_semaphore(%arg32 : memref<!tpu.dma_semaphore, #tpu.memory_space<semaphore_mem>>)
      } else {
      }
    }
    %scan3A_49 = arith.constant 32 : i32
    %barrier3A_50 = arith.constant 0 : index
    tpu.barrier barrier_id(%barrier3A_50)
    %mul3A_51 = arith.constant 10000 : i32
    %mul3A_52 = arith.muli %arg0, %mul3A_51 : i32
    %mul3A_53 = arith.constant 640 : i32
    %mul3A_54 = arith.muli %arg1, %mul3A_53 : i32
    %add3A_55 = arith.addi %mul3A_52, %mul3A_54 : i32
    %multiple_of3A_56 = tpu.assume_multiple %add3A_55, 8 : i32
    %lt3A_57 = arith.constant 15 : i32
    %lt3A_58 = arith.cmpi slt, %arg1, %lt3A_57 : i32
    %convert_element_type3A_59 = arith.extui %lt3A_58 : i1 to i32
    %cond3A_60 = arith.constant 0 : i32
    %cond3A_61 = arith.cmpi ne, %convert_element_type3A_59, %cond3A_60 : i32
    scf.if %cond3A_61 {
      "tpu.region"() ({
        %run_scoped3A = tpu.sem_alloc : memref<!tpu.dma_semaphore, #tpu.memory_space<semaphore_mem>>
        %dma_start3A_67 = arith.constant 0 : i32
        %dma_start3A_68 = tpu.memref_slice %arg6[%multiple_of3A_56, %dma_start3A_67] : memref<20000x128xf32, #tpu.memory_space<hbm>> -> memref<640x128xf32, #tpu.memory_space<hbm>>
        %dma_start3A_69 = arith.constant 0 : i32
        %dma_start3A_70 = tpu.memref_slice %arg22[%multiple_of3A, %dma_start3A_69] : memref<10256x128xf32, #tpu.memory_space<vmem_shared>> -> memref<640x128xf32, #tpu.memory_space<vmem_shared>>
        tpu.enqueue_dma source(%dma_start3A_70 : memref<640x128xf32, #tpu.memory_space<vmem_shared>>) target(%dma_start3A_68 : memref<640x128xf32, #tpu.memory_space<hbm>>) target_semaphore(%run_scoped3A : memref<!tpu.dma_semaphore, #tpu.memory_space<semaphore_mem>>)
        %dma_wait3A = arith.constant 0 : i32
        %dma_wait3A_71 = tpu.memref_slice %arg6[%multiple_of3A_56, %dma_wait3A] : memref<20000x128xf32, #tpu.memory_space<hbm>> -> memref<640x128xf32, #tpu.memory_space<hbm>>
        %dma_wait3A_72 = arith.constant 0 : i32
        %dma_wait3A_73 = tpu.memref_slice %arg22[%multiple_of3A, %dma_wait3A_72] : memref<10256x128xf32, #tpu.memory_space<vmem_shared>> -> memref<640x128xf32, #tpu.memory_space<vmem_shared>>
        tpu.wait_dma2 semaphore(%run_scoped3A : memref<!tpu.dma_semaphore, #tpu.memory_space<semaphore_mem>>) src(%dma_wait3A_73 : memref<640x128xf32, #tpu.memory_space<vmem_shared>>) dst(%dma_wait3A_71 : memref<640x128xf32, #tpu.memory_space<hbm>>)
        tpu.yield
      }) : () -> ()
    } else {
    }
    %eq3A_62 = arith.constant 15 : i32
    %eq3A_63 = arith.cmpi eq, %arg1, %eq3A_62 : i32
    %convert_element_type3A_64 = arith.extui %eq3A_63 : i1 to i32
    %cond3A_65 = arith.constant 0 : i32
    %cond3A_66 = arith.cmpi ne, %convert_element_type3A_64, %cond3A_65 : i32
    scf.if %cond3A_66 {
      "tpu.region"() ({
        %run_scoped3A = tpu.sem_alloc : memref<!tpu.dma_semaphore, #tpu.memory_space<semaphore_mem>>
        %dma_start3A_67 = arith.constant 0 : i32
        %dma_start3A_68 = tpu.memref_slice %arg6[%multiple_of3A_56, %dma_start3A_67] : memref<20000x128xf32, #tpu.memory_space<hbm>> -> memref<400x128xf32, #tpu.memory_space<hbm>>
        %dma_start3A_69 = arith.constant 0 : i32
        %dma_start3A_70 = tpu.memref_slice %arg22[%multiple_of3A, %dma_start3A_69] : memref<10256x128xf32, #tpu.memory_space<vmem_shared>> -> memref<400x128xf32, #tpu.memory_space<vmem_shared>>
        tpu.enqueue_dma source(%dma_start3A_70 : memref<400x128xf32, #tpu.memory_space<vmem_shared>>) target(%dma_start3A_68 : memref<400x128xf32, #tpu.memory_space<hbm>>) target_semaphore(%run_scoped3A : memref<!tpu.dma_semaphore, #tpu.memory_space<semaphore_mem>>)
        %dma_wait3A = arith.constant 0 : i32
        %dma_wait3A_71 = tpu.memref_slice %arg6[%multiple_of3A_56, %dma_wait3A] : memref<20000x128xf32, #tpu.memory_space<hbm>> -> memref<400x128xf32, #tpu.memory_space<hbm>>
        %dma_wait3A_72 = arith.constant 0 : i32
        %dma_wait3A_73 = tpu.memref_slice %arg22[%multiple_of3A, %dma_wait3A_72] : memref<10256x128xf32, #tpu.memory_space<vmem_shared>> -> memref<400x128xf32, #tpu.memory_space<vmem_shared>>
        tpu.wait_dma2 semaphore(%run_scoped3A : memref<!tpu.dma_semaphore, #tpu.memory_space<semaphore_mem>>) src(%dma_wait3A_73 : memref<400x128xf32, #tpu.memory_space<vmem_shared>>) dst(%dma_wait3A_71 : memref<400x128xf32, #tpu.memory_space<hbm>>)
        tpu.yield
      }) : () -> ()
    } else {
    }
    return
  }
}

#map = affine_map<(d0, d1) -> (0, 0)>
#map1 = affine_map<(d0, d1) -> (0)>
module attributes {stable_mosaic.version = 14 : i64} {
  func.func @_agg_body(%arg0: i32, %arg1: i32, %arg2: memref<10000x128xf32, #tpu.memory_space<hbm>>, %arg3: memref<327680xi32, #tpu.memory_space<hbm>>, %arg4: memref<327680xi32, #tpu.memory_space<hbm>>, %arg5: memref<10000x128xf32, #tpu.memory_space<hbm>>, %arg6: memref<20000x128xf32, #tpu.memory_space<hbm>>, %arg7: memref<64xi32, #tpu.memory_space<vmem>>, %arg8: memref<64xi32, #tpu.memory_space<vmem>>, %arg9: memref<64xi32, #tpu.memory_space<vmem>>, %arg10: memref<64xi32, #tpu.memory_space<vmem>>, %arg11: memref<64xi32, #tpu.memory_space<vmem>>, %arg12: memref<64xi32, #tpu.memory_space<vmem>>, %arg13: memref<64xi32, #tpu.memory_space<vmem>>, %arg14: memref<64xi32, #tpu.memory_space<vmem>>, %arg15: memref<64xi32, #tpu.memory_space<vmem>>, %arg16: memref<64xi32, #tpu.memory_space<vmem>>, %arg17: memref<64x128xf32, #tpu.memory_space<vmem>>, %arg18: memref<64x128xf32, #tpu.memory_space<vmem>>, %arg19: memref<64x128xf32, #tpu.memory_space<vmem>>, %arg20: memref<64x128xf32, #tpu.memory_space<vmem>>, %arg21: memref<64x128xf32, #tpu.memory_space<vmem>>, %arg22: memref<10256x128xf32, #tpu.memory_space<vmem_shared>>, %arg23: memref<!tpu.dma_semaphore, #tpu.memory_space<semaphore_mem>>, %arg24: memref<!tpu.dma_semaphore, #tpu.memory_space<semaphore_mem>>, %arg25: memref<!tpu.dma_semaphore, #tpu.memory_space<semaphore_mem>>, %arg26: memref<!tpu.dma_semaphore, #tpu.memory_space<semaphore_mem>>, %arg27: memref<!tpu.dma_semaphore, #tpu.memory_space<semaphore_mem>>, %arg28: memref<!tpu.dma_semaphore, #tpu.memory_space<semaphore_mem>>, %arg29: memref<!tpu.dma_semaphore, #tpu.memory_space<semaphore_mem>>, %arg30: memref<!tpu.dma_semaphore, #tpu.memory_space<semaphore_mem>>, %arg31: memref<!tpu.dma_semaphore, #tpu.memory_space<semaphore_mem>>, %arg32: memref<!tpu.dma_semaphore, #tpu.memory_space<semaphore_mem>>, %arg33: memref<!tpu.dma_semaphore, #tpu.memory_space<semaphore_mem>>, %arg34: memref<!tpu.dma_semaphore, #tpu.memory_space<semaphore_mem>>, %arg35: memref<!tpu.dma_semaphore, #tpu.memory_space<semaphore_mem>>, %arg36: memref<!tpu.dma_semaphore, #tpu.memory_space<semaphore_mem>>, %arg37: memref<!tpu.dma_semaphore, #tpu.memory_space<semaphore_mem>>, %arg38: memref<!tpu.dma_semaphore, #tpu.memory_space<semaphore_mem>>, %arg39: memref<!tpu.dma_semaphore, #tpu.memory_space<semaphore_mem>>, %arg40: memref<!tpu.dma_semaphore, #tpu.memory_space<semaphore_mem>>, %arg41: memref<!tpu.dma_semaphore, #tpu.memory_space<semaphore_mem>>, %arg42: memref<!tpu.dma_semaphore, #tpu.memory_space<semaphore_mem>>) attributes {dimension_semantics = [#tpu.dimension_semantics<core_parallel>, #tpu.dimension_semantics<subcore_parallel>], iteration_bounds = array<i64: 2, 16>, scalar_prefetch = 0 : i64, scratch_operands = 36 : i64, tpu.core_type = #tpu.core_type<sc_vector_subcore>, window_params = [{transform_indices = #map}, {transform_indices = #map1}, {transform_indices = #map1}, {transform_indices = #map}, {transform_indices = #map}]} {
    %mul3A = arith.constant 2 : i32
    %mul3A_0 = arith.muli %arg1, %mul3A : i32
    %add3A = arith.addi %mul3A_0, %arg0 : i32
    %mul3A_1 = arith.constant 640 : i32
    %mul3A_2 = arith.muli %arg1, %mul3A_1 : i32
    %multiple_of3A = tpu.assume_multiple %mul3A_2, 8 : i32
    %lt3A = arith.constant 15 : i32
    %lt3A_3 = arith.cmpi slt, %arg1, %lt3A : i32
    %convert_element_type3A = arith.extui %lt3A_3 : i1 to i32
    %cond3A = arith.constant 0 : i32
    %cond3A_4 = arith.cmpi ne, %convert_element_type3A, %cond3A : i32
    scf.if %cond3A_4 {
      "tpu.region"() ({
        %run_scoped3A = tpu.sem_alloc : memref<!tpu.dma_semaphore, #tpu.memory_space<semaphore_mem>>
        %dma_start3A_67 = arith.constant 0 : i32
        %dma_start3A_68 = tpu.memref_slice %arg22[%multiple_of3A, %dma_start3A_67] : memref<10256x128xf32, #tpu.memory_space<vmem_shared>> -> memref<640x128xf32, #tpu.memory_space<vmem_shared>>
        %dma_start3A_69 = arith.constant 0 : i32
        %dma_start3A_70 = tpu.memref_slice %arg5[%multiple_of3A, %dma_start3A_69] : memref<10000x128xf32, #tpu.memory_space<hbm>> -> memref<640x128xf32, #tpu.memory_space<hbm>>
        tpu.enqueue_dma source(%dma_start3A_70 : memref<640x128xf32, #tpu.memory_space<hbm>>) target(%dma_start3A_68 : memref<640x128xf32, #tpu.memory_space<vmem_shared>>) target_semaphore(%run_scoped3A : memref<!tpu.dma_semaphore, #tpu.memory_space<semaphore_mem>>)
        %dma_wait3A = arith.constant 0 : i32
        %dma_wait3A_71 = tpu.memref_slice %arg22[%multiple_of3A, %dma_wait3A] : memref<10256x128xf32, #tpu.memory_space<vmem_shared>> -> memref<640x128xf32, #tpu.memory_space<vmem_shared>>
        %dma_wait3A_72 = arith.constant 0 : i32
        %dma_wait3A_73 = tpu.memref_slice %arg5[%multiple_of3A, %dma_wait3A_72] : memref<10000x128xf32, #tpu.memory_space<hbm>> -> memref<640x128xf32, #tpu.memory_space<hbm>>
        tpu.wait_dma2 semaphore(%run_scoped3A : memref<!tpu.dma_semaphore, #tpu.memory_space<semaphore_mem>>) src(%dma_wait3A_73 : memref<640x128xf32, #tpu.memory_space<hbm>>) dst(%dma_wait3A_71 : memref<640x128xf32, #tpu.memory_space<vmem_shared>>)
        tpu.yield
      }) : () -> ()
    } else {
    }
    %eq3A = arith.constant 15 : i32
    %eq3A_5 = arith.cmpi eq, %arg1, %eq3A : i32
    %convert_element_type3A_6 = arith.extui %eq3A_5 : i1 to i32
    %cond3A_7 = arith.constant 0 : i32
    %cond3A_8 = arith.cmpi ne, %convert_element_type3A_6, %cond3A_7 : i32
    scf.if %cond3A_8 {
      "tpu.region"() ({
        %run_scoped3A = tpu.sem_alloc : memref<!tpu.dma_semaphore, #tpu.memory_space<semaphore_mem>>
        %dma_start3A_67 = arith.constant 0 : i32
        %dma_start3A_68 = tpu.memref_slice %arg22[%multiple_of3A, %dma_start3A_67] : memref<10256x128xf32, #tpu.memory_space<vmem_shared>> -> memref<400x128xf32, #tpu.memory_space<vmem_shared>>
        %dma_start3A_69 = arith.constant 0 : i32
        %dma_start3A_70 = tpu.memref_slice %arg5[%multiple_of3A, %dma_start3A_69] : memref<10000x128xf32, #tpu.memory_space<hbm>> -> memref<400x128xf32, #tpu.memory_space<hbm>>
        tpu.enqueue_dma source(%dma_start3A_70 : memref<400x128xf32, #tpu.memory_space<hbm>>) target(%dma_start3A_68 : memref<400x128xf32, #tpu.memory_space<vmem_shared>>) target_semaphore(%run_scoped3A : memref<!tpu.dma_semaphore, #tpu.memory_space<semaphore_mem>>)
        %dma_wait3A = arith.constant 0 : i32
        %dma_wait3A_71 = tpu.memref_slice %arg22[%multiple_of3A, %dma_wait3A] : memref<10256x128xf32, #tpu.memory_space<vmem_shared>> -> memref<400x128xf32, #tpu.memory_space<vmem_shared>>
        %dma_wait3A_72 = arith.constant 0 : i32
        %dma_wait3A_73 = tpu.memref_slice %arg5[%multiple_of3A, %dma_wait3A_72] : memref<10000x128xf32, #tpu.memory_space<hbm>> -> memref<400x128xf32, #tpu.memory_space<hbm>>
        tpu.wait_dma2 semaphore(%run_scoped3A : memref<!tpu.dma_semaphore, #tpu.memory_space<semaphore_mem>>) src(%dma_wait3A_73 : memref<400x128xf32, #tpu.memory_space<hbm>>) dst(%dma_wait3A_71 : memref<400x128xf32, #tpu.memory_space<vmem_shared>>)
        tpu.yield
      }) : () -> ()
    } else {
    }
    %barrier3A = arith.constant 0 : index
    tpu.barrier barrier_id(%barrier3A)
    %mul3A_9 = arith.constant 10240 : i32
    %mul3A_10 = arith.muli %add3A, %mul3A_9 : i32
    %multiple_of3A_11 = tpu.assume_multiple %mul3A_10, 8 : i32
    %add3A_12 = arith.constant 0 : i32
    %add3A_13 = arith.addi %multiple_of3A_11, %add3A_12 : i32
    %multiple_of3A_14 = tpu.assume_multiple %add3A_13, 8 : i32
    %dma_start3A = tpu.memref_slice %arg3[%multiple_of3A_14] : memref<327680xi32, #tpu.memory_space<hbm>> -> memref<64xi32, #tpu.memory_space<hbm>>
    %dma_start3A_15 = tpu.memref_slice %arg3[%multiple_of3A_14] : memref<327680xi32, #tpu.memory_space<hbm>> -> memref<64xi32, #tpu.memory_space<hbm>>
    tpu.enqueue_dma source(%dma_start3A_15 : memref<64xi32, #tpu.memory_space<hbm>>) target(%arg7 : memref<64xi32, #tpu.memory_space<vmem>>) target_semaphore(%arg23 : memref<!tpu.dma_semaphore, #tpu.memory_space<semaphore_mem>>)
    %dma_start3A_16 = tpu.memref_slice %arg4[%multiple_of3A_14] : memref<327680xi32, #tpu.memory_space<hbm>> -> memref<64xi32, #tpu.memory_space<hbm>>
    %dma_start3A_17 = tpu.memref_slice %arg4[%multiple_of3A_14] : memref<327680xi32, #tpu.memory_space<hbm>> -> memref<64xi32, #tpu.memory_space<hbm>>
    tpu.enqueue_dma source(%dma_start3A_17 : memref<64xi32, #tpu.memory_space<hbm>>) target(%arg12 : memref<64xi32, #tpu.memory_space<vmem>>) target_semaphore(%arg28 : memref<!tpu.dma_semaphore, #tpu.memory_space<semaphore_mem>>)
    %add3A_18 = arith.constant 64 : i32
    %add3A_19 = arith.addi %multiple_of3A_11, %add3A_18 : i32
    %multiple_of3A_20 = tpu.assume_multiple %add3A_19, 8 : i32
    %dma_start3A_21 = tpu.memref_slice %arg3[%multiple_of3A_20] : memref<327680xi32, #tpu.memory_space<hbm>> -> memref<64xi32, #tpu.memory_space<hbm>>
    %dma_start3A_22 = tpu.memref_slice %arg3[%multiple_of3A_20] : memref<327680xi32, #tpu.memory_space<hbm>> -> memref<64xi32, #tpu.memory_space<hbm>>
    tpu.enqueue_dma source(%dma_start3A_22 : memref<64xi32, #tpu.memory_space<hbm>>) target(%arg8 : memref<64xi32, #tpu.memory_space<vmem>>) target_semaphore(%arg24 : memref<!tpu.dma_semaphore, #tpu.memory_space<semaphore_mem>>)
    %dma_start3A_23 = tpu.memref_slice %arg4[%multiple_of3A_20] : memref<327680xi32, #tpu.memory_space<hbm>> -> memref<64xi32, #tpu.memory_space<hbm>>
    %dma_start3A_24 = tpu.memref_slice %arg4[%multiple_of3A_20] : memref<327680xi32, #tpu.memory_space<hbm>> -> memref<64xi32, #tpu.memory_space<hbm>>
    tpu.enqueue_dma source(%dma_start3A_24 : memref<64xi32, #tpu.memory_space<hbm>>) target(%arg13 : memref<64xi32, #tpu.memory_space<vmem>>) target_semaphore(%arg29 : memref<!tpu.dma_semaphore, #tpu.memory_space<semaphore_mem>>)
    %add3A_25 = arith.constant 128 : i32
    %add3A_26 = arith.addi %multiple_of3A_11, %add3A_25 : i32
    %multiple_of3A_27 = tpu.assume_multiple %add3A_26, 8 : i32
    %dma_start3A_28 = tpu.memref_slice %arg3[%multiple_of3A_27] : memref<327680xi32, #tpu.memory_space<hbm>> -> memref<64xi32, #tpu.memory_space<hbm>>
    %dma_start3A_29 = tpu.memref_slice %arg3[%multiple_of3A_27] : memref<327680xi32, #tpu.memory_space<hbm>> -> memref<64xi32, #tpu.memory_space<hbm>>
    tpu.enqueue_dma source(%dma_start3A_29 : memref<64xi32, #tpu.memory_space<hbm>>) target(%arg9 : memref<64xi32, #tpu.memory_space<vmem>>) target_semaphore(%arg25 : memref<!tpu.dma_semaphore, #tpu.memory_space<semaphore_mem>>)
    %dma_start3A_30 = tpu.memref_slice %arg4[%multiple_of3A_27] : memref<327680xi32, #tpu.memory_space<hbm>> -> memref<64xi32, #tpu.memory_space<hbm>>
    %dma_start3A_31 = tpu.memref_slice %arg4[%multiple_of3A_27] : memref<327680xi32, #tpu.memory_space<hbm>> -> memref<64xi32, #tpu.memory_space<hbm>>
    tpu.enqueue_dma source(%dma_start3A_31 : memref<64xi32, #tpu.memory_space<hbm>>) target(%arg14 : memref<64xi32, #tpu.memory_space<vmem>>) target_semaphore(%arg30 : memref<!tpu.dma_semaphore, #tpu.memory_space<semaphore_mem>>)
    %add3A_32 = arith.constant 192 : i32
    %add3A_33 = arith.addi %multiple_of3A_11, %add3A_32 : i32
    %multiple_of3A_34 = tpu.assume_multiple %add3A_33, 8 : i32
    %dma_start3A_35 = tpu.memref_slice %arg3[%multiple_of3A_34] : memref<327680xi32, #tpu.memory_space<hbm>> -> memref<64xi32, #tpu.memory_space<hbm>>
    %dma_start3A_36 = tpu.memref_slice %arg3[%multiple_of3A_34] : memref<327680xi32, #tpu.memory_space<hbm>> -> memref<64xi32, #tpu.memory_space<hbm>>
    tpu.enqueue_dma source(%dma_start3A_36 : memref<64xi32, #tpu.memory_space<hbm>>) target(%arg10 : memref<64xi32, #tpu.memory_space<vmem>>) target_semaphore(%arg26 : memref<!tpu.dma_semaphore, #tpu.memory_space<semaphore_mem>>)
    %dma_start3A_37 = tpu.memref_slice %arg4[%multiple_of3A_34] : memref<327680xi32, #tpu.memory_space<hbm>> -> memref<64xi32, #tpu.memory_space<hbm>>
    %dma_start3A_38 = tpu.memref_slice %arg4[%multiple_of3A_34] : memref<327680xi32, #tpu.memory_space<hbm>> -> memref<64xi32, #tpu.memory_space<hbm>>
    tpu.enqueue_dma source(%dma_start3A_38 : memref<64xi32, #tpu.memory_space<hbm>>) target(%arg15 : memref<64xi32, #tpu.memory_space<vmem>>) target_semaphore(%arg31 : memref<!tpu.dma_semaphore, #tpu.memory_space<semaphore_mem>>)
    %add3A_39 = arith.constant 256 : i32
    %add3A_40 = arith.addi %multiple_of3A_11, %add3A_39 : i32
    %multiple_of3A_41 = tpu.assume_multiple %add3A_40, 8 : i32
    %dma_start3A_42 = tpu.memref_slice %arg3[%multiple_of3A_41] : memref<327680xi32, #tpu.memory_space<hbm>> -> memref<64xi32, #tpu.memory_space<hbm>>
    %dma_start3A_43 = tpu.memref_slice %arg3[%multiple_of3A_41] : memref<327680xi32, #tpu.memory_space<hbm>> -> memref<64xi32, #tpu.memory_space<hbm>>
    tpu.enqueue_dma source(%dma_start3A_43 : memref<64xi32, #tpu.memory_space<hbm>>) target(%arg11 : memref<64xi32, #tpu.memory_space<vmem>>) target_semaphore(%arg27 : memref<!tpu.dma_semaphore, #tpu.memory_space<semaphore_mem>>)
    %dma_start3A_44 = tpu.memref_slice %arg4[%multiple_of3A_41] : memref<327680xi32, #tpu.memory_space<hbm>> -> memref<64xi32, #tpu.memory_space<hbm>>
    %dma_start3A_45 = tpu.memref_slice %arg4[%multiple_of3A_41] : memref<327680xi32, #tpu.memory_space<hbm>> -> memref<64xi32, #tpu.memory_space<hbm>>
    tpu.enqueue_dma source(%dma_start3A_45 : memref<64xi32, #tpu.memory_space<hbm>>) target(%arg16 : memref<64xi32, #tpu.memory_space<vmem>>) target_semaphore(%arg32 : memref<!tpu.dma_semaphore, #tpu.memory_space<semaphore_mem>>)
    %scan3A = arith.constant 0 : i32
    %scan3A_46 = arith.constant 32 : i32
    %scan3A_47 = arith.addi %scan3A, %scan3A_46 : i32
    %scan3A_48 = arith.constant 1 : i32
    scf.for %scan3A_67 = %scan3A to %scan3A_47 step %scan3A_48  : i32 {
      %mul3A_68 = arith.constant 5 : i32
      %mul3A_69 = arith.muli %scan3A_67, %mul3A_68 : i32
      %add3A_70 = arith.constant 0 : i32
      %add3A_71 = arith.addi %add3A_70, %mul3A_69 : i32
      %dma_wait3A = arith.constant 0 : i32
      %dma_wait3A_72 = tpu.memref_slice %arg3[%dma_wait3A] : memref<327680xi32, #tpu.memory_space<hbm>> -> memref<64xi32, #tpu.memory_space<hbm>>
      %dma_wait3A_73 = arith.constant 0 : i32
      %dma_wait3A_74 = tpu.memref_slice %arg3[%dma_wait3A_73] : memref<327680xi32, #tpu.memory_space<hbm>> -> memref<64xi32, #tpu.memory_space<hbm>>
      tpu.wait_dma2 semaphore(%arg23 : memref<!tpu.dma_semaphore, #tpu.memory_space<semaphore_mem>>) src(%dma_wait3A_74 : memref<64xi32, #tpu.memory_space<hbm>>) dst(%arg7 : memref<64xi32, #tpu.memory_space<vmem>>)
      %dma_start3A_75 = arith.constant 0 : i32
      %dma_start3A_76 = arith.constant 0 : i32
      %dma_start3A_77 = tpu.memref_slice %arg2[%dma_start3A_75, %dma_start3A_76] : memref<10000x128xf32, #tpu.memory_space<hbm>> -> memref<10000x128xf32, #tpu.memory_space<hbm>>
      tpu.enqueue_indirect_dma source(%dma_start3A_77 : memref<10000x128xf32, #tpu.memory_space<hbm>>) target(%arg17 : memref<64x128xf32, #tpu.memory_space<vmem>>) offsets(%arg7 : memref<64xi32, #tpu.memory_space<vmem>>) semaphore(%arg33 : memref<!tpu.dma_semaphore, #tpu.memory_space<semaphore_mem>>)
      %dma_wait3A_78 = arith.constant 0 : i32
      %dma_wait3A_79 = tpu.memref_slice %arg3[%dma_wait3A_78] : memref<327680xi32, #tpu.memory_space<hbm>> -> memref<64xi32, #tpu.memory_space<hbm>>
      %dma_wait3A_80 = arith.constant 0 : i32
      %dma_wait3A_81 = tpu.memref_slice %arg3[%dma_wait3A_80] : memref<327680xi32, #tpu.memory_space<hbm>> -> memref<64xi32, #tpu.memory_space<hbm>>
      tpu.wait_dma2 semaphore(%arg24 : memref<!tpu.dma_semaphore, #tpu.memory_space<semaphore_mem>>) src(%dma_wait3A_81 : memref<64xi32, #tpu.memory_space<hbm>>) dst(%arg8 : memref<64xi32, #tpu.memory_space<vmem>>)
      %dma_start3A_82 = arith.constant 0 : i32
      %dma_start3A_83 = arith.constant 0 : i32
      %dma_start3A_84 = tpu.memref_slice %arg2[%dma_start3A_82, %dma_start3A_83] : memref<10000x128xf32, #tpu.memory_space<hbm>> -> memref<10000x128xf32, #tpu.memory_space<hbm>>
      tpu.enqueue_indirect_dma source(%dma_start3A_84 : memref<10000x128xf32, #tpu.memory_space<hbm>>) target(%arg18 : memref<64x128xf32, #tpu.memory_space<vmem>>) offsets(%arg8 : memref<64xi32, #tpu.memory_space<vmem>>) semaphore(%arg34 : memref<!tpu.dma_semaphore, #tpu.memory_space<semaphore_mem>>)
      %dma_wait3A_85 = arith.constant 0 : i32
      %dma_wait3A_86 = tpu.memref_slice %arg3[%dma_wait3A_85] : memref<327680xi32, #tpu.memory_space<hbm>> -> memref<64xi32, #tpu.memory_space<hbm>>
      %dma_wait3A_87 = arith.constant 0 : i32
      %dma_wait3A_88 = tpu.memref_slice %arg3[%dma_wait3A_87] : memref<327680xi32, #tpu.memory_space<hbm>> -> memref<64xi32, #tpu.memory_space<hbm>>
      tpu.wait_dma2 semaphore(%arg25 : memref<!tpu.dma_semaphore, #tpu.memory_space<semaphore_mem>>) src(%dma_wait3A_88 : memref<64xi32, #tpu.memory_space<hbm>>) dst(%arg9 : memref<64xi32, #tpu.memory_space<vmem>>)
      %dma_start3A_89 = arith.constant 0 : i32
      %dma_start3A_90 = arith.constant 0 : i32
      %dma_start3A_91 = tpu.memref_slice %arg2[%dma_start3A_89, %dma_start3A_90] : memref<10000x128xf32, #tpu.memory_space<hbm>> -> memref<10000x128xf32, #tpu.memory_space<hbm>>
      tpu.enqueue_indirect_dma source(%dma_start3A_91 : memref<10000x128xf32, #tpu.memory_space<hbm>>) target(%arg19 : memref<64x128xf32, #tpu.memory_space<vmem>>) offsets(%arg9 : memref<64xi32, #tpu.memory_space<vmem>>) semaphore(%arg35 : memref<!tpu.dma_semaphore, #tpu.memory_space<semaphore_mem>>)
      %dma_wait3A_92 = arith.constant 0 : i32
      %dma_wait3A_93 = tpu.memref_slice %arg3[%dma_wait3A_92] : memref<327680xi32, #tpu.memory_space<hbm>> -> memref<64xi32, #tpu.memory_space<hbm>>
      %dma_wait3A_94 = arith.constant 0 : i32
      %dma_wait3A_95 = tpu.memref_slice %arg3[%dma_wait3A_94] : memref<327680xi32, #tpu.memory_space<hbm>> -> memref<64xi32, #tpu.memory_space<hbm>>
      tpu.wait_dma2 semaphore(%arg26 : memref<!tpu.dma_semaphore, #tpu.memory_space<semaphore_mem>>) src(%dma_wait3A_95 : memref<64xi32, #tpu.memory_space<hbm>>) dst(%arg10 : memref<64xi32, #tpu.memory_space<vmem>>)
      %dma_start3A_96 = arith.constant 0 : i32
      %dma_start3A_97 = arith.constant 0 : i32
      %dma_start3A_98 = tpu.memref_slice %arg2[%dma_start3A_96, %dma_start3A_97] : memref<10000x128xf32, #tpu.memory_space<hbm>> -> memref<10000x128xf32, #tpu.memory_space<hbm>>
      tpu.enqueue_indirect_dma source(%dma_start3A_98 : memref<10000x128xf32, #tpu.memory_space<hbm>>) target(%arg20 : memref<64x128xf32, #tpu.memory_space<vmem>>) offsets(%arg10 : memref<64xi32, #tpu.memory_space<vmem>>) semaphore(%arg36 : memref<!tpu.dma_semaphore, #tpu.memory_space<semaphore_mem>>)
      %dma_wait3A_99 = arith.constant 0 : i32
      %dma_wait3A_100 = tpu.memref_slice %arg3[%dma_wait3A_99] : memref<327680xi32, #tpu.memory_space<hbm>> -> memref<64xi32, #tpu.memory_space<hbm>>
      %dma_wait3A_101 = arith.constant 0 : i32
      %dma_wait3A_102 = tpu.memref_slice %arg3[%dma_wait3A_101] : memref<327680xi32, #tpu.memory_space<hbm>> -> memref<64xi32, #tpu.memory_space<hbm>>
      tpu.wait_dma2 semaphore(%arg27 : memref<!tpu.dma_semaphore, #tpu.memory_space<semaphore_mem>>) src(%dma_wait3A_102 : memref<64xi32, #tpu.memory_space<hbm>>) dst(%arg11 : memref<64xi32, #tpu.memory_space<vmem>>)
      %dma_start3A_103 = arith.constant 0 : i32
      %dma_start3A_104 = arith.constant 0 : i32
      %dma_start3A_105 = tpu.memref_slice %arg2[%dma_start3A_103, %dma_start3A_104] : memref<10000x128xf32, #tpu.memory_space<hbm>> -> memref<10000x128xf32, #tpu.memory_space<hbm>>
      tpu.enqueue_indirect_dma source(%dma_start3A_105 : memref<10000x128xf32, #tpu.memory_space<hbm>>) target(%arg21 : memref<64x128xf32, #tpu.memory_space<vmem>>) offsets(%arg11 : memref<64xi32, #tpu.memory_space<vmem>>) semaphore(%arg37 : memref<!tpu.dma_semaphore, #tpu.memory_space<semaphore_mem>>)
      %dma_wait3A_106 = arith.constant 0 : i32
      %dma_wait3A_107 = arith.constant 0 : i32
      %dma_wait3A_108 = tpu.memref_slice %arg2[%dma_wait3A_106, %dma_wait3A_107] : memref<10000x128xf32, #tpu.memory_space<hbm>> -> memref<10000x128xf32, #tpu.memory_space<hbm>>
      tpu.wait_indirect_dma semaphore(%arg33 : memref<!tpu.dma_semaphore, #tpu.memory_space<semaphore_mem>>) src(%dma_wait3A_108 : memref<10000x128xf32, #tpu.memory_space<hbm>>) dst(%arg17 : memref<64x128xf32, #tpu.memory_space<vmem>>)
      %dma_wait3A_109 = arith.constant 0 : i32
      %dma_wait3A_110 = tpu.memref_slice %arg3[%dma_wait3A_109] : memref<327680xi32, #tpu.memory_space<hbm>> -> memref<64xi32, #tpu.memory_space<hbm>>
      %dma_wait3A_111 = arith.constant 0 : i32
      %dma_wait3A_112 = tpu.memref_slice %arg3[%dma_wait3A_111] : memref<327680xi32, #tpu.memory_space<hbm>> -> memref<64xi32, #tpu.memory_space<hbm>>
      tpu.wait_dma2 semaphore(%arg28 : memref<!tpu.dma_semaphore, #tpu.memory_space<semaphore_mem>>) src(%dma_wait3A_112 : memref<64xi32, #tpu.memory_space<hbm>>) dst(%arg12 : memref<64xi32, #tpu.memory_space<vmem>>)
      %dma_start3A_113 = arith.constant 0 : i32
      %dma_start3A_114 = arith.constant 0 : i32
      %dma_start3A_115 = tpu.memref_slice %arg22[%dma_start3A_113, %dma_start3A_114] : memref<10256x128xf32, #tpu.memory_space<vmem_shared>> -> memref<10256x128xf32, #tpu.memory_space<vmem_shared>>
      tpu.enqueue_indirect_dma source(%arg17 : memref<64x128xf32, #tpu.memory_space<vmem>>) target(%dma_start3A_115 : memref<10256x128xf32, #tpu.memory_space<vmem_shared>>) offsets(%arg12 : memref<64xi32, #tpu.memory_space<vmem>>) semaphore(%arg38 : memref<!tpu.dma_semaphore, #tpu.memory_space<semaphore_mem>>) {add = true}
      %dma_wait3A_116 = arith.constant 0 : i32
      %dma_wait3A_117 = arith.constant 0 : i32
      %dma_wait3A_118 = tpu.memref_slice %arg2[%dma_wait3A_116, %dma_wait3A_117] : memref<10000x128xf32, #tpu.memory_space<hbm>> -> memref<10000x128xf32, #tpu.memory_space<hbm>>
      tpu.wait_indirect_dma semaphore(%arg34 : memref<!tpu.dma_semaphore, #tpu.memory_space<semaphore_mem>>) src(%dma_wait3A_118 : memref<10000x128xf32, #tpu.memory_space<hbm>>) dst(%arg18 : memref<64x128xf32, #tpu.memory_space<vmem>>)
      %dma_wait3A_119 = arith.constant 0 : i32
      %dma_wait3A_120 = tpu.memref_slice %arg3[%dma_wait3A_119] : memref<327680xi32, #tpu.memory_space<hbm>> -> memref<64xi32, #tpu.memory_space<hbm>>
      %dma_wait3A_121 = arith.constant 0 : i32
      %dma_wait3A_122 = tpu.memref_slice %arg3[%dma_wait3A_121] : memref<327680xi32, #tpu.memory_space<hbm>> -> memref<64xi32, #tpu.memory_space<hbm>>
      tpu.wait_dma2 semaphore(%arg29 : memref<!tpu.dma_semaphore, #tpu.memory_space<semaphore_mem>>) src(%dma_wait3A_122 : memref<64xi32, #tpu.memory_space<hbm>>) dst(%arg13 : memref<64xi32, #tpu.memory_space<vmem>>)
      %dma_start3A_123 = arith.constant 0 : i32
      %dma_start3A_124 = arith.constant 0 : i32
      %dma_start3A_125 = tpu.memref_slice %arg22[%dma_start3A_123, %dma_start3A_124] : memref<10256x128xf32, #tpu.memory_space<vmem_shared>> -> memref<10256x128xf32, #tpu.memory_space<vmem_shared>>
      tpu.enqueue_indirect_dma source(%arg18 : memref<64x128xf32, #tpu.memory_space<vmem>>) target(%dma_start3A_125 : memref<10256x128xf32, #tpu.memory_space<vmem_shared>>) offsets(%arg13 : memref<64xi32, #tpu.memory_space<vmem>>) semaphore(%arg39 : memref<!tpu.dma_semaphore, #tpu.memory_space<semaphore_mem>>) {add = true}
      %dma_wait3A_126 = arith.constant 0 : i32
      %dma_wait3A_127 = arith.constant 0 : i32
      %dma_wait3A_128 = tpu.memref_slice %arg2[%dma_wait3A_126, %dma_wait3A_127] : memref<10000x128xf32, #tpu.memory_space<hbm>> -> memref<10000x128xf32, #tpu.memory_space<hbm>>
      tpu.wait_indirect_dma semaphore(%arg35 : memref<!tpu.dma_semaphore, #tpu.memory_space<semaphore_mem>>) src(%dma_wait3A_128 : memref<10000x128xf32, #tpu.memory_space<hbm>>) dst(%arg19 : memref<64x128xf32, #tpu.memory_space<vmem>>)
      %dma_wait3A_129 = arith.constant 0 : i32
      %dma_wait3A_130 = tpu.memref_slice %arg3[%dma_wait3A_129] : memref<327680xi32, #tpu.memory_space<hbm>> -> memref<64xi32, #tpu.memory_space<hbm>>
      %dma_wait3A_131 = arith.constant 0 : i32
      %dma_wait3A_132 = tpu.memref_slice %arg3[%dma_wait3A_131] : memref<327680xi32, #tpu.memory_space<hbm>> -> memref<64xi32, #tpu.memory_space<hbm>>
      tpu.wait_dma2 semaphore(%arg30 : memref<!tpu.dma_semaphore, #tpu.memory_space<semaphore_mem>>) src(%dma_wait3A_132 : memref<64xi32, #tpu.memory_space<hbm>>) dst(%arg14 : memref<64xi32, #tpu.memory_space<vmem>>)
      %dma_start3A_133 = arith.constant 0 : i32
      %dma_start3A_134 = arith.constant 0 : i32
      %dma_start3A_135 = tpu.memref_slice %arg22[%dma_start3A_133, %dma_start3A_134] : memref<10256x128xf32, #tpu.memory_space<vmem_shared>> -> memref<10256x128xf32, #tpu.memory_space<vmem_shared>>
      tpu.enqueue_indirect_dma source(%arg19 : memref<64x128xf32, #tpu.memory_space<vmem>>) target(%dma_start3A_135 : memref<10256x128xf32, #tpu.memory_space<vmem_shared>>) offsets(%arg14 : memref<64xi32, #tpu.memory_space<vmem>>) semaphore(%arg40 : memref<!tpu.dma_semaphore, #tpu.memory_space<semaphore_mem>>) {add = true}
      %dma_wait3A_136 = arith.constant 0 : i32
      %dma_wait3A_137 = arith.constant 0 : i32
      %dma_wait3A_138 = tpu.memref_slice %arg2[%dma_wait3A_136, %dma_wait3A_137] : memref<10000x128xf32, #tpu.memory_space<hbm>> -> memref<10000x128xf32, #tpu.memory_space<hbm>>
      tpu.wait_indirect_dma semaphore(%arg36 : memref<!tpu.dma_semaphore, #tpu.memory_space<semaphore_mem>>) src(%dma_wait3A_138 : memref<10000x128xf32, #tpu.memory_space<hbm>>) dst(%arg20 : memref<64x128xf32, #tpu.memory_space<vmem>>)
      %dma_wait3A_139 = arith.constant 0 : i32
      %dma_wait3A_140 = tpu.memref_slice %arg3[%dma_wait3A_139] : memref<327680xi32, #tpu.memory_space<hbm>> -> memref<64xi32, #tpu.memory_space<hbm>>
      %dma_wait3A_141 = arith.constant 0 : i32
      %dma_wait3A_142 = tpu.memref_slice %arg3[%dma_wait3A_141] : memref<327680xi32, #tpu.memory_space<hbm>> -> memref<64xi32, #tpu.memory_space<hbm>>
      tpu.wait_dma2 semaphore(%arg31 : memref<!tpu.dma_semaphore, #tpu.memory_space<semaphore_mem>>) src(%dma_wait3A_142 : memref<64xi32, #tpu.memory_space<hbm>>) dst(%arg15 : memref<64xi32, #tpu.memory_space<vmem>>)
      %dma_start3A_143 = arith.constant 0 : i32
      %dma_start3A_144 = arith.constant 0 : i32
      %dma_start3A_145 = tpu.memref_slice %arg22[%dma_start3A_143, %dma_start3A_144] : memref<10256x128xf32, #tpu.memory_space<vmem_shared>> -> memref<10256x128xf32, #tpu.memory_space<vmem_shared>>
      tpu.enqueue_indirect_dma source(%arg20 : memref<64x128xf32, #tpu.memory_space<vmem>>) target(%dma_start3A_145 : memref<10256x128xf32, #tpu.memory_space<vmem_shared>>) offsets(%arg15 : memref<64xi32, #tpu.memory_space<vmem>>) semaphore(%arg41 : memref<!tpu.dma_semaphore, #tpu.memory_space<semaphore_mem>>) {add = true}
      %dma_wait3A_146 = arith.constant 0 : i32
      %dma_wait3A_147 = arith.constant 0 : i32
      %dma_wait3A_148 = tpu.memref_slice %arg2[%dma_wait3A_146, %dma_wait3A_147] : memref<10000x128xf32, #tpu.memory_space<hbm>> -> memref<10000x128xf32, #tpu.memory_space<hbm>>
      tpu.wait_indirect_dma semaphore(%arg37 : memref<!tpu.dma_semaphore, #tpu.memory_space<semaphore_mem>>) src(%dma_wait3A_148 : memref<10000x128xf32, #tpu.memory_space<hbm>>) dst(%arg21 : memref<64x128xf32, #tpu.memory_space<vmem>>)
      %dma_wait3A_149 = arith.constant 0 : i32
      %dma_wait3A_150 = tpu.memref_slice %arg3[%dma_wait3A_149] : memref<327680xi32, #tpu.memory_space<hbm>> -> memref<64xi32, #tpu.memory_space<hbm>>
      %dma_wait3A_151 = arith.constant 0 : i32
      %dma_wait3A_152 = tpu.memref_slice %arg3[%dma_wait3A_151] : memref<327680xi32, #tpu.memory_space<hbm>> -> memref<64xi32, #tpu.memory_space<hbm>>
      tpu.wait_dma2 semaphore(%arg32 : memref<!tpu.dma_semaphore, #tpu.memory_space<semaphore_mem>>) src(%dma_wait3A_152 : memref<64xi32, #tpu.memory_space<hbm>>) dst(%arg16 : memref<64xi32, #tpu.memory_space<vmem>>)
      %dma_start3A_153 = arith.constant 0 : i32
      %dma_start3A_154 = arith.constant 0 : i32
      %dma_start3A_155 = tpu.memref_slice %arg22[%dma_start3A_153, %dma_start3A_154] : memref<10256x128xf32, #tpu.memory_space<vmem_shared>> -> memref<10256x128xf32, #tpu.memory_space<vmem_shared>>
      tpu.enqueue_indirect_dma source(%arg21 : memref<64x128xf32, #tpu.memory_space<vmem>>) target(%dma_start3A_155 : memref<10256x128xf32, #tpu.memory_space<vmem_shared>>) offsets(%arg16 : memref<64xi32, #tpu.memory_space<vmem>>) semaphore(%arg42 : memref<!tpu.dma_semaphore, #tpu.memory_space<semaphore_mem>>) {add = true}
      %dma_wait3A_156 = arith.constant 0 : i32
      %dma_wait3A_157 = arith.constant 0 : i32
      %dma_wait3A_158 = tpu.memref_slice %arg22[%dma_wait3A_156, %dma_wait3A_157] : memref<10256x128xf32, #tpu.memory_space<vmem_shared>> -> memref<10256x128xf32, #tpu.memory_space<vmem_shared>>
      tpu.wait_indirect_dma semaphore(%arg38 : memref<!tpu.dma_semaphore, #tpu.memory_space<semaphore_mem>>) src(%arg17 : memref<64x128xf32, #tpu.memory_space<vmem>>) dst(%dma_wait3A_158 : memref<10256x128xf32, #tpu.memory_space<vmem_shared>>)
      %add3A_159 = arith.constant 0 : i32
      %add3A_160 = arith.addi %add3A_71, %add3A_159 : i32
      %add3A_161 = arith.constant 5 : i32
      %add3A_162 = arith.addi %add3A_160, %add3A_161 : i32
      %lt3A_163 = arith.constant 160 : i32
      %lt3A_164 = arith.cmpi slt, %add3A_162, %lt3A_163 : i32
      %convert_element_type3A_165 = arith.extui %lt3A_164 : i1 to i32
      %cond3A_166 = arith.constant 0 : i32
      %cond3A_167 = arith.cmpi ne, %convert_element_type3A_165, %cond3A_166 : i32
      scf.if %cond3A_167 {
        %add3A_216 = arith.constant 0 : i32
        %add3A_217 = arith.addi %add3A_71, %add3A_216 : i32
        %add3A_218 = arith.constant 5 : i32
        %add3A_219 = arith.addi %add3A_217, %add3A_218 : i32
        %mul3A_220 = arith.constant 64 : i32
        %mul3A_221 = arith.muli %add3A_219, %mul3A_220 : i32
        %add3A_222 = arith.addi %multiple_of3A_11, %mul3A_221 : i32
        %multiple_of3A_223 = tpu.assume_multiple %add3A_222, 8 : i32
        %dma_start3A_224 = tpu.memref_slice %arg3[%multiple_of3A_223] : memref<327680xi32, #tpu.memory_space<hbm>> -> memref<64xi32, #tpu.memory_space<hbm>>
        %dma_start3A_225 = tpu.memref_slice %arg3[%multiple_of3A_223] : memref<327680xi32, #tpu.memory_space<hbm>> -> memref<64xi32, #tpu.memory_space<hbm>>
        tpu.enqueue_dma source(%dma_start3A_225 : memref<64xi32, #tpu.memory_space<hbm>>) target(%arg7 : memref<64xi32, #tpu.memory_space<vmem>>) target_semaphore(%arg23 : memref<!tpu.dma_semaphore, #tpu.memory_space<semaphore_mem>>)
        %dma_start3A_226 = tpu.memref_slice %arg4[%multiple_of3A_223] : memref<327680xi32, #tpu.memory_space<hbm>> -> memref<64xi32, #tpu.memory_space<hbm>>
        %dma_start3A_227 = tpu.memref_slice %arg4[%multiple_of3A_223] : memref<327680xi32, #tpu.memory_space<hbm>> -> memref<64xi32, #tpu.memory_space<hbm>>
        tpu.enqueue_dma source(%dma_start3A_227 : memref<64xi32, #tpu.memory_space<hbm>>) target(%arg12 : memref<64xi32, #tpu.memory_space<vmem>>) target_semaphore(%arg28 : memref<!tpu.dma_semaphore, #tpu.memory_space<semaphore_mem>>)
      } else {
      }
      %dma_wait3A_168 = arith.constant 0 : i32
      %dma_wait3A_169 = arith.constant 0 : i32
      %dma_wait3A_170 = tpu.memref_slice %arg22[%dma_wait3A_168, %dma_wait3A_169] : memref<10256x128xf32, #tpu.memory_space<vmem_shared>> -> memref<10256x128xf32, #tpu.memory_space<vmem_shared>>
      tpu.wait_indirect_dma semaphore(%arg39 : memref<!tpu.dma_semaphore, #tpu.memory_space<semaphore_mem>>) src(%arg18 : memref<64x128xf32, #tpu.memory_space<vmem>>) dst(%dma_wait3A_170 : memref<10256x128xf32, #tpu.memory_space<vmem_shared>>)
      %add3A_171 = arith.constant 1 : i32
      %add3A_172 = arith.addi %add3A_71, %add3A_171 : i32
      %add3A_173 = arith.constant 5 : i32
      %add3A_174 = arith.addi %add3A_172, %add3A_173 : i32
      %lt3A_175 = arith.constant 160 : i32
      %lt3A_176 = arith.cmpi slt, %add3A_174, %lt3A_175 : i32
      %convert_element_type3A_177 = arith.extui %lt3A_176 : i1 to i32
      %cond3A_178 = arith.constant 0 : i32
      %cond3A_179 = arith.cmpi ne, %convert_element_type3A_177, %cond3A_178 : i32
      scf.if %cond3A_179 {
        %add3A_216 = arith.constant 1 : i32
        %add3A_217 = arith.addi %add3A_71, %add3A_216 : i32
        %add3A_218 = arith.constant 5 : i32
        %add3A_219 = arith.addi %add3A_217, %add3A_218 : i32
        %mul3A_220 = arith.constant 64 : i32
        %mul3A_221 = arith.muli %add3A_219, %mul3A_220 : i32
        %add3A_222 = arith.addi %multiple_of3A_11, %mul3A_221 : i32
        %multiple_of3A_223 = tpu.assume_multiple %add3A_222, 8 : i32
        %dma_start3A_224 = tpu.memref_slice %arg3[%multiple_of3A_223] : memref<327680xi32, #tpu.memory_space<hbm>> -> memref<64xi32, #tpu.memory_space<hbm>>
        %dma_start3A_225 = tpu.memref_slice %arg3[%multiple_of3A_223] : memref<327680xi32, #tpu.memory_space<hbm>> -> memref<64xi32, #tpu.memory_space<hbm>>
        tpu.enqueue_dma source(%dma_start3A_225 : memref<64xi32, #tpu.memory_space<hbm>>) target(%arg8 : memref<64xi32, #tpu.memory_space<vmem>>) target_semaphore(%arg24 : memref<!tpu.dma_semaphore, #tpu.memory_space<semaphore_mem>>)
        %dma_start3A_226 = tpu.memref_slice %arg4[%multiple_of3A_223] : memref<327680xi32, #tpu.memory_space<hbm>> -> memref<64xi32, #tpu.memory_space<hbm>>
        %dma_start3A_227 = tpu.memref_slice %arg4[%multiple_of3A_223] : memref<327680xi32, #tpu.memory_space<hbm>> -> memref<64xi32, #tpu.memory_space<hbm>>
        tpu.enqueue_dma source(%dma_start3A_227 : memref<64xi32, #tpu.memory_space<hbm>>) target(%arg13 : memref<64xi32, #tpu.memory_space<vmem>>) target_semaphore(%arg29 : memref<!tpu.dma_semaphore, #tpu.memory_space<semaphore_mem>>)
      } else {
      }
      %dma_wait3A_180 = arith.constant 0 : i32
      %dma_wait3A_181 = arith.constant 0 : i32
      %dma_wait3A_182 = tpu.memref_slice %arg22[%dma_wait3A_180, %dma_wait3A_181] : memref<10256x128xf32, #tpu.memory_space<vmem_shared>> -> memref<10256x128xf32, #tpu.memory_space<vmem_shared>>
      tpu.wait_indirect_dma semaphore(%arg40 : memref<!tpu.dma_semaphore, #tpu.memory_space<semaphore_mem>>) src(%arg19 : memref<64x128xf32, #tpu.memory_space<vmem>>) dst(%dma_wait3A_182 : memref<10256x128xf32, #tpu.memory_space<vmem_shared>>)
      %add3A_183 = arith.constant 2 : i32
      %add3A_184 = arith.addi %add3A_71, %add3A_183 : i32
      %add3A_185 = arith.constant 5 : i32
      %add3A_186 = arith.addi %add3A_184, %add3A_185 : i32
      %lt3A_187 = arith.constant 160 : i32
      %lt3A_188 = arith.cmpi slt, %add3A_186, %lt3A_187 : i32
      %convert_element_type3A_189 = arith.extui %lt3A_188 : i1 to i32
      %cond3A_190 = arith.constant 0 : i32
      %cond3A_191 = arith.cmpi ne, %convert_element_type3A_189, %cond3A_190 : i32
      scf.if %cond3A_191 {
        %add3A_216 = arith.constant 2 : i32
        %add3A_217 = arith.addi %add3A_71, %add3A_216 : i32
        %add3A_218 = arith.constant 5 : i32
        %add3A_219 = arith.addi %add3A_217, %add3A_218 : i32
        %mul3A_220 = arith.constant 64 : i32
        %mul3A_221 = arith.muli %add3A_219, %mul3A_220 : i32
        %add3A_222 = arith.addi %multiple_of3A_11, %mul3A_221 : i32
        %multiple_of3A_223 = tpu.assume_multiple %add3A_222, 8 : i32
        %dma_start3A_224 = tpu.memref_slice %arg3[%multiple_of3A_223] : memref<327680xi32, #tpu.memory_space<hbm>> -> memref<64xi32, #tpu.memory_space<hbm>>
        %dma_start3A_225 = tpu.memref_slice %arg3[%multiple_of3A_223] : memref<327680xi32, #tpu.memory_space<hbm>> -> memref<64xi32, #tpu.memory_space<hbm>>
        tpu.enqueue_dma source(%dma_start3A_225 : memref<64xi32, #tpu.memory_space<hbm>>) target(%arg9 : memref<64xi32, #tpu.memory_space<vmem>>) target_semaphore(%arg25 : memref<!tpu.dma_semaphore, #tpu.memory_space<semaphore_mem>>)
        %dma_start3A_226 = tpu.memref_slice %arg4[%multiple_of3A_223] : memref<327680xi32, #tpu.memory_space<hbm>> -> memref<64xi32, #tpu.memory_space<hbm>>
        %dma_start3A_227 = tpu.memref_slice %arg4[%multiple_of3A_223] : memref<327680xi32, #tpu.memory_space<hbm>> -> memref<64xi32, #tpu.memory_space<hbm>>
        tpu.enqueue_dma source(%dma_start3A_227 : memref<64xi32, #tpu.memory_space<hbm>>) target(%arg14 : memref<64xi32, #tpu.memory_space<vmem>>) target_semaphore(%arg30 : memref<!tpu.dma_semaphore, #tpu.memory_space<semaphore_mem>>)
      } else {
      }
      %dma_wait3A_192 = arith.constant 0 : i32
      %dma_wait3A_193 = arith.constant 0 : i32
      %dma_wait3A_194 = tpu.memref_slice %arg22[%dma_wait3A_192, %dma_wait3A_193] : memref<10256x128xf32, #tpu.memory_space<vmem_shared>> -> memref<10256x128xf32, #tpu.memory_space<vmem_shared>>
      tpu.wait_indirect_dma semaphore(%arg41 : memref<!tpu.dma_semaphore, #tpu.memory_space<semaphore_mem>>) src(%arg20 : memref<64x128xf32, #tpu.memory_space<vmem>>) dst(%dma_wait3A_194 : memref<10256x128xf32, #tpu.memory_space<vmem_shared>>)
      %add3A_195 = arith.constant 3 : i32
      %add3A_196 = arith.addi %add3A_71, %add3A_195 : i32
      %add3A_197 = arith.constant 5 : i32
      %add3A_198 = arith.addi %add3A_196, %add3A_197 : i32
      %lt3A_199 = arith.constant 160 : i32
      %lt3A_200 = arith.cmpi slt, %add3A_198, %lt3A_199 : i32
      %convert_element_type3A_201 = arith.extui %lt3A_200 : i1 to i32
      %cond3A_202 = arith.constant 0 : i32
      %cond3A_203 = arith.cmpi ne, %convert_element_type3A_201, %cond3A_202 : i32
      scf.if %cond3A_203 {
        %add3A_216 = arith.constant 3 : i32
        %add3A_217 = arith.addi %add3A_71, %add3A_216 : i32
        %add3A_218 = arith.constant 5 : i32
        %add3A_219 = arith.addi %add3A_217, %add3A_218 : i32
        %mul3A_220 = arith.constant 64 : i32
        %mul3A_221 = arith.muli %add3A_219, %mul3A_220 : i32
        %add3A_222 = arith.addi %multiple_of3A_11, %mul3A_221 : i32
        %multiple_of3A_223 = tpu.assume_multiple %add3A_222, 8 : i32
        %dma_start3A_224 = tpu.memref_slice %arg3[%multiple_of3A_223] : memref<327680xi32, #tpu.memory_space<hbm>> -> memref<64xi32, #tpu.memory_space<hbm>>
        %dma_start3A_225 = tpu.memref_slice %arg3[%multiple_of3A_223] : memref<327680xi32, #tpu.memory_space<hbm>> -> memref<64xi32, #tpu.memory_space<hbm>>
        tpu.enqueue_dma source(%dma_start3A_225 : memref<64xi32, #tpu.memory_space<hbm>>) target(%arg10 : memref<64xi32, #tpu.memory_space<vmem>>) target_semaphore(%arg26 : memref<!tpu.dma_semaphore, #tpu.memory_space<semaphore_mem>>)
        %dma_start3A_226 = tpu.memref_slice %arg4[%multiple_of3A_223] : memref<327680xi32, #tpu.memory_space<hbm>> -> memref<64xi32, #tpu.memory_space<hbm>>
        %dma_start3A_227 = tpu.memref_slice %arg4[%multiple_of3A_223] : memref<327680xi32, #tpu.memory_space<hbm>> -> memref<64xi32, #tpu.memory_space<hbm>>
        tpu.enqueue_dma source(%dma_start3A_227 : memref<64xi32, #tpu.memory_space<hbm>>) target(%arg15 : memref<64xi32, #tpu.memory_space<vmem>>) target_semaphore(%arg31 : memref<!tpu.dma_semaphore, #tpu.memory_space<semaphore_mem>>)
      } else {
      }
      %dma_wait3A_204 = arith.constant 0 : i32
      %dma_wait3A_205 = arith.constant 0 : i32
      %dma_wait3A_206 = tpu.memref_slice %arg22[%dma_wait3A_204, %dma_wait3A_205] : memref<10256x128xf32, #tpu.memory_space<vmem_shared>> -> memref<10256x128xf32, #tpu.memory_space<vmem_shared>>
      tpu.wait_indirect_dma semaphore(%arg42 : memref<!tpu.dma_semaphore, #tpu.memory_space<semaphore_mem>>) src(%arg21 : memref<64x128xf32, #tpu.memory_space<vmem>>) dst(%dma_wait3A_206 : memref<10256x128xf32, #tpu.memory_space<vmem_shared>>)
      %add3A_207 = arith.constant 4 : i32
      %add3A_208 = arith.addi %add3A_71, %add3A_207 : i32
      %add3A_209 = arith.constant 5 : i32
      %add3A_210 = arith.addi %add3A_208, %add3A_209 : i32
      %lt3A_211 = arith.constant 160 : i32
      %lt3A_212 = arith.cmpi slt, %add3A_210, %lt3A_211 : i32
      %convert_element_type3A_213 = arith.extui %lt3A_212 : i1 to i32
      %cond3A_214 = arith.constant 0 : i32
      %cond3A_215 = arith.cmpi ne, %convert_element_type3A_213, %cond3A_214 : i32
      scf.if %cond3A_215 {
        %add3A_216 = arith.constant 4 : i32
        %add3A_217 = arith.addi %add3A_71, %add3A_216 : i32
        %add3A_218 = arith.constant 5 : i32
        %add3A_219 = arith.addi %add3A_217, %add3A_218 : i32
        %mul3A_220 = arith.constant 64 : i32
        %mul3A_221 = arith.muli %add3A_219, %mul3A_220 : i32
        %add3A_222 = arith.addi %multiple_of3A_11, %mul3A_221 : i32
        %multiple_of3A_223 = tpu.assume_multiple %add3A_222, 8 : i32
        %dma_start3A_224 = tpu.memref_slice %arg3[%multiple_of3A_223] : memref<327680xi32, #tpu.memory_space<hbm>> -> memref<64xi32, #tpu.memory_space<hbm>>
        %dma_start3A_225 = tpu.memref_slice %arg3[%multiple_of3A_223] : memref<327680xi32, #tpu.memory_space<hbm>> -> memref<64xi32, #tpu.memory_space<hbm>>
        tpu.enqueue_dma source(%dma_start3A_225 : memref<64xi32, #tpu.memory_space<hbm>>) target(%arg11 : memref<64xi32, #tpu.memory_space<vmem>>) target_semaphore(%arg27 : memref<!tpu.dma_semaphore, #tpu.memory_space<semaphore_mem>>)
        %dma_start3A_226 = tpu.memref_slice %arg4[%multiple_of3A_223] : memref<327680xi32, #tpu.memory_space<hbm>> -> memref<64xi32, #tpu.memory_space<hbm>>
        %dma_start3A_227 = tpu.memref_slice %arg4[%multiple_of3A_223] : memref<327680xi32, #tpu.memory_space<hbm>> -> memref<64xi32, #tpu.memory_space<hbm>>
        tpu.enqueue_dma source(%dma_start3A_227 : memref<64xi32, #tpu.memory_space<hbm>>) target(%arg16 : memref<64xi32, #tpu.memory_space<vmem>>) target_semaphore(%arg32 : memref<!tpu.dma_semaphore, #tpu.memory_space<semaphore_mem>>)
      } else {
      }
    }
    %scan3A_49 = arith.constant 32 : i32
    %barrier3A_50 = arith.constant 0 : index
    tpu.barrier barrier_id(%barrier3A_50)
    %mul3A_51 = arith.constant 10000 : i32
    %mul3A_52 = arith.muli %arg0, %mul3A_51 : i32
    %mul3A_53 = arith.constant 640 : i32
    %mul3A_54 = arith.muli %arg1, %mul3A_53 : i32
    %add3A_55 = arith.addi %mul3A_52, %mul3A_54 : i32
    %multiple_of3A_56 = tpu.assume_multiple %add3A_55, 8 : i32
    %lt3A_57 = arith.constant 15 : i32
    %lt3A_58 = arith.cmpi slt, %arg1, %lt3A_57 : i32
    %convert_element_type3A_59 = arith.extui %lt3A_58 : i1 to i32
    %cond3A_60 = arith.constant 0 : i32
    %cond3A_61 = arith.cmpi ne, %convert_element_type3A_59, %cond3A_60 : i32
    scf.if %cond3A_61 {
      "tpu.region"() ({
        %run_scoped3A = tpu.sem_alloc : memref<!tpu.dma_semaphore, #tpu.memory_space<semaphore_mem>>
        %dma_start3A_67 = arith.constant 0 : i32
        %dma_start3A_68 = tpu.memref_slice %arg6[%multiple_of3A_56, %dma_start3A_67] : memref<20000x128xf32, #tpu.memory_space<hbm>> -> memref<640x128xf32, #tpu.memory_space<hbm>>
        %dma_start3A_69 = arith.constant 0 : i32
        %dma_start3A_70 = tpu.memref_slice %arg22[%multiple_of3A, %dma_start3A_69] : memref<10256x128xf32, #tpu.memory_space<vmem_shared>> -> memref<640x128xf32, #tpu.memory_space<vmem_shared>>
        tpu.enqueue_dma source(%dma_start3A_70 : memref<640x128xf32, #tpu.memory_space<vmem_shared>>) target(%dma_start3A_68 : memref<640x128xf32, #tpu.memory_space<hbm>>) target_semaphore(%run_scoped3A : memref<!tpu.dma_semaphore, #tpu.memory_space<semaphore_mem>>)
        %dma_wait3A = arith.constant 0 : i32
        %dma_wait3A_71 = tpu.memref_slice %arg6[%multiple_of3A_56, %dma_wait3A] : memref<20000x128xf32, #tpu.memory_space<hbm>> -> memref<640x128xf32, #tpu.memory_space<hbm>>
        %dma_wait3A_72 = arith.constant 0 : i32
        %dma_wait3A_73 = tpu.memref_slice %arg22[%multiple_of3A, %dma_wait3A_72] : memref<10256x128xf32, #tpu.memory_space<vmem_shared>> -> memref<640x128xf32, #tpu.memory_space<vmem_shared>>
        tpu.wait_dma2 semaphore(%run_scoped3A : memref<!tpu.dma_semaphore, #tpu.memory_space<semaphore_mem>>) src(%dma_wait3A_73 : memref<640x128xf32, #tpu.memory_space<vmem_shared>>) dst(%dma_wait3A_71 : memref<640x128xf32, #tpu.memory_space<hbm>>)
        tpu.yield
      }) : () -> ()
    } else {
    }
    %eq3A_62 = arith.constant 15 : i32
    %eq3A_63 = arith.cmpi eq, %arg1, %eq3A_62 : i32
    %convert_element_type3A_64 = arith.extui %eq3A_63 : i1 to i32
    %cond3A_65 = arith.constant 0 : i32
    %cond3A_66 = arith.cmpi ne, %convert_element_type3A_64, %cond3A_65 : i32
    scf.if %cond3A_66 {
      "tpu.region"() ({
        %run_scoped3A = tpu.sem_alloc : memref<!tpu.dma_semaphore, #tpu.memory_space<semaphore_mem>>
        %dma_start3A_67 = arith.constant 0 : i32
        %dma_start3A_68 = tpu.memref_slice %arg6[%multiple_of3A_56, %dma_start3A_67] : memref<20000x128xf32, #tpu.memory_space<hbm>> -> memref<400x128xf32, #tpu.memory_space<hbm>>
        %dma_start3A_69 = arith.constant 0 : i32
        %dma_start3A_70 = tpu.memref_slice %arg22[%multiple_of3A, %dma_start3A_69] : memref<10256x128xf32, #tpu.memory_space<vmem_shared>> -> memref<400x128xf32, #tpu.memory_space<vmem_shared>>
        tpu.enqueue_dma source(%dma_start3A_70 : memref<400x128xf32, #tpu.memory_space<vmem_shared>>) target(%dma_start3A_68 : memref<400x128xf32, #tpu.memory_space<hbm>>) target_semaphore(%run_scoped3A : memref<!tpu.dma_semaphore, #tpu.memory_space<semaphore_mem>>)
        %dma_wait3A = arith.constant 0 : i32
        %dma_wait3A_71 = tpu.memref_slice %arg6[%multiple_of3A_56, %dma_wait3A] : memref<20000x128xf32, #tpu.memory_space<hbm>> -> memref<400x128xf32, #tpu.memory_space<hbm>>
        %dma_wait3A_72 = arith.constant 0 : i32
        %dma_wait3A_73 = tpu.memref_slice %arg22[%multiple_of3A, %dma_wait3A_72] : memref<10256x128xf32, #tpu.memory_space<vmem_shared>> -> memref<400x128xf32, #tpu.memory_space<vmem_shared>>
        tpu.wait_dma2 semaphore(%run_scoped3A : memref<!tpu.dma_semaphore, #tpu.memory_space<semaphore_mem>>) src(%dma_wait3A_73 : memref<400x128xf32, #tpu.memory_space<vmem_shared>>) dst(%dma_wait3A_71 : memref<400x128xf32, #tpu.memory_space<hbm>>)
        tpu.yield
      }) : () -> ()
    } else {
    }
    return
  }
}

#map = affine_map<(d0, d1) -> (0, 0)>
#map1 = affine_map<(d0, d1) -> (0)>
module attributes {stable_mosaic.version = 14 : i64} {
  func.func @_agg_body(%arg0: i32, %arg1: i32, %arg2: memref<10000x128xf32, #tpu.memory_space<hbm>>, %arg3: memref<327680xi32, #tpu.memory_space<hbm>>, %arg4: memref<327680xi32, #tpu.memory_space<hbm>>, %arg5: memref<10000x128xf32, #tpu.memory_space<hbm>>, %arg6: memref<20000x128xf32, #tpu.memory_space<hbm>>, %arg7: memref<64xi32, #tpu.memory_space<vmem>>, %arg8: memref<64xi32, #tpu.memory_space<vmem>>, %arg9: memref<64xi32, #tpu.memory_space<vmem>>, %arg10: memref<64xi32, #tpu.memory_space<vmem>>, %arg11: memref<64xi32, #tpu.memory_space<vmem>>, %arg12: memref<64xi32, #tpu.memory_space<vmem>>, %arg13: memref<64xi32, #tpu.memory_space<vmem>>, %arg14: memref<64xi32, #tpu.memory_space<vmem>>, %arg15: memref<64xi32, #tpu.memory_space<vmem>>, %arg16: memref<64xi32, #tpu.memory_space<vmem>>, %arg17: memref<64x128xf32, #tpu.memory_space<vmem>>, %arg18: memref<64x128xf32, #tpu.memory_space<vmem>>, %arg19: memref<64x128xf32, #tpu.memory_space<vmem>>, %arg20: memref<64x128xf32, #tpu.memory_space<vmem>>, %arg21: memref<64x128xf32, #tpu.memory_space<vmem>>, %arg22: memref<10256x128xf32, #tpu.memory_space<vmem_shared>>, %arg23: memref<!tpu.dma_semaphore, #tpu.memory_space<semaphore_mem>>, %arg24: memref<!tpu.dma_semaphore, #tpu.memory_space<semaphore_mem>>, %arg25: memref<!tpu.dma_semaphore, #tpu.memory_space<semaphore_mem>>, %arg26: memref<!tpu.dma_semaphore, #tpu.memory_space<semaphore_mem>>, %arg27: memref<!tpu.dma_semaphore, #tpu.memory_space<semaphore_mem>>, %arg28: memref<!tpu.dma_semaphore, #tpu.memory_space<semaphore_mem>>, %arg29: memref<!tpu.dma_semaphore, #tpu.memory_space<semaphore_mem>>, %arg30: memref<!tpu.dma_semaphore, #tpu.memory_space<semaphore_mem>>, %arg31: memref<!tpu.dma_semaphore, #tpu.memory_space<semaphore_mem>>, %arg32: memref<!tpu.dma_semaphore, #tpu.memory_space<semaphore_mem>>, %arg33: memref<!tpu.dma_semaphore, #tpu.memory_space<semaphore_mem>>, %arg34: memref<!tpu.dma_semaphore, #tpu.memory_space<semaphore_mem>>, %arg35: memref<!tpu.dma_semaphore, #tpu.memory_space<semaphore_mem>>, %arg36: memref<!tpu.dma_semaphore, #tpu.memory_space<semaphore_mem>>, %arg37: memref<!tpu.dma_semaphore, #tpu.memory_space<semaphore_mem>>, %arg38: memref<!tpu.dma_semaphore, #tpu.memory_space<semaphore_mem>>, %arg39: memref<!tpu.dma_semaphore, #tpu.memory_space<semaphore_mem>>, %arg40: memref<!tpu.dma_semaphore, #tpu.memory_space<semaphore_mem>>, %arg41: memref<!tpu.dma_semaphore, #tpu.memory_space<semaphore_mem>>, %arg42: memref<!tpu.dma_semaphore, #tpu.memory_space<semaphore_mem>>) attributes {dimension_semantics = [#tpu.dimension_semantics<core_parallel>, #tpu.dimension_semantics<subcore_parallel>], iteration_bounds = array<i64: 2, 16>, scalar_prefetch = 0 : i64, scratch_operands = 36 : i64, tpu.core_type = #tpu.core_type<sc_vector_subcore>, window_params = [{transform_indices = #map}, {transform_indices = #map1}, {transform_indices = #map1}, {transform_indices = #map}, {transform_indices = #map}]} {
    %mul3A = arith.constant 2 : i32
    %mul3A_0 = arith.muli %arg1, %mul3A : i32
    %add3A = arith.addi %mul3A_0, %arg0 : i32
    %mul3A_1 = arith.constant 640 : i32
    %mul3A_2 = arith.muli %arg1, %mul3A_1 : i32
    %multiple_of3A = tpu.assume_multiple %mul3A_2, 8 : i32
    %lt3A = arith.constant 15 : i32
    %lt3A_3 = arith.cmpi slt, %arg1, %lt3A : i32
    %convert_element_type3A = arith.extui %lt3A_3 : i1 to i32
    %cond3A = arith.constant 0 : i32
    %cond3A_4 = arith.cmpi ne, %convert_element_type3A, %cond3A : i32
    scf.if %cond3A_4 {
      "tpu.region"() ({
        %run_scoped3A = tpu.sem_alloc : memref<!tpu.dma_semaphore, #tpu.memory_space<semaphore_mem>>
        %dma_start3A_67 = arith.constant 0 : i32
        %dma_start3A_68 = tpu.memref_slice %arg22[%multiple_of3A, %dma_start3A_67] : memref<10256x128xf32, #tpu.memory_space<vmem_shared>> -> memref<640x128xf32, #tpu.memory_space<vmem_shared>>
        %dma_start3A_69 = arith.constant 0 : i32
        %dma_start3A_70 = tpu.memref_slice %arg5[%multiple_of3A, %dma_start3A_69] : memref<10000x128xf32, #tpu.memory_space<hbm>> -> memref<640x128xf32, #tpu.memory_space<hbm>>
        tpu.enqueue_dma source(%dma_start3A_70 : memref<640x128xf32, #tpu.memory_space<hbm>>) target(%dma_start3A_68 : memref<640x128xf32, #tpu.memory_space<vmem_shared>>) target_semaphore(%run_scoped3A : memref<!tpu.dma_semaphore, #tpu.memory_space<semaphore_mem>>)
        %dma_wait3A = arith.constant 0 : i32
        %dma_wait3A_71 = tpu.memref_slice %arg22[%multiple_of3A, %dma_wait3A] : memref<10256x128xf32, #tpu.memory_space<vmem_shared>> -> memref<640x128xf32, #tpu.memory_space<vmem_shared>>
        %dma_wait3A_72 = arith.constant 0 : i32
        %dma_wait3A_73 = tpu.memref_slice %arg5[%multiple_of3A, %dma_wait3A_72] : memref<10000x128xf32, #tpu.memory_space<hbm>> -> memref<640x128xf32, #tpu.memory_space<hbm>>
        tpu.wait_dma2 semaphore(%run_scoped3A : memref<!tpu.dma_semaphore, #tpu.memory_space<semaphore_mem>>) src(%dma_wait3A_73 : memref<640x128xf32, #tpu.memory_space<hbm>>) dst(%dma_wait3A_71 : memref<640x128xf32, #tpu.memory_space<vmem_shared>>)
        tpu.yield
      }) : () -> ()
    } else {
    }
    %eq3A = arith.constant 15 : i32
    %eq3A_5 = arith.cmpi eq, %arg1, %eq3A : i32
    %convert_element_type3A_6 = arith.extui %eq3A_5 : i1 to i32
    %cond3A_7 = arith.constant 0 : i32
    %cond3A_8 = arith.cmpi ne, %convert_element_type3A_6, %cond3A_7 : i32
    scf.if %cond3A_8 {
      "tpu.region"() ({
        %run_scoped3A = tpu.sem_alloc : memref<!tpu.dma_semaphore, #tpu.memory_space<semaphore_mem>>
        %dma_start3A_67 = arith.constant 0 : i32
        %dma_start3A_68 = tpu.memref_slice %arg22[%multiple_of3A, %dma_start3A_67] : memref<10256x128xf32, #tpu.memory_space<vmem_shared>> -> memref<400x128xf32, #tpu.memory_space<vmem_shared>>
        %dma_start3A_69 = arith.constant 0 : i32
        %dma_start3A_70 = tpu.memref_slice %arg5[%multiple_of3A, %dma_start3A_69] : memref<10000x128xf32, #tpu.memory_space<hbm>> -> memref<400x128xf32, #tpu.memory_space<hbm>>
        tpu.enqueue_dma source(%dma_start3A_70 : memref<400x128xf32, #tpu.memory_space<hbm>>) target(%dma_start3A_68 : memref<400x128xf32, #tpu.memory_space<vmem_shared>>) target_semaphore(%run_scoped3A : memref<!tpu.dma_semaphore, #tpu.memory_space<semaphore_mem>>)
        %dma_wait3A = arith.constant 0 : i32
        %dma_wait3A_71 = tpu.memref_slice %arg22[%multiple_of3A, %dma_wait3A] : memref<10256x128xf32, #tpu.memory_space<vmem_shared>> -> memref<400x128xf32, #tpu.memory_space<vmem_shared>>
        %dma_wait3A_72 = arith.constant 0 : i32
        %dma_wait3A_73 = tpu.memref_slice %arg5[%multiple_of3A, %dma_wait3A_72] : memref<10000x128xf32, #tpu.memory_space<hbm>> -> memref<400x128xf32, #tpu.memory_space<hbm>>
        tpu.wait_dma2 semaphore(%run_scoped3A : memref<!tpu.dma_semaphore, #tpu.memory_space<semaphore_mem>>) src(%dma_wait3A_73 : memref<400x128xf32, #tpu.memory_space<hbm>>) dst(%dma_wait3A_71 : memref<400x128xf32, #tpu.memory_space<vmem_shared>>)
        tpu.yield
      }) : () -> ()
    } else {
    }
    %barrier3A = arith.constant 0 : index
    tpu.barrier barrier_id(%barrier3A)
    %mul3A_9 = arith.constant 10240 : i32
    %mul3A_10 = arith.muli %add3A, %mul3A_9 : i32
    %multiple_of3A_11 = tpu.assume_multiple %mul3A_10, 8 : i32
    %add3A_12 = arith.constant 0 : i32
    %add3A_13 = arith.addi %multiple_of3A_11, %add3A_12 : i32
    %multiple_of3A_14 = tpu.assume_multiple %add3A_13, 8 : i32
    %dma_start3A = tpu.memref_slice %arg3[%multiple_of3A_14] : memref<327680xi32, #tpu.memory_space<hbm>> -> memref<64xi32, #tpu.memory_space<hbm>>
    %dma_start3A_15 = tpu.memref_slice %arg3[%multiple_of3A_14] : memref<327680xi32, #tpu.memory_space<hbm>> -> memref<64xi32, #tpu.memory_space<hbm>>
    tpu.enqueue_dma source(%dma_start3A_15 : memref<64xi32, #tpu.memory_space<hbm>>) target(%arg7 : memref<64xi32, #tpu.memory_space<vmem>>) target_semaphore(%arg23 : memref<!tpu.dma_semaphore, #tpu.memory_space<semaphore_mem>>)
    %dma_start3A_16 = tpu.memref_slice %arg4[%multiple_of3A_14] : memref<327680xi32, #tpu.memory_space<hbm>> -> memref<64xi32, #tpu.memory_space<hbm>>
    %dma_start3A_17 = tpu.memref_slice %arg4[%multiple_of3A_14] : memref<327680xi32, #tpu.memory_space<hbm>> -> memref<64xi32, #tpu.memory_space<hbm>>
    tpu.enqueue_dma source(%dma_start3A_17 : memref<64xi32, #tpu.memory_space<hbm>>) target(%arg12 : memref<64xi32, #tpu.memory_space<vmem>>) target_semaphore(%arg28 : memref<!tpu.dma_semaphore, #tpu.memory_space<semaphore_mem>>)
    %add3A_18 = arith.constant 64 : i32
    %add3A_19 = arith.addi %multiple_of3A_11, %add3A_18 : i32
    %multiple_of3A_20 = tpu.assume_multiple %add3A_19, 8 : i32
    %dma_start3A_21 = tpu.memref_slice %arg3[%multiple_of3A_20] : memref<327680xi32, #tpu.memory_space<hbm>> -> memref<64xi32, #tpu.memory_space<hbm>>
    %dma_start3A_22 = tpu.memref_slice %arg3[%multiple_of3A_20] : memref<327680xi32, #tpu.memory_space<hbm>> -> memref<64xi32, #tpu.memory_space<hbm>>
    tpu.enqueue_dma source(%dma_start3A_22 : memref<64xi32, #tpu.memory_space<hbm>>) target(%arg8 : memref<64xi32, #tpu.memory_space<vmem>>) target_semaphore(%arg24 : memref<!tpu.dma_semaphore, #tpu.memory_space<semaphore_mem>>)
    %dma_start3A_23 = tpu.memref_slice %arg4[%multiple_of3A_20] : memref<327680xi32, #tpu.memory_space<hbm>> -> memref<64xi32, #tpu.memory_space<hbm>>
    %dma_start3A_24 = tpu.memref_slice %arg4[%multiple_of3A_20] : memref<327680xi32, #tpu.memory_space<hbm>> -> memref<64xi32, #tpu.memory_space<hbm>>
    tpu.enqueue_dma source(%dma_start3A_24 : memref<64xi32, #tpu.memory_space<hbm>>) target(%arg13 : memref<64xi32, #tpu.memory_space<vmem>>) target_semaphore(%arg29 : memref<!tpu.dma_semaphore, #tpu.memory_space<semaphore_mem>>)
    %add3A_25 = arith.constant 128 : i32
    %add3A_26 = arith.addi %multiple_of3A_11, %add3A_25 : i32
    %multiple_of3A_27 = tpu.assume_multiple %add3A_26, 8 : i32
    %dma_start3A_28 = tpu.memref_slice %arg3[%multiple_of3A_27] : memref<327680xi32, #tpu.memory_space<hbm>> -> memref<64xi32, #tpu.memory_space<hbm>>
    %dma_start3A_29 = tpu.memref_slice %arg3[%multiple_of3A_27] : memref<327680xi32, #tpu.memory_space<hbm>> -> memref<64xi32, #tpu.memory_space<hbm>>
    tpu.enqueue_dma source(%dma_start3A_29 : memref<64xi32, #tpu.memory_space<hbm>>) target(%arg9 : memref<64xi32, #tpu.memory_space<vmem>>) target_semaphore(%arg25 : memref<!tpu.dma_semaphore, #tpu.memory_space<semaphore_mem>>)
    %dma_start3A_30 = tpu.memref_slice %arg4[%multiple_of3A_27] : memref<327680xi32, #tpu.memory_space<hbm>> -> memref<64xi32, #tpu.memory_space<hbm>>
    %dma_start3A_31 = tpu.memref_slice %arg4[%multiple_of3A_27] : memref<327680xi32, #tpu.memory_space<hbm>> -> memref<64xi32, #tpu.memory_space<hbm>>
    tpu.enqueue_dma source(%dma_start3A_31 : memref<64xi32, #tpu.memory_space<hbm>>) target(%arg14 : memref<64xi32, #tpu.memory_space<vmem>>) target_semaphore(%arg30 : memref<!tpu.dma_semaphore, #tpu.memory_space<semaphore_mem>>)
    %add3A_32 = arith.constant 192 : i32
    %add3A_33 = arith.addi %multiple_of3A_11, %add3A_32 : i32
    %multiple_of3A_34 = tpu.assume_multiple %add3A_33, 8 : i32
    %dma_start3A_35 = tpu.memref_slice %arg3[%multiple_of3A_34] : memref<327680xi32, #tpu.memory_space<hbm>> -> memref<64xi32, #tpu.memory_space<hbm>>
    %dma_start3A_36 = tpu.memref_slice %arg3[%multiple_of3A_34] : memref<327680xi32, #tpu.memory_space<hbm>> -> memref<64xi32, #tpu.memory_space<hbm>>
    tpu.enqueue_dma source(%dma_start3A_36 : memref<64xi32, #tpu.memory_space<hbm>>) target(%arg10 : memref<64xi32, #tpu.memory_space<vmem>>) target_semaphore(%arg26 : memref<!tpu.dma_semaphore, #tpu.memory_space<semaphore_mem>>)
    %dma_start3A_37 = tpu.memref_slice %arg4[%multiple_of3A_34] : memref<327680xi32, #tpu.memory_space<hbm>> -> memref<64xi32, #tpu.memory_space<hbm>>
    %dma_start3A_38 = tpu.memref_slice %arg4[%multiple_of3A_34] : memref<327680xi32, #tpu.memory_space<hbm>> -> memref<64xi32, #tpu.memory_space<hbm>>
    tpu.enqueue_dma source(%dma_start3A_38 : memref<64xi32, #tpu.memory_space<hbm>>) target(%arg15 : memref<64xi32, #tpu.memory_space<vmem>>) target_semaphore(%arg31 : memref<!tpu.dma_semaphore, #tpu.memory_space<semaphore_mem>>)
    %add3A_39 = arith.constant 256 : i32
    %add3A_40 = arith.addi %multiple_of3A_11, %add3A_39 : i32
    %multiple_of3A_41 = tpu.assume_multiple %add3A_40, 8 : i32
    %dma_start3A_42 = tpu.memref_slice %arg3[%multiple_of3A_41] : memref<327680xi32, #tpu.memory_space<hbm>> -> memref<64xi32, #tpu.memory_space<hbm>>
    %dma_start3A_43 = tpu.memref_slice %arg3[%multiple_of3A_41] : memref<327680xi32, #tpu.memory_space<hbm>> -> memref<64xi32, #tpu.memory_space<hbm>>
    tpu.enqueue_dma source(%dma_start3A_43 : memref<64xi32, #tpu.memory_space<hbm>>) target(%arg11 : memref<64xi32, #tpu.memory_space<vmem>>) target_semaphore(%arg27 : memref<!tpu.dma_semaphore, #tpu.memory_space<semaphore_mem>>)
    %dma_start3A_44 = tpu.memref_slice %arg4[%multiple_of3A_41] : memref<327680xi32, #tpu.memory_space<hbm>> -> memref<64xi32, #tpu.memory_space<hbm>>
    %dma_start3A_45 = tpu.memref_slice %arg4[%multiple_of3A_41] : memref<327680xi32, #tpu.memory_space<hbm>> -> memref<64xi32, #tpu.memory_space<hbm>>
    tpu.enqueue_dma source(%dma_start3A_45 : memref<64xi32, #tpu.memory_space<hbm>>) target(%arg16 : memref<64xi32, #tpu.memory_space<vmem>>) target_semaphore(%arg32 : memref<!tpu.dma_semaphore, #tpu.memory_space<semaphore_mem>>)
    %scan3A = arith.constant 0 : i32
    %scan3A_46 = arith.constant 32 : i32
    %scan3A_47 = arith.addi %scan3A, %scan3A_46 : i32
    %scan3A_48 = arith.constant 1 : i32
    scf.for %scan3A_67 = %scan3A to %scan3A_47 step %scan3A_48  : i32 {
      %mul3A_68 = arith.constant 5 : i32
      %mul3A_69 = arith.muli %scan3A_67, %mul3A_68 : i32
      %add3A_70 = arith.constant 0 : i32
      %add3A_71 = arith.addi %add3A_70, %mul3A_69 : i32
      %dma_wait3A = arith.constant 0 : i32
      %dma_wait3A_72 = tpu.memref_slice %arg3[%dma_wait3A] : memref<327680xi32, #tpu.memory_space<hbm>> -> memref<64xi32, #tpu.memory_space<hbm>>
      %dma_wait3A_73 = arith.constant 0 : i32
      %dma_wait3A_74 = tpu.memref_slice %arg3[%dma_wait3A_73] : memref<327680xi32, #tpu.memory_space<hbm>> -> memref<64xi32, #tpu.memory_space<hbm>>
      tpu.wait_dma2 semaphore(%arg23 : memref<!tpu.dma_semaphore, #tpu.memory_space<semaphore_mem>>) src(%dma_wait3A_74 : memref<64xi32, #tpu.memory_space<hbm>>) dst(%arg7 : memref<64xi32, #tpu.memory_space<vmem>>)
      %dma_start3A_75 = arith.constant 0 : i32
      %dma_start3A_76 = arith.constant 0 : i32
      %dma_start3A_77 = tpu.memref_slice %arg2[%dma_start3A_75, %dma_start3A_76] : memref<10000x128xf32, #tpu.memory_space<hbm>> -> memref<10000x128xf32, #tpu.memory_space<hbm>>
      tpu.enqueue_indirect_dma source(%dma_start3A_77 : memref<10000x128xf32, #tpu.memory_space<hbm>>) target(%arg17 : memref<64x128xf32, #tpu.memory_space<vmem>>) offsets(%arg7 : memref<64xi32, #tpu.memory_space<vmem>>) semaphore(%arg33 : memref<!tpu.dma_semaphore, #tpu.memory_space<semaphore_mem>>)
      %dma_wait3A_78 = arith.constant 0 : i32
      %dma_wait3A_79 = tpu.memref_slice %arg3[%dma_wait3A_78] : memref<327680xi32, #tpu.memory_space<hbm>> -> memref<64xi32, #tpu.memory_space<hbm>>
      %dma_wait3A_80 = arith.constant 0 : i32
      %dma_wait3A_81 = tpu.memref_slice %arg3[%dma_wait3A_80] : memref<327680xi32, #tpu.memory_space<hbm>> -> memref<64xi32, #tpu.memory_space<hbm>>
      tpu.wait_dma2 semaphore(%arg24 : memref<!tpu.dma_semaphore, #tpu.memory_space<semaphore_mem>>) src(%dma_wait3A_81 : memref<64xi32, #tpu.memory_space<hbm>>) dst(%arg8 : memref<64xi32, #tpu.memory_space<vmem>>)
      %dma_start3A_82 = arith.constant 0 : i32
      %dma_start3A_83 = arith.constant 0 : i32
      %dma_start3A_84 = tpu.memref_slice %arg2[%dma_start3A_82, %dma_start3A_83] : memref<10000x128xf32, #tpu.memory_space<hbm>> -> memref<10000x128xf32, #tpu.memory_space<hbm>>
      tpu.enqueue_indirect_dma source(%dma_start3A_84 : memref<10000x128xf32, #tpu.memory_space<hbm>>) target(%arg18 : memref<64x128xf32, #tpu.memory_space<vmem>>) offsets(%arg8 : memref<64xi32, #tpu.memory_space<vmem>>) semaphore(%arg34 : memref<!tpu.dma_semaphore, #tpu.memory_space<semaphore_mem>>)
      %dma_wait3A_85 = arith.constant 0 : i32
      %dma_wait3A_86 = tpu.memref_slice %arg3[%dma_wait3A_85] : memref<327680xi32, #tpu.memory_space<hbm>> -> memref<64xi32, #tpu.memory_space<hbm>>
      %dma_wait3A_87 = arith.constant 0 : i32
      %dma_wait3A_88 = tpu.memref_slice %arg3[%dma_wait3A_87] : memref<327680xi32, #tpu.memory_space<hbm>> -> memref<64xi32, #tpu.memory_space<hbm>>
      tpu.wait_dma2 semaphore(%arg25 : memref<!tpu.dma_semaphore, #tpu.memory_space<semaphore_mem>>) src(%dma_wait3A_88 : memref<64xi32, #tpu.memory_space<hbm>>) dst(%arg9 : memref<64xi32, #tpu.memory_space<vmem>>)
      %dma_start3A_89 = arith.constant 0 : i32
      %dma_start3A_90 = arith.constant 0 : i32
      %dma_start3A_91 = tpu.memref_slice %arg2[%dma_start3A_89, %dma_start3A_90] : memref<10000x128xf32, #tpu.memory_space<hbm>> -> memref<10000x128xf32, #tpu.memory_space<hbm>>
      tpu.enqueue_indirect_dma source(%dma_start3A_91 : memref<10000x128xf32, #tpu.memory_space<hbm>>) target(%arg19 : memref<64x128xf32, #tpu.memory_space<vmem>>) offsets(%arg9 : memref<64xi32, #tpu.memory_space<vmem>>) semaphore(%arg35 : memref<!tpu.dma_semaphore, #tpu.memory_space<semaphore_mem>>)
      %dma_wait3A_92 = arith.constant 0 : i32
      %dma_wait3A_93 = tpu.memref_slice %arg3[%dma_wait3A_92] : memref<327680xi32, #tpu.memory_space<hbm>> -> memref<64xi32, #tpu.memory_space<hbm>>
      %dma_wait3A_94 = arith.constant 0 : i32
      %dma_wait3A_95 = tpu.memref_slice %arg3[%dma_wait3A_94] : memref<327680xi32, #tpu.memory_space<hbm>> -> memref<64xi32, #tpu.memory_space<hbm>>
      tpu.wait_dma2 semaphore(%arg26 : memref<!tpu.dma_semaphore, #tpu.memory_space<semaphore_mem>>) src(%dma_wait3A_95 : memref<64xi32, #tpu.memory_space<hbm>>) dst(%arg10 : memref<64xi32, #tpu.memory_space<vmem>>)
      %dma_start3A_96 = arith.constant 0 : i32
      %dma_start3A_97 = arith.constant 0 : i32
      %dma_start3A_98 = tpu.memref_slice %arg2[%dma_start3A_96, %dma_start3A_97] : memref<10000x128xf32, #tpu.memory_space<hbm>> -> memref<10000x128xf32, #tpu.memory_space<hbm>>
      tpu.enqueue_indirect_dma source(%dma_start3A_98 : memref<10000x128xf32, #tpu.memory_space<hbm>>) target(%arg20 : memref<64x128xf32, #tpu.memory_space<vmem>>) offsets(%arg10 : memref<64xi32, #tpu.memory_space<vmem>>) semaphore(%arg36 : memref<!tpu.dma_semaphore, #tpu.memory_space<semaphore_mem>>)
      %dma_wait3A_99 = arith.constant 0 : i32
      %dma_wait3A_100 = tpu.memref_slice %arg3[%dma_wait3A_99] : memref<327680xi32, #tpu.memory_space<hbm>> -> memref<64xi32, #tpu.memory_space<hbm>>
      %dma_wait3A_101 = arith.constant 0 : i32
      %dma_wait3A_102 = tpu.memref_slice %arg3[%dma_wait3A_101] : memref<327680xi32, #tpu.memory_space<hbm>> -> memref<64xi32, #tpu.memory_space<hbm>>
      tpu.wait_dma2 semaphore(%arg27 : memref<!tpu.dma_semaphore, #tpu.memory_space<semaphore_mem>>) src(%dma_wait3A_102 : memref<64xi32, #tpu.memory_space<hbm>>) dst(%arg11 : memref<64xi32, #tpu.memory_space<vmem>>)
      %dma_start3A_103 = arith.constant 0 : i32
      %dma_start3A_104 = arith.constant 0 : i32
      %dma_start3A_105 = tpu.memref_slice %arg2[%dma_start3A_103, %dma_start3A_104] : memref<10000x128xf32, #tpu.memory_space<hbm>> -> memref<10000x128xf32, #tpu.memory_space<hbm>>
      tpu.enqueue_indirect_dma source(%dma_start3A_105 : memref<10000x128xf32, #tpu.memory_space<hbm>>) target(%arg21 : memref<64x128xf32, #tpu.memory_space<vmem>>) offsets(%arg11 : memref<64xi32, #tpu.memory_space<vmem>>) semaphore(%arg37 : memref<!tpu.dma_semaphore, #tpu.memory_space<semaphore_mem>>)
      %dma_wait3A_106 = arith.constant 0 : i32
      %dma_wait3A_107 = arith.constant 0 : i32
      %dma_wait3A_108 = tpu.memref_slice %arg2[%dma_wait3A_106, %dma_wait3A_107] : memref<10000x128xf32, #tpu.memory_space<hbm>> -> memref<10000x128xf32, #tpu.memory_space<hbm>>
      tpu.wait_indirect_dma semaphore(%arg33 : memref<!tpu.dma_semaphore, #tpu.memory_space<semaphore_mem>>) src(%dma_wait3A_108 : memref<10000x128xf32, #tpu.memory_space<hbm>>) dst(%arg17 : memref<64x128xf32, #tpu.memory_space<vmem>>)
      %dma_wait3A_109 = arith.constant 0 : i32
      %dma_wait3A_110 = tpu.memref_slice %arg3[%dma_wait3A_109] : memref<327680xi32, #tpu.memory_space<hbm>> -> memref<64xi32, #tpu.memory_space<hbm>>
      %dma_wait3A_111 = arith.constant 0 : i32
      %dma_wait3A_112 = tpu.memref_slice %arg3[%dma_wait3A_111] : memref<327680xi32, #tpu.memory_space<hbm>> -> memref<64xi32, #tpu.memory_space<hbm>>
      tpu.wait_dma2 semaphore(%arg28 : memref<!tpu.dma_semaphore, #tpu.memory_space<semaphore_mem>>) src(%dma_wait3A_112 : memref<64xi32, #tpu.memory_space<hbm>>) dst(%arg12 : memref<64xi32, #tpu.memory_space<vmem>>)
      %dma_start3A_113 = arith.constant 0 : i32
      %dma_start3A_114 = arith.constant 0 : i32
      %dma_start3A_115 = tpu.memref_slice %arg22[%dma_start3A_113, %dma_start3A_114] : memref<10256x128xf32, #tpu.memory_space<vmem_shared>> -> memref<10256x128xf32, #tpu.memory_space<vmem_shared>>
      tpu.enqueue_indirect_dma source(%arg17 : memref<64x128xf32, #tpu.memory_space<vmem>>) target(%dma_start3A_115 : memref<10256x128xf32, #tpu.memory_space<vmem_shared>>) offsets(%arg12 : memref<64xi32, #tpu.memory_space<vmem>>) semaphore(%arg38 : memref<!tpu.dma_semaphore, #tpu.memory_space<semaphore_mem>>) {add = true}
      %dma_wait3A_116 = arith.constant 0 : i32
      %dma_wait3A_117 = arith.constant 0 : i32
      %dma_wait3A_118 = tpu.memref_slice %arg2[%dma_wait3A_116, %dma_wait3A_117] : memref<10000x128xf32, #tpu.memory_space<hbm>> -> memref<10000x128xf32, #tpu.memory_space<hbm>>
      tpu.wait_indirect_dma semaphore(%arg34 : memref<!tpu.dma_semaphore, #tpu.memory_space<semaphore_mem>>) src(%dma_wait3A_118 : memref<10000x128xf32, #tpu.memory_space<hbm>>) dst(%arg18 : memref<64x128xf32, #tpu.memory_space<vmem>>)
      %dma_wait3A_119 = arith.constant 0 : i32
      %dma_wait3A_120 = tpu.memref_slice %arg3[%dma_wait3A_119] : memref<327680xi32, #tpu.memory_space<hbm>> -> memref<64xi32, #tpu.memory_space<hbm>>
      %dma_wait3A_121 = arith.constant 0 : i32
      %dma_wait3A_122 = tpu.memref_slice %arg3[%dma_wait3A_121] : memref<327680xi32, #tpu.memory_space<hbm>> -> memref<64xi32, #tpu.memory_space<hbm>>
      tpu.wait_dma2 semaphore(%arg29 : memref<!tpu.dma_semaphore, #tpu.memory_space<semaphore_mem>>) src(%dma_wait3A_122 : memref<64xi32, #tpu.memory_space<hbm>>) dst(%arg13 : memref<64xi32, #tpu.memory_space<vmem>>)
      %dma_start3A_123 = arith.constant 0 : i32
      %dma_start3A_124 = arith.constant 0 : i32
      %dma_start3A_125 = tpu.memref_slice %arg22[%dma_start3A_123, %dma_start3A_124] : memref<10256x128xf32, #tpu.memory_space<vmem_shared>> -> memref<10256x128xf32, #tpu.memory_space<vmem_shared>>
      tpu.enqueue_indirect_dma source(%arg18 : memref<64x128xf32, #tpu.memory_space<vmem>>) target(%dma_start3A_125 : memref<10256x128xf32, #tpu.memory_space<vmem_shared>>) offsets(%arg13 : memref<64xi32, #tpu.memory_space<vmem>>) semaphore(%arg39 : memref<!tpu.dma_semaphore, #tpu.memory_space<semaphore_mem>>) {add = true}
      %dma_wait3A_126 = arith.constant 0 : i32
      %dma_wait3A_127 = arith.constant 0 : i32
      %dma_wait3A_128 = tpu.memref_slice %arg2[%dma_wait3A_126, %dma_wait3A_127] : memref<10000x128xf32, #tpu.memory_space<hbm>> -> memref<10000x128xf32, #tpu.memory_space<hbm>>
      tpu.wait_indirect_dma semaphore(%arg35 : memref<!tpu.dma_semaphore, #tpu.memory_space<semaphore_mem>>) src(%dma_wait3A_128 : memref<10000x128xf32, #tpu.memory_space<hbm>>) dst(%arg19 : memref<64x128xf32, #tpu.memory_space<vmem>>)
      %dma_wait3A_129 = arith.constant 0 : i32
      %dma_wait3A_130 = tpu.memref_slice %arg3[%dma_wait3A_129] : memref<327680xi32, #tpu.memory_space<hbm>> -> memref<64xi32, #tpu.memory_space<hbm>>
      %dma_wait3A_131 = arith.constant 0 : i32
      %dma_wait3A_132 = tpu.memref_slice %arg3[%dma_wait3A_131] : memref<327680xi32, #tpu.memory_space<hbm>> -> memref<64xi32, #tpu.memory_space<hbm>>
      tpu.wait_dma2 semaphore(%arg30 : memref<!tpu.dma_semaphore, #tpu.memory_space<semaphore_mem>>) src(%dma_wait3A_132 : memref<64xi32, #tpu.memory_space<hbm>>) dst(%arg14 : memref<64xi32, #tpu.memory_space<vmem>>)
      %dma_start3A_133 = arith.constant 0 : i32
      %dma_start3A_134 = arith.constant 0 : i32
      %dma_start3A_135 = tpu.memref_slice %arg22[%dma_start3A_133, %dma_start3A_134] : memref<10256x128xf32, #tpu.memory_space<vmem_shared>> -> memref<10256x128xf32, #tpu.memory_space<vmem_shared>>
      tpu.enqueue_indirect_dma source(%arg19 : memref<64x128xf32, #tpu.memory_space<vmem>>) target(%dma_start3A_135 : memref<10256x128xf32, #tpu.memory_space<vmem_shared>>) offsets(%arg14 : memref<64xi32, #tpu.memory_space<vmem>>) semaphore(%arg40 : memref<!tpu.dma_semaphore, #tpu.memory_space<semaphore_mem>>) {add = true}
      %dma_wait3A_136 = arith.constant 0 : i32
      %dma_wait3A_137 = arith.constant 0 : i32
      %dma_wait3A_138 = tpu.memref_slice %arg2[%dma_wait3A_136, %dma_wait3A_137] : memref<10000x128xf32, #tpu.memory_space<hbm>> -> memref<10000x128xf32, #tpu.memory_space<hbm>>
      tpu.wait_indirect_dma semaphore(%arg36 : memref<!tpu.dma_semaphore, #tpu.memory_space<semaphore_mem>>) src(%dma_wait3A_138 : memref<10000x128xf32, #tpu.memory_space<hbm>>) dst(%arg20 : memref<64x128xf32, #tpu.memory_space<vmem>>)
      %dma_wait3A_139 = arith.constant 0 : i32
      %dma_wait3A_140 = tpu.memref_slice %arg3[%dma_wait3A_139] : memref<327680xi32, #tpu.memory_space<hbm>> -> memref<64xi32, #tpu.memory_space<hbm>>
      %dma_wait3A_141 = arith.constant 0 : i32
      %dma_wait3A_142 = tpu.memref_slice %arg3[%dma_wait3A_141] : memref<327680xi32, #tpu.memory_space<hbm>> -> memref<64xi32, #tpu.memory_space<hbm>>
      tpu.wait_dma2 semaphore(%arg31 : memref<!tpu.dma_semaphore, #tpu.memory_space<semaphore_mem>>) src(%dma_wait3A_142 : memref<64xi32, #tpu.memory_space<hbm>>) dst(%arg15 : memref<64xi32, #tpu.memory_space<vmem>>)
      %dma_start3A_143 = arith.constant 0 : i32
      %dma_start3A_144 = arith.constant 0 : i32
      %dma_start3A_145 = tpu.memref_slice %arg22[%dma_start3A_143, %dma_start3A_144] : memref<10256x128xf32, #tpu.memory_space<vmem_shared>> -> memref<10256x128xf32, #tpu.memory_space<vmem_shared>>
      tpu.enqueue_indirect_dma source(%arg20 : memref<64x128xf32, #tpu.memory_space<vmem>>) target(%dma_start3A_145 : memref<10256x128xf32, #tpu.memory_space<vmem_shared>>) offsets(%arg15 : memref<64xi32, #tpu.memory_space<vmem>>) semaphore(%arg41 : memref<!tpu.dma_semaphore, #tpu.memory_space<semaphore_mem>>) {add = true}
      %dma_wait3A_146 = arith.constant 0 : i32
      %dma_wait3A_147 = arith.constant 0 : i32
      %dma_wait3A_148 = tpu.memref_slice %arg2[%dma_wait3A_146, %dma_wait3A_147] : memref<10000x128xf32, #tpu.memory_space<hbm>> -> memref<10000x128xf32, #tpu.memory_space<hbm>>
      tpu.wait_indirect_dma semaphore(%arg37 : memref<!tpu.dma_semaphore, #tpu.memory_space<semaphore_mem>>) src(%dma_wait3A_148 : memref<10000x128xf32, #tpu.memory_space<hbm>>) dst(%arg21 : memref<64x128xf32, #tpu.memory_space<vmem>>)
      %dma_wait3A_149 = arith.constant 0 : i32
      %dma_wait3A_150 = tpu.memref_slice %arg3[%dma_wait3A_149] : memref<327680xi32, #tpu.memory_space<hbm>> -> memref<64xi32, #tpu.memory_space<hbm>>
      %dma_wait3A_151 = arith.constant 0 : i32
      %dma_wait3A_152 = tpu.memref_slice %arg3[%dma_wait3A_151] : memref<327680xi32, #tpu.memory_space<hbm>> -> memref<64xi32, #tpu.memory_space<hbm>>
      tpu.wait_dma2 semaphore(%arg32 : memref<!tpu.dma_semaphore, #tpu.memory_space<semaphore_mem>>) src(%dma_wait3A_152 : memref<64xi32, #tpu.memory_space<hbm>>) dst(%arg16 : memref<64xi32, #tpu.memory_space<vmem>>)
      %dma_start3A_153 = arith.constant 0 : i32
      %dma_start3A_154 = arith.constant 0 : i32
      %dma_start3A_155 = tpu.memref_slice %arg22[%dma_start3A_153, %dma_start3A_154] : memref<10256x128xf32, #tpu.memory_space<vmem_shared>> -> memref<10256x128xf32, #tpu.memory_space<vmem_shared>>
      tpu.enqueue_indirect_dma source(%arg21 : memref<64x128xf32, #tpu.memory_space<vmem>>) target(%dma_start3A_155 : memref<10256x128xf32, #tpu.memory_space<vmem_shared>>) offsets(%arg16 : memref<64xi32, #tpu.memory_space<vmem>>) semaphore(%arg42 : memref<!tpu.dma_semaphore, #tpu.memory_space<semaphore_mem>>) {add = true}
      %dma_wait3A_156 = arith.constant 0 : i32
      %dma_wait3A_157 = arith.constant 0 : i32
      %dma_wait3A_158 = tpu.memref_slice %arg22[%dma_wait3A_156, %dma_wait3A_157] : memref<10256x128xf32, #tpu.memory_space<vmem_shared>> -> memref<10256x128xf32, #tpu.memory_space<vmem_shared>>
      tpu.wait_indirect_dma semaphore(%arg38 : memref<!tpu.dma_semaphore, #tpu.memory_space<semaphore_mem>>) src(%arg17 : memref<64x128xf32, #tpu.memory_space<vmem>>) dst(%dma_wait3A_158 : memref<10256x128xf32, #tpu.memory_space<vmem_shared>>)
      %add3A_159 = arith.constant 0 : i32
      %add3A_160 = arith.addi %add3A_71, %add3A_159 : i32
      %add3A_161 = arith.constant 5 : i32
      %add3A_162 = arith.addi %add3A_160, %add3A_161 : i32
      %lt3A_163 = arith.constant 160 : i32
      %lt3A_164 = arith.cmpi slt, %add3A_162, %lt3A_163 : i32
      %convert_element_type3A_165 = arith.extui %lt3A_164 : i1 to i32
      %cond3A_166 = arith.constant 0 : i32
      %cond3A_167 = arith.cmpi ne, %convert_element_type3A_165, %cond3A_166 : i32
      scf.if %cond3A_167 {
        %add3A_216 = arith.constant 0 : i32
        %add3A_217 = arith.addi %add3A_71, %add3A_216 : i32
        %add3A_218 = arith.constant 5 : i32
        %add3A_219 = arith.addi %add3A_217, %add3A_218 : i32
        %mul3A_220 = arith.constant 64 : i32
        %mul3A_221 = arith.muli %add3A_219, %mul3A_220 : i32
        %add3A_222 = arith.addi %multiple_of3A_11, %mul3A_221 : i32
        %multiple_of3A_223 = tpu.assume_multiple %add3A_222, 8 : i32
        %dma_start3A_224 = tpu.memref_slice %arg3[%multiple_of3A_223] : memref<327680xi32, #tpu.memory_space<hbm>> -> memref<64xi32, #tpu.memory_space<hbm>>
        %dma_start3A_225 = tpu.memref_slice %arg3[%multiple_of3A_223] : memref<327680xi32, #tpu.memory_space<hbm>> -> memref<64xi32, #tpu.memory_space<hbm>>
        tpu.enqueue_dma source(%dma_start3A_225 : memref<64xi32, #tpu.memory_space<hbm>>) target(%arg7 : memref<64xi32, #tpu.memory_space<vmem>>) target_semaphore(%arg23 : memref<!tpu.dma_semaphore, #tpu.memory_space<semaphore_mem>>)
        %dma_start3A_226 = tpu.memref_slice %arg4[%multiple_of3A_223] : memref<327680xi32, #tpu.memory_space<hbm>> -> memref<64xi32, #tpu.memory_space<hbm>>
        %dma_start3A_227 = tpu.memref_slice %arg4[%multiple_of3A_223] : memref<327680xi32, #tpu.memory_space<hbm>> -> memref<64xi32, #tpu.memory_space<hbm>>
        tpu.enqueue_dma source(%dma_start3A_227 : memref<64xi32, #tpu.memory_space<hbm>>) target(%arg12 : memref<64xi32, #tpu.memory_space<vmem>>) target_semaphore(%arg28 : memref<!tpu.dma_semaphore, #tpu.memory_space<semaphore_mem>>)
      } else {
      }
      %dma_wait3A_168 = arith.constant 0 : i32
      %dma_wait3A_169 = arith.constant 0 : i32
      %dma_wait3A_170 = tpu.memref_slice %arg22[%dma_wait3A_168, %dma_wait3A_169] : memref<10256x128xf32, #tpu.memory_space<vmem_shared>> -> memref<10256x128xf32, #tpu.memory_space<vmem_shared>>
      tpu.wait_indirect_dma semaphore(%arg39 : memref<!tpu.dma_semaphore, #tpu.memory_space<semaphore_mem>>) src(%arg18 : memref<64x128xf32, #tpu.memory_space<vmem>>) dst(%dma_wait3A_170 : memref<10256x128xf32, #tpu.memory_space<vmem_shared>>)
      %add3A_171 = arith.constant 1 : i32
      %add3A_172 = arith.addi %add3A_71, %add3A_171 : i32
      %add3A_173 = arith.constant 5 : i32
      %add3A_174 = arith.addi %add3A_172, %add3A_173 : i32
      %lt3A_175 = arith.constant 160 : i32
      %lt3A_176 = arith.cmpi slt, %add3A_174, %lt3A_175 : i32
      %convert_element_type3A_177 = arith.extui %lt3A_176 : i1 to i32
      %cond3A_178 = arith.constant 0 : i32
      %cond3A_179 = arith.cmpi ne, %convert_element_type3A_177, %cond3A_178 : i32
      scf.if %cond3A_179 {
        %add3A_216 = arith.constant 1 : i32
        %add3A_217 = arith.addi %add3A_71, %add3A_216 : i32
        %add3A_218 = arith.constant 5 : i32
        %add3A_219 = arith.addi %add3A_217, %add3A_218 : i32
        %mul3A_220 = arith.constant 64 : i32
        %mul3A_221 = arith.muli %add3A_219, %mul3A_220 : i32
        %add3A_222 = arith.addi %multiple_of3A_11, %mul3A_221 : i32
        %multiple_of3A_223 = tpu.assume_multiple %add3A_222, 8 : i32
        %dma_start3A_224 = tpu.memref_slice %arg3[%multiple_of3A_223] : memref<327680xi32, #tpu.memory_space<hbm>> -> memref<64xi32, #tpu.memory_space<hbm>>
        %dma_start3A_225 = tpu.memref_slice %arg3[%multiple_of3A_223] : memref<327680xi32, #tpu.memory_space<hbm>> -> memref<64xi32, #tpu.memory_space<hbm>>
        tpu.enqueue_dma source(%dma_start3A_225 : memref<64xi32, #tpu.memory_space<hbm>>) target(%arg8 : memref<64xi32, #tpu.memory_space<vmem>>) target_semaphore(%arg24 : memref<!tpu.dma_semaphore, #tpu.memory_space<semaphore_mem>>)
        %dma_start3A_226 = tpu.memref_slice %arg4[%multiple_of3A_223] : memref<327680xi32, #tpu.memory_space<hbm>> -> memref<64xi32, #tpu.memory_space<hbm>>
        %dma_start3A_227 = tpu.memref_slice %arg4[%multiple_of3A_223] : memref<327680xi32, #tpu.memory_space<hbm>> -> memref<64xi32, #tpu.memory_space<hbm>>
        tpu.enqueue_dma source(%dma_start3A_227 : memref<64xi32, #tpu.memory_space<hbm>>) target(%arg13 : memref<64xi32, #tpu.memory_space<vmem>>) target_semaphore(%arg29 : memref<!tpu.dma_semaphore, #tpu.memory_space<semaphore_mem>>)
      } else {
      }
      %dma_wait3A_180 = arith.constant 0 : i32
      %dma_wait3A_181 = arith.constant 0 : i32
      %dma_wait3A_182 = tpu.memref_slice %arg22[%dma_wait3A_180, %dma_wait3A_181] : memref<10256x128xf32, #tpu.memory_space<vmem_shared>> -> memref<10256x128xf32, #tpu.memory_space<vmem_shared>>
      tpu.wait_indirect_dma semaphore(%arg40 : memref<!tpu.dma_semaphore, #tpu.memory_space<semaphore_mem>>) src(%arg19 : memref<64x128xf32, #tpu.memory_space<vmem>>) dst(%dma_wait3A_182 : memref<10256x128xf32, #tpu.memory_space<vmem_shared>>)
      %add3A_183 = arith.constant 2 : i32
      %add3A_184 = arith.addi %add3A_71, %add3A_183 : i32
      %add3A_185 = arith.constant 5 : i32
      %add3A_186 = arith.addi %add3A_184, %add3A_185 : i32
      %lt3A_187 = arith.constant 160 : i32
      %lt3A_188 = arith.cmpi slt, %add3A_186, %lt3A_187 : i32
      %convert_element_type3A_189 = arith.extui %lt3A_188 : i1 to i32
      %cond3A_190 = arith.constant 0 : i32
      %cond3A_191 = arith.cmpi ne, %convert_element_type3A_189, %cond3A_190 : i32
      scf.if %cond3A_191 {
        %add3A_216 = arith.constant 2 : i32
        %add3A_217 = arith.addi %add3A_71, %add3A_216 : i32
        %add3A_218 = arith.constant 5 : i32
        %add3A_219 = arith.addi %add3A_217, %add3A_218 : i32
        %mul3A_220 = arith.constant 64 : i32
        %mul3A_221 = arith.muli %add3A_219, %mul3A_220 : i32
        %add3A_222 = arith.addi %multiple_of3A_11, %mul3A_221 : i32
        %multiple_of3A_223 = tpu.assume_multiple %add3A_222, 8 : i32
        %dma_start3A_224 = tpu.memref_slice %arg3[%multiple_of3A_223] : memref<327680xi32, #tpu.memory_space<hbm>> -> memref<64xi32, #tpu.memory_space<hbm>>
        %dma_start3A_225 = tpu.memref_slice %arg3[%multiple_of3A_223] : memref<327680xi32, #tpu.memory_space<hbm>> -> memref<64xi32, #tpu.memory_space<hbm>>
        tpu.enqueue_dma source(%dma_start3A_225 : memref<64xi32, #tpu.memory_space<hbm>>) target(%arg9 : memref<64xi32, #tpu.memory_space<vmem>>) target_semaphore(%arg25 : memref<!tpu.dma_semaphore, #tpu.memory_space<semaphore_mem>>)
        %dma_start3A_226 = tpu.memref_slice %arg4[%multiple_of3A_223] : memref<327680xi32, #tpu.memory_space<hbm>> -> memref<64xi32, #tpu.memory_space<hbm>>
        %dma_start3A_227 = tpu.memref_slice %arg4[%multiple_of3A_223] : memref<327680xi32, #tpu.memory_space<hbm>> -> memref<64xi32, #tpu.memory_space<hbm>>
        tpu.enqueue_dma source(%dma_start3A_227 : memref<64xi32, #tpu.memory_space<hbm>>) target(%arg14 : memref<64xi32, #tpu.memory_space<vmem>>) target_semaphore(%arg30 : memref<!tpu.dma_semaphore, #tpu.memory_space<semaphore_mem>>)
      } else {
      }
      %dma_wait3A_192 = arith.constant 0 : i32
      %dma_wait3A_193 = arith.constant 0 : i32
      %dma_wait3A_194 = tpu.memref_slice %arg22[%dma_wait3A_192, %dma_wait3A_193] : memref<10256x128xf32, #tpu.memory_space<vmem_shared>> -> memref<10256x128xf32, #tpu.memory_space<vmem_shared>>
      tpu.wait_indirect_dma semaphore(%arg41 : memref<!tpu.dma_semaphore, #tpu.memory_space<semaphore_mem>>) src(%arg20 : memref<64x128xf32, #tpu.memory_space<vmem>>) dst(%dma_wait3A_194 : memref<10256x128xf32, #tpu.memory_space<vmem_shared>>)
      %add3A_195 = arith.constant 3 : i32
      %add3A_196 = arith.addi %add3A_71, %add3A_195 : i32
      %add3A_197 = arith.constant 5 : i32
      %add3A_198 = arith.addi %add3A_196, %add3A_197 : i32
      %lt3A_199 = arith.constant 160 : i32
      %lt3A_200 = arith.cmpi slt, %add3A_198, %lt3A_199 : i32
      %convert_element_type3A_201 = arith.extui %lt3A_200 : i1 to i32
      %cond3A_202 = arith.constant 0 : i32
      %cond3A_203 = arith.cmpi ne, %convert_element_type3A_201, %cond3A_202 : i32
      scf.if %cond3A_203 {
        %add3A_216 = arith.constant 3 : i32
        %add3A_217 = arith.addi %add3A_71, %add3A_216 : i32
        %add3A_218 = arith.constant 5 : i32
        %add3A_219 = arith.addi %add3A_217, %add3A_218 : i32
        %mul3A_220 = arith.constant 64 : i32
        %mul3A_221 = arith.muli %add3A_219, %mul3A_220 : i32
        %add3A_222 = arith.addi %multiple_of3A_11, %mul3A_221 : i32
        %multiple_of3A_223 = tpu.assume_multiple %add3A_222, 8 : i32
        %dma_start3A_224 = tpu.memref_slice %arg3[%multiple_of3A_223] : memref<327680xi32, #tpu.memory_space<hbm>> -> memref<64xi32, #tpu.memory_space<hbm>>
        %dma_start3A_225 = tpu.memref_slice %arg3[%multiple_of3A_223] : memref<327680xi32, #tpu.memory_space<hbm>> -> memref<64xi32, #tpu.memory_space<hbm>>
        tpu.enqueue_dma source(%dma_start3A_225 : memref<64xi32, #tpu.memory_space<hbm>>) target(%arg10 : memref<64xi32, #tpu.memory_space<vmem>>) target_semaphore(%arg26 : memref<!tpu.dma_semaphore, #tpu.memory_space<semaphore_mem>>)
        %dma_start3A_226 = tpu.memref_slice %arg4[%multiple_of3A_223] : memref<327680xi32, #tpu.memory_space<hbm>> -> memref<64xi32, #tpu.memory_space<hbm>>
        %dma_start3A_227 = tpu.memref_slice %arg4[%multiple_of3A_223] : memref<327680xi32, #tpu.memory_space<hbm>> -> memref<64xi32, #tpu.memory_space<hbm>>
        tpu.enqueue_dma source(%dma_start3A_227 : memref<64xi32, #tpu.memory_space<hbm>>) target(%arg15 : memref<64xi32, #tpu.memory_space<vmem>>) target_semaphore(%arg31 : memref<!tpu.dma_semaphore, #tpu.memory_space<semaphore_mem>>)
      } else {
      }
      %dma_wait3A_204 = arith.constant 0 : i32
      %dma_wait3A_205 = arith.constant 0 : i32
      %dma_wait3A_206 = tpu.memref_slice %arg22[%dma_wait3A_204, %dma_wait3A_205] : memref<10256x128xf32, #tpu.memory_space<vmem_shared>> -> memref<10256x128xf32, #tpu.memory_space<vmem_shared>>
      tpu.wait_indirect_dma semaphore(%arg42 : memref<!tpu.dma_semaphore, #tpu.memory_space<semaphore_mem>>) src(%arg21 : memref<64x128xf32, #tpu.memory_space<vmem>>) dst(%dma_wait3A_206 : memref<10256x128xf32, #tpu.memory_space<vmem_shared>>)
      %add3A_207 = arith.constant 4 : i32
      %add3A_208 = arith.addi %add3A_71, %add3A_207 : i32
      %add3A_209 = arith.constant 5 : i32
      %add3A_210 = arith.addi %add3A_208, %add3A_209 : i32
      %lt3A_211 = arith.constant 160 : i32
      %lt3A_212 = arith.cmpi slt, %add3A_210, %lt3A_211 : i32
      %convert_element_type3A_213 = arith.extui %lt3A_212 : i1 to i32
      %cond3A_214 = arith.constant 0 : i32
      %cond3A_215 = arith.cmpi ne, %convert_element_type3A_213, %cond3A_214 : i32
      scf.if %cond3A_215 {
        %add3A_216 = arith.constant 4 : i32
        %add3A_217 = arith.addi %add3A_71, %add3A_216 : i32
        %add3A_218 = arith.constant 5 : i32
        %add3A_219 = arith.addi %add3A_217, %add3A_218 : i32
        %mul3A_220 = arith.constant 64 : i32
        %mul3A_221 = arith.muli %add3A_219, %mul3A_220 : i32
        %add3A_222 = arith.addi %multiple_of3A_11, %mul3A_221 : i32
        %multiple_of3A_223 = tpu.assume_multiple %add3A_222, 8 : i32
        %dma_start3A_224 = tpu.memref_slice %arg3[%multiple_of3A_223] : memref<327680xi32, #tpu.memory_space<hbm>> -> memref<64xi32, #tpu.memory_space<hbm>>
        %dma_start3A_225 = tpu.memref_slice %arg3[%multiple_of3A_223] : memref<327680xi32, #tpu.memory_space<hbm>> -> memref<64xi32, #tpu.memory_space<hbm>>
        tpu.enqueue_dma source(%dma_start3A_225 : memref<64xi32, #tpu.memory_space<hbm>>) target(%arg11 : memref<64xi32, #tpu.memory_space<vmem>>) target_semaphore(%arg27 : memref<!tpu.dma_semaphore, #tpu.memory_space<semaphore_mem>>)
        %dma_start3A_226 = tpu.memref_slice %arg4[%multiple_of3A_223] : memref<327680xi32, #tpu.memory_space<hbm>> -> memref<64xi32, #tpu.memory_space<hbm>>
        %dma_start3A_227 = tpu.memref_slice %arg4[%multiple_of3A_223] : memref<327680xi32, #tpu.memory_space<hbm>> -> memref<64xi32, #tpu.memory_space<hbm>>
        tpu.enqueue_dma source(%dma_start3A_227 : memref<64xi32, #tpu.memory_space<hbm>>) target(%arg16 : memref<64xi32, #tpu.memory_space<vmem>>) target_semaphore(%arg32 : memref<!tpu.dma_semaphore, #tpu.memory_space<semaphore_mem>>)
      } else {
      }
    }
    %scan3A_49 = arith.constant 32 : i32
    %barrier3A_50 = arith.constant 0 : index
    tpu.barrier barrier_id(%barrier3A_50)
    %mul3A_51 = arith.constant 10000 : i32
    %mul3A_52 = arith.muli %arg0, %mul3A_51 : i32
    %mul3A_53 = arith.constant 640 : i32
    %mul3A_54 = arith.muli %arg1, %mul3A_53 : i32
    %add3A_55 = arith.addi %mul3A_52, %mul3A_54 : i32
    %multiple_of3A_56 = tpu.assume_multiple %add3A_55, 8 : i32
    %lt3A_57 = arith.constant 15 : i32
    %lt3A_58 = arith.cmpi slt, %arg1, %lt3A_57 : i32
    %convert_element_type3A_59 = arith.extui %lt3A_58 : i1 to i32
    %cond3A_60 = arith.constant 0 : i32
    %cond3A_61 = arith.cmpi ne, %convert_element_type3A_59, %cond3A_60 : i32
    scf.if %cond3A_61 {
      "tpu.region"() ({
        %run_scoped3A = tpu.sem_alloc : memref<!tpu.dma_semaphore, #tpu.memory_space<semaphore_mem>>
        %dma_start3A_67 = arith.constant 0 : i32
        %dma_start3A_68 = tpu.memref_slice %arg6[%multiple_of3A_56, %dma_start3A_67] : memref<20000x128xf32, #tpu.memory_space<hbm>> -> memref<640x128xf32, #tpu.memory_space<hbm>>
        %dma_start3A_69 = arith.constant 0 : i32
        %dma_start3A_70 = tpu.memref_slice %arg22[%multiple_of3A, %dma_start3A_69] : memref<10256x128xf32, #tpu.memory_space<vmem_shared>> -> memref<640x128xf32, #tpu.memory_space<vmem_shared>>
        tpu.enqueue_dma source(%dma_start3A_70 : memref<640x128xf32, #tpu.memory_space<vmem_shared>>) target(%dma_start3A_68 : memref<640x128xf32, #tpu.memory_space<hbm>>) target_semaphore(%run_scoped3A : memref<!tpu.dma_semaphore, #tpu.memory_space<semaphore_mem>>)
        %dma_wait3A = arith.constant 0 : i32
        %dma_wait3A_71 = tpu.memref_slice %arg6[%multiple_of3A_56, %dma_wait3A] : memref<20000x128xf32, #tpu.memory_space<hbm>> -> memref<640x128xf32, #tpu.memory_space<hbm>>
        %dma_wait3A_72 = arith.constant 0 : i32
        %dma_wait3A_73 = tpu.memref_slice %arg22[%multiple_of3A, %dma_wait3A_72] : memref<10256x128xf32, #tpu.memory_space<vmem_shared>> -> memref<640x128xf32, #tpu.memory_space<vmem_shared>>
        tpu.wait_dma2 semaphore(%run_scoped3A : memref<!tpu.dma_semaphore, #tpu.memory_space<semaphore_mem>>) src(%dma_wait3A_73 : memref<640x128xf32, #tpu.memory_space<vmem_shared>>) dst(%dma_wait3A_71 : memref<640x128xf32, #tpu.memory_space<hbm>>)
        tpu.yield
      }) : () -> ()
    } else {
    }
    %eq3A_62 = arith.constant 15 : i32
    %eq3A_63 = arith.cmpi eq, %arg1, %eq3A_62 : i32
    %convert_element_type3A_64 = arith.extui %eq3A_63 : i1 to i32
    %cond3A_65 = arith.constant 0 : i32
    %cond3A_66 = arith.cmpi ne, %convert_element_type3A_64, %cond3A_65 : i32
    scf.if %cond3A_66 {
      "tpu.region"() ({
        %run_scoped3A = tpu.sem_alloc : memref<!tpu.dma_semaphore, #tpu.memory_space<semaphore_mem>>
        %dma_start3A_67 = arith.constant 0 : i32
        %dma_start3A_68 = tpu.memref_slice %arg6[%multiple_of3A_56, %dma_start3A_67] : memref<20000x128xf32, #tpu.memory_space<hbm>> -> memref<400x128xf32, #tpu.memory_space<hbm>>
        %dma_start3A_69 = arith.constant 0 : i32
        %dma_start3A_70 = tpu.memref_slice %arg22[%multiple_of3A, %dma_start3A_69] : memref<10256x128xf32, #tpu.memory_space<vmem_shared>> -> memref<400x128xf32, #tpu.memory_space<vmem_shared>>
        tpu.enqueue_dma source(%dma_start3A_70 : memref<400x128xf32, #tpu.memory_space<vmem_shared>>) target(%dma_start3A_68 : memref<400x128xf32, #tpu.memory_space<hbm>>) target_semaphore(%run_scoped3A : memref<!tpu.dma_semaphore, #tpu.memory_space<semaphore_mem>>)
        %dma_wait3A = arith.constant 0 : i32
        %dma_wait3A_71 = tpu.memref_slice %arg6[%multiple_of3A_56, %dma_wait3A] : memref<20000x128xf32, #tpu.memory_space<hbm>> -> memref<400x128xf32, #tpu.memory_space<hbm>>
        %dma_wait3A_72 = arith.constant 0 : i32
        %dma_wait3A_73 = tpu.memref_slice %arg22[%multiple_of3A, %dma_wait3A_72] : memref<10256x128xf32, #tpu.memory_space<vmem_shared>> -> memref<400x128xf32, #tpu.memory_space<vmem_shared>>
        tpu.wait_dma2 semaphore(%run_scoped3A : memref<!tpu.dma_semaphore, #tpu.memory_space<semaphore_mem>>) src(%dma_wait3A_73 : memref<400x128xf32, #tpu.memory_space<vmem_shared>>) dst(%dma_wait3A_71 : memref<400x128xf32, #tpu.memory_space<hbm>>)
        tpu.yield
      }) : () -> ()
    } else {
    }
    return
  }
}

#map = affine_map<(d0, d1) -> (0, 0)>
#map1 = affine_map<(d0, d1) -> (0)>
module attributes {stable_mosaic.version = 14 : i64} {
  func.func @_gather_body(%arg0: i32, %arg1: i32, %arg2: memref<10000x128xf32, #tpu.memory_space<hbm>>, %arg3: memref<768xi32, #tpu.memory_space<hbm>>, %arg4: memref<768x128xf32, #tpu.memory_space<hbm>>, %arg5: memref<24xi32, #tpu.memory_space<vmem>>, %arg6: memref<24x128xf32, #tpu.memory_space<vmem>>, %arg7: memref<!tpu.dma_semaphore, #tpu.memory_space<semaphore_mem>>) attributes {dimension_semantics = [#tpu.dimension_semantics<core_parallel>, #tpu.dimension_semantics<subcore_parallel>], iteration_bounds = array<i64: 2, 16>, scalar_prefetch = 0 : i64, scratch_operands = 3 : i64, tpu.core_type = #tpu.core_type<sc_vector_subcore>, window_params = [{transform_indices = #map}, {transform_indices = #map1}, {transform_indices = #map}]} {
    %mul3A = arith.constant 2 : i32
    %mul3A_0 = arith.muli %arg1, %mul3A : i32
    %add3A = arith.addi %mul3A_0, %arg0 : i32
    %mul3A_1 = arith.constant 24 : i32
    %mul3A_2 = arith.muli %add3A, %mul3A_1 : i32
    %multiple_of3A = tpu.assume_multiple %mul3A_2, 8 : i32
    "tpu.region"() ({
      %run_scoped3A = tpu.sem_alloc : memref<!tpu.dma_semaphore, #tpu.memory_space<semaphore_mem>>
      %dma_start3A_7 = tpu.memref_slice %arg3[%multiple_of3A] : memref<768xi32, #tpu.memory_space<hbm>> -> memref<24xi32, #tpu.memory_space<hbm>>
      %dma_start3A_8 = tpu.memref_slice %arg3[%multiple_of3A] : memref<768xi32, #tpu.memory_space<hbm>> -> memref<24xi32, #tpu.memory_space<hbm>>
      tpu.enqueue_dma source(%dma_start3A_8 : memref<24xi32, #tpu.memory_space<hbm>>) target(%arg5 : memref<24xi32, #tpu.memory_space<vmem>>) target_semaphore(%run_scoped3A : memref<!tpu.dma_semaphore, #tpu.memory_space<semaphore_mem>>)
      %dma_wait3A_9 = tpu.memref_slice %arg3[%multiple_of3A] : memref<768xi32, #tpu.memory_space<hbm>> -> memref<24xi32, #tpu.memory_space<hbm>>
      %dma_wait3A_10 = tpu.memref_slice %arg3[%multiple_of3A] : memref<768xi32, #tpu.memory_space<hbm>> -> memref<24xi32, #tpu.memory_space<hbm>>
      tpu.wait_dma2 semaphore(%run_scoped3A : memref<!tpu.dma_semaphore, #tpu.memory_space<semaphore_mem>>) src(%dma_wait3A_10 : memref<24xi32, #tpu.memory_space<hbm>>) dst(%arg5 : memref<24xi32, #tpu.memory_space<vmem>>)
      tpu.yield
    }) : () -> ()
    %dma_start3A = arith.constant 0 : i32
    %dma_start3A_3 = arith.constant 0 : i32
    %dma_start3A_4 = tpu.memref_slice %arg2[%dma_start3A, %dma_start3A_3] : memref<10000x128xf32, #tpu.memory_space<hbm>> -> memref<10000x128xf32, #tpu.memory_space<hbm>>
    tpu.enqueue_indirect_dma source(%dma_start3A_4 : memref<10000x128xf32, #tpu.memory_space<hbm>>) target(%arg6 : memref<24x128xf32, #tpu.memory_space<vmem>>) offsets(%arg5 : memref<24xi32, #tpu.memory_space<vmem>>) semaphore(%arg7 : memref<!tpu.dma_semaphore, #tpu.memory_space<semaphore_mem>>)
    %dma_wait3A = arith.constant 0 : i32
    %dma_wait3A_5 = arith.constant 0 : i32
    %dma_wait3A_6 = tpu.memref_slice %arg2[%dma_wait3A, %dma_wait3A_5] : memref<10000x128xf32, #tpu.memory_space<hbm>> -> memref<10000x128xf32, #tpu.memory_space<hbm>>
    tpu.wait_indirect_dma semaphore(%arg7 : memref<!tpu.dma_semaphore, #tpu.memory_space<semaphore_mem>>) src(%dma_wait3A_6 : memref<10000x128xf32, #tpu.memory_space<hbm>>) dst(%arg6 : memref<24x128xf32, #tpu.memory_space<vmem>>)
    "tpu.region"() ({
      %run_scoped3A = tpu.sem_alloc : memref<!tpu.dma_semaphore, #tpu.memory_space<semaphore_mem>>
      %dma_start3A_7 = arith.constant 0 : i32
      %dma_start3A_8 = tpu.memref_slice %arg4[%multiple_of3A, %dma_start3A_7] : memref<768x128xf32, #tpu.memory_space<hbm>> -> memref<24x128xf32, #tpu.memory_space<hbm>>
      %dma_start3A_9 = arith.constant 0 : i32
      %dma_start3A_10 = tpu.memref_slice %arg4[%multiple_of3A, %dma_start3A_9] : memref<768x128xf32, #tpu.memory_space<hbm>> -> memref<24x128xf32, #tpu.memory_space<hbm>>
      tpu.enqueue_dma source(%arg6 : memref<24x128xf32, #tpu.memory_space<vmem>>) target(%dma_start3A_10 : memref<24x128xf32, #tpu.memory_space<hbm>>) target_semaphore(%run_scoped3A : memref<!tpu.dma_semaphore, #tpu.memory_space<semaphore_mem>>)
      %dma_wait3A_11 = arith.constant 0 : i32
      %dma_wait3A_12 = tpu.memref_slice %arg4[%multiple_of3A, %dma_wait3A_11] : memref<768x128xf32, #tpu.memory_space<hbm>> -> memref<24x128xf32, #tpu.memory_space<hbm>>
      %dma_wait3A_13 = arith.constant 0 : i32
      %dma_wait3A_14 = tpu.memref_slice %arg4[%multiple_of3A, %dma_wait3A_13] : memref<768x128xf32, #tpu.memory_space<hbm>> -> memref<24x128xf32, #tpu.memory_space<hbm>>
      tpu.wait_dma2 semaphore(%run_scoped3A : memref<!tpu.dma_semaphore, #tpu.memory_space<semaphore_mem>>) src(%arg6 : memref<24x128xf32, #tpu.memory_space<vmem>>) dst(%dma_wait3A_14 : memref<24x128xf32, #tpu.memory_space<hbm>>)
      tpu.yield
    }) : () -> ()
    return
  }
}

module attributes {stable_mosaic.version = 14 : i64} {
  func.func @_mlp_body(%arg0: i32, %arg1: memref<1000x128xf32, #tpu.memory_space<vmem>>, %arg2: memref<1000x128xf32, #tpu.memory_space<vmem>>, %arg3: memref<1000x128xf32, #tpu.memory_space<vmem>>, %arg4: memref<128x128xf32, #tpu.memory_space<vmem>>, %arg5: memref<1x128xf32, #tpu.memory_space<vmem>>, %arg6: memref<128x128xf32, #tpu.memory_space<vmem>>, %arg7: memref<1x128xf32, #tpu.memory_space<vmem>>, %arg8: memref<1000x128xf32, #tpu.memory_space<vmem>>) attributes {dimension_semantics = [#tpu.dimension_semantics<arbitrary>], iteration_bounds = array<i64: 10>, scalar_prefetch = 0 : i64, scratch_operands = 0 : i64, tpu.core_type = #tpu.core_type<tc>, window_params = [{transform_indices = @transform_0, window_bounds = array<i64: 1000, 128>}, {transform_indices = @transform_1, window_bounds = array<i64: 1000, 128>}, {transform_indices = @transform_2, window_bounds = array<i64: 1000, 128>}, {pipeline_mode = #tpu.pipeline_mode<synchronous>, transform_indices = @transform_3, window_bounds = array<i64: 128, 128>}, {pipeline_mode = #tpu.pipeline_mode<synchronous>, transform_indices = @transform_4, window_bounds = array<i64: 1, 128>}, {pipeline_mode = #tpu.pipeline_mode<synchronous>, transform_indices = @transform_5, window_bounds = array<i64: 128, 128>}, {pipeline_mode = #tpu.pipeline_mode<synchronous>, transform_indices = @transform_6, window_bounds = array<i64: 1, 128>}, {transform_indices = @transform_7, window_bounds = array<i64: 1000, 128>}]} {
    %get3A = arith.constant 0 : index
    %get3A_0 = arith.constant 0 : index
    %get3A_1 = vector.load %arg1[%get3A, %get3A_0] : memref<1000x128xf32, #tpu.memory_space<vmem>>, vector<1000x128xf32>
    %get3A_2 = arith.constant 0 : index
    %get3A_3 = arith.constant 0 : index
    %get3A_4 = vector.load %arg2[%get3A_2, %get3A_3] : memref<1000x128xf32, #tpu.memory_space<vmem>>, vector<1000x128xf32>
    %add3A = arith.addf %get3A_1, %get3A_4 : vector<1000x128xf32>
    %get3A_5 = arith.constant 0 : index
    %get3A_6 = arith.constant 0 : index
    %get3A_7 = vector.load %arg3[%get3A_5, %get3A_6] : memref<1000x128xf32, #tpu.memory_space<vmem>>, vector<1000x128xf32>
    %add3A_8 = arith.addf %add3A, %get3A_7 : vector<1000x128xf32>
    %get3A_9 = arith.constant 0 : index
    %get3A_10 = arith.constant 0 : index
    %get3A_11 = vector.load %arg4[%get3A_9, %get3A_10] : memref<128x128xf32, #tpu.memory_space<vmem>>, vector<128x128xf32>
    %dot_general3A = arith.constant dense<0.000000e+00> : vector<1000x128xf32>
    %dot_general3A_12 = tpu.matmul %add3A_8, %get3A_11, %dot_general3A {dimension_numbers = #tpu.dot_dimension_numbers<[1], [0], [0], [1], [0, 0, 1, 1], [], []>, transpose_lhs_hint = false} : vector<1000x128xf32>, vector<128x128xf32>, vector<1000x128xf32> -> vector<1000x128xf32>
    %get3A_13 = arith.constant 0 : index
    %get3A_14 = arith.constant 0 : index
    %get3A_15 = vector.load %arg5[%get3A_13, %get3A_14] : memref<1x128xf32, #tpu.memory_space<vmem>>, vector<1x128xf32>
    %add3A_16 = vector.broadcast %get3A_15 : vector<1x128xf32> to vector<1000x128xf32>
    %add3A_17 = arith.addf %dot_general3A_12, %add3A_16 : vector<1000x128xf32>
    %max3A = arith.constant 0.000000e+00 : f32
    %max3A_18 = vector.broadcast %max3A : f32 to vector<1000x128xf32>
    %max3A_19 = arith.maximumf %add3A_17, %max3A_18 : vector<1000x128xf32>
    %get3A_20 = arith.constant 0 : index
    %get3A_21 = arith.constant 0 : index
    %get3A_22 = vector.load %arg6[%get3A_20, %get3A_21] : memref<128x128xf32, #tpu.memory_space<vmem>>, vector<128x128xf32>
    %dot_general3A_23 = arith.constant dense<0.000000e+00> : vector<1000x128xf32>
    %dot_general3A_24 = tpu.matmul %max3A_19, %get3A_22, %dot_general3A_23 {dimension_numbers = #tpu.dot_dimension_numbers<[1], [0], [0], [1], [0, 0, 1, 1], [], []>, transpose_lhs_hint = false} : vector<1000x128xf32>, vector<128x128xf32>, vector<1000x128xf32> -> vector<1000x128xf32>
    %get3A_25 = arith.constant 0 : index
    %get3A_26 = arith.constant 0 : index
    %get3A_27 = vector.load %arg7[%get3A_25, %get3A_26] : memref<1x128xf32, #tpu.memory_space<vmem>>, vector<1x128xf32>
    %add3A_28 = vector.broadcast %get3A_27 : vector<1x128xf32> to vector<1000x128xf32>
    %add3A_29 = arith.addf %dot_general3A_24, %add3A_28 : vector<1000x128xf32>
    %swap3A = arith.constant 0 : index
    %swap3A_30 = arith.constant 0 : index
    %swap3A_31 = vector.load %arg8[%swap3A, %swap3A_30] : memref<1000x128xf32, #tpu.memory_space<vmem>>, vector<1000x128xf32>
    tpu.vector_store %arg8[%swap3A, %swap3A_30], %add3A_29 {strides = array<i32>} : memref<1000x128xf32, #tpu.memory_space<vmem>>, vector<1000x128xf32>,
    return
  }
  func.func @transform_0(%arg0: i32) -> (i32, i32) {
    %c0_i32 = arith.constant 0 : i32
    %c0_i32_0 = arith.constant 0 : i32
    return %arg0, %c0_i32 : i32, i32
  }
  func.func @transform_1(%arg0: i32) -> (i32, i32) {
    %c0_i32 = arith.constant 0 : i32
    %c0_i32_0 = arith.constant 0 : i32
    return %arg0, %c0_i32 : i32, i32
  }
  func.func @transform_2(%arg0: i32) -> (i32, i32) {
    %c0_i32 = arith.constant 0 : i32
    %c0_i32_0 = arith.constant 0 : i32
    return %arg0, %c0_i32 : i32, i32
  }
  func.func @transform_3(%arg0: i32) -> (i32, i32) {
    %c0_i32 = arith.constant 0 : i32
    %c0_i32_0 = arith.constant 0 : i32
    %c0_i32_1 = arith.constant 0 : i32
    return %c0_i32, %c0_i32_0 : i32, i32
  }
  func.func @transform_4(%arg0: i32) -> (i32, i32) {
    %c0_i32 = arith.constant 0 : i32
    %c0_i32_0 = arith.constant 0 : i32
    %c0_i32_1 = arith.constant 0 : i32
    return %c0_i32, %c0_i32_0 : i32, i32
  }
  func.func @transform_5(%arg0: i32) -> (i32, i32) {
    %c0_i32 = arith.constant 0 : i32
    %c0_i32_0 = arith.constant 0 : i32
    %c0_i32_1 = arith.constant 0 : i32
    return %c0_i32, %c0_i32_0 : i32, i32
  }
  func.func @transform_6(%arg0: i32) -> (i32, i32) {
    %c0_i32 = arith.constant 0 : i32
    %c0_i32_0 = arith.constant 0 : i32
    %c0_i32_1 = arith.constant 0 : i32
    return %c0_i32, %c0_i32_0 : i32, i32
  }
  func.func @transform_7(%arg0: i32) -> (i32, i32) {
    %c0_i32 = arith.constant 0 : i32
    %c0_i32_0 = arith.constant 0 : i32
    return %arg0, %c0_i32 : i32, i32
  }
}

module attributes {stable_mosaic.version = 14 : i64} {
  func.func @_score_body(%arg0: memref<1xi32, #tpu.memory_space<smem>>, %arg1: memref<768x128xf32, #tpu.memory_space<vmem>>, %arg2: memref<1001x128xf32, #tpu.memory_space<vmem>>, %arg3: memref<640x128xf32, #tpu.memory_space<vmem>>, %arg4: memref<1x128xf32, #tpu.memory_space<vmem>>, %arg5: memref<1x128xf32, #tpu.memory_space<vmem>>, %arg6: memref<1x1xf32, #tpu.memory_space<vmem>>, %arg7: memref<256x1xf32, #tpu.memory_space<vmem>>) attributes {dimension_semantics = [], scalar_prefetch = 0 : i64, scratch_operands = 0 : i64, tpu.core_type = #tpu.core_type<tc>} {
    %get3A = arith.constant 0 : index
    %get3A_0 = arith.constant 0 : index
    %get3A_1 = vector.load %arg1[%get3A, %get3A_0] : memref<768x128xf32, #tpu.memory_space<vmem>>, vector<256x128xf32>
    %get3A_2 = arith.constant 256 : index
    %get3A_3 = arith.constant 0 : index
    %get3A_4 = vector.load %arg1[%get3A_2, %get3A_3] : memref<768x128xf32, #tpu.memory_space<vmem>>, vector<256x128xf32>
    %get3A_5 = arith.constant 512 : index
    %get3A_6 = arith.constant 0 : index
    %get3A_7 = vector.load %arg1[%get3A_5, %get3A_6] : memref<768x128xf32, #tpu.memory_space<vmem>>, vector<1x128xf32>
    %get3A_8 = arith.constant 513 : index
    %get3A_9 = arith.constant 0 : index
    %get3A_10 = vector.load %arg1[%get3A_8, %get3A_9] : memref<768x128xf32, #tpu.memory_space<vmem>>, vector<1x128xf32>
    %add3A = arith.addf %get3A_1, %get3A_4 : vector<256x128xf32>
    %sub3A = arith.subf %get3A_1, %get3A_4 : vector<256x128xf32>
    %abs3A = math.absf %sub3A : vector<256x128xf32>
    %add3A_11 = arith.addf %get3A_7, %get3A_10 : vector<1x128xf32>
    %sub3A_12 = arith.subf %get3A_7, %get3A_10 : vector<1x128xf32>
    %abs3A_13 = math.absf %sub3A_12 : vector<1x128xf32>
    %get3A_14 = arith.constant 0 : index
    %get3A_15 = memref.load %arg0[%get3A_14] : memref<1xi32, #tpu.memory_space<smem>>
    %get3A_16 = arith.index_cast %get3A_15 : i32 to index
    %get3A_17 = arith.constant 0 : index
    %get3A_18 = vector.load %arg2[%get3A_16, %get3A_17] : memref<1001x128xf32, #tpu.memory_space<vmem>>, vector<1x128xf32>
    %get3A_19 = arith.constant 0 : index
    %get3A_20 = arith.constant 0 : index
    %get3A_21 = vector.load %arg3[%get3A_19, %get3A_20] : memref<640x128xf32, #tpu.memory_space<vmem>>, vector<128x128xf32>
    %dot_general3A = arith.constant dense<0.000000e+00> : vector<1x128xf32>
    %dot_general3A_22 = tpu.matmul %add3A_11, %get3A_21, %dot_general3A {dimension_numbers = #tpu.dot_dimension_numbers<[1], [0], [0], [1], [0, 0, 1, 1], [], []>, transpose_lhs_hint = false} : vector<1x128xf32>, vector<128x128xf32>, vector<1x128xf32> -> vector<1x128xf32>
    %get3A_23 = arith.constant 128 : index
    %get3A_24 = arith.constant 0 : index
    %get3A_25 = vector.load %arg3[%get3A_23, %get3A_24] : memref<640x128xf32, #tpu.memory_space<vmem>>, vector<128x128xf32>
    %dot_general3A_26 = arith.constant dense<0.000000e+00> : vector<1x128xf32>
    %dot_general3A_27 = tpu.matmul %abs3A_13, %get3A_25, %dot_general3A_26 {dimension_numbers = #tpu.dot_dimension_numbers<[1], [0], [0], [1], [0, 0, 1, 1], [], []>, transpose_lhs_hint = false} : vector<1x128xf32>, vector<128x128xf32>, vector<1x128xf32> -> vector<1x128xf32>
    %add3A_28 = arith.addf %dot_general3A_22, %dot_general3A_27 : vector<1x128xf32>
    %get3A_29 = arith.constant 512 : index
    %get3A_30 = arith.constant 0 : index
    %get3A_31 = vector.load %arg3[%get3A_29, %get3A_30] : memref<640x128xf32, #tpu.memory_space<vmem>>, vector<128x128xf32>
    %dot_general3A_32 = arith.constant dense<0.000000e+00> : vector<1x128xf32>
    %dot_general3A_33 = tpu.matmul %get3A_18, %get3A_31, %dot_general3A_32 {dimension_numbers = #tpu.dot_dimension_numbers<[1], [0], [0], [1], [0, 0, 1, 1], [], []>, transpose_lhs_hint = false} : vector<1x128xf32>, vector<128x128xf32>, vector<1x128xf32> -> vector<1x128xf32>
    %add3A_34 = arith.addf %add3A_28, %dot_general3A_33 : vector<1x128xf32>
    %get3A_35 = arith.constant 0 : index
    %get3A_36 = arith.constant 0 : index
    %get3A_37 = vector.load %arg4[%get3A_35, %get3A_36] : memref<1x128xf32, #tpu.memory_space<vmem>>, vector<1x128xf32>
    %add3A_38 = arith.addf %add3A_34, %get3A_37 : vector<1x128xf32>
    %get3A_39 = arith.constant 256 : index
    %get3A_40 = arith.constant 0 : index
    %get3A_41 = vector.load %arg3[%get3A_39, %get3A_40] : memref<640x128xf32, #tpu.memory_space<vmem>>, vector<128x128xf32>
    %dot_general3A_42 = arith.constant dense<0.000000e+00> : vector<256x128xf32>
    %dot_general3A_43 = tpu.matmul %add3A, %get3A_41, %dot_general3A_42 {dimension_numbers = #tpu.dot_dimension_numbers<[1], [0], [0], [1], [0, 0, 1, 1], [], []>, transpose_lhs_hint = false} : vector<256x128xf32>, vector<128x128xf32>, vector<256x128xf32> -> vector<256x128xf32>
    %get3A_44 = arith.constant 384 : index
    %get3A_45 = arith.constant 0 : index
    %get3A_46 = vector.load %arg3[%get3A_44, %get3A_45] : memref<640x128xf32, #tpu.memory_space<vmem>>, vector<128x128xf32>
    %dot_general3A_47 = arith.constant dense<0.000000e+00> : vector<256x128xf32>
    %dot_general3A_48 = tpu.matmul %abs3A, %get3A_46, %dot_general3A_47 {dimension_numbers = #tpu.dot_dimension_numbers<[1], [0], [0], [1], [0, 0, 1, 1], [], []>, transpose_lhs_hint = false} : vector<256x128xf32>, vector<128x128xf32>, vector<256x128xf32> -> vector<256x128xf32>
    %add3A_49 = arith.addf %dot_general3A_43, %dot_general3A_48 : vector<256x128xf32>
    %add3A_50 = vector.broadcast %add3A_38 : vector<1x128xf32> to vector<256x128xf32>
    %add3A_51 = arith.addf %add3A_49, %add3A_50 : vector<256x128xf32>
    %max3A = arith.constant 0.000000e+00 : f32
    %max3A_52 = vector.broadcast %max3A : f32 to vector<256x128xf32>
    %max3A_53 = arith.maximumf %add3A_51, %max3A_52 : vector<256x128xf32>
    %get3A_54 = arith.constant 0 : index
    %get3A_55 = arith.constant 0 : index
    %get3A_56 = vector.load %arg5[%get3A_54, %get3A_55] : memref<1x128xf32, #tpu.memory_space<vmem>>, vector<1x128xf32>
    %mul3A = vector.broadcast %get3A_56 : vector<1x128xf32> to vector<256x128xf32>
    %mul3A_57 = arith.mulf %max3A_53, %mul3A : vector<256x128xf32>
    %reduce_sum3A = arith.constant dense<0.000000e+00> : vector<256xf32>
    %reduce_sum3A_58 = vector.multi_reduction <add>, %mul3A_57, %reduce_sum3A [1] : vector<256x128xf32> to vector<256xf32>
    %broadcast_in_dim3A = vector.shape_cast %reduce_sum3A_58 : vector<256xf32> to vector<256x1xf32>
    %get3A_59 = arith.constant 0 : index
    %get3A_60 = arith.constant 0 : index
    %get3A_61 = vector.load %arg6[%get3A_59, %get3A_60] : memref<1x1xf32, #tpu.memory_space<vmem>>, vector<1x1xf32>
    %add3A_62 = vector.broadcast %get3A_61 : vector<1x1xf32> to vector<256x1xf32>
    %add3A_63 = arith.addf %broadcast_in_dim3A, %add3A_62 : vector<256x1xf32>
    %swap3A = arith.constant 0 : index
    %swap3A_64 = arith.constant 0 : index
    %swap3A_65 = vector.load %arg7[%swap3A, %swap3A_64] : memref<256x1xf32, #tpu.memory_space<vmem>>, vector<256x1xf32>
    tpu.vector_store %arg7[%swap3A, %swap3A_64], %add3A_63 {strides = array<i32>} : memref<256x1xf32, #tpu.memory_space<vmem>>, vector<256x1xf32>,
    return
  }
}

</mosaic_0001>

<sc_bundles>
// kernel: kernel.10.cloned.1.call-start
scs
__scs_entry_jumppad:
0x0: {  	(pc) =	sbr.rel $0x88, $3  }
0x1: {  	(tag) =	ssettag $0x0;
	lr =	simm.s32 $0x1  }
0x2: {  	[smem:$0x3F8B] =	sst lr;
	_ =	strace $0xD0000000  }
0x3: {  	_ = 	snop  }
0x4: {  	_ = 	snop  }
0x5: {  	_ = 	snop  }
0x6: {  	_ = 	snop  }
0x7: {  	_ = 	snop  }
__scs_overlays_trampoline_lowered:
0x8: {  	[smem:$0x3F9A] =	sst s0  }
0x9: {  	[smem:$0x3F9B] =	sst s1  }
0xa: {  	[smem:$0x3F9C] =	sst s2  }
0xb: {  	[smem:$0x3F9D] =	sst s3  }
0xc: {  	[smem:$0x3F9E] =	sst s4  }
0xd: {  	[smem:$0x3F9F] =	sst s5  }
0xe: {  	[smem:$0x3FA0] =	sst s6  }
0xf: {  	[smem:$0x3FA1] =	sst s7  }
0x10: {  	[smem:$0x3FA2] =	sst s8  }
0x11: {  	[smem:$0x3FA3] =	sst s9;
	s0 =	simm.s32 @!p0 $0x0  }
0x12: {  	s1 =	sld [smem:$0x3F89];
	s0 =	simm.s32 @p0 $0x1  }
0x13: {  	[smem:$0x3FA4] =	sst s0;
	s0 =	simm.s32 @!p1 $0x0  }
0x14: {  	s2 =	sld [smem:$0x3F88];
	s0 =	simm.s32 @p1 $0x1  }
0x15: {  	[smem:$0x3FA5] =	sst s0;
	s0 =	simm.s32 @!p2 $0x0  }
0x16: {  	s3 =	sld [smem:$0x3FDB];
	s0 =	simm.s32 @p2 $0x1  }
0x17: {  	s4 =	simm.s32 $0x1BF5;
	[smem:$0x3FA7] =	sst s0  }
0x18: {  	s0 =	sld [smem:$0x3F8A];
	_ =	swait.ge [sflag:s4], $0x0  }
0x19: {  	s7 =	sld [smem:$0x3F8B]  }
0x1a: {  	s8 =	sadd.s32 $0xFFFFE003, lr  }
0x1b: {  	s9 =	sadd.s32 $0xFFFFFEF7, lr;
	s5 =	simm.s32 $0xFFFFFFFF;
	p2 =	slt.u32 s8, $0xFFFFF086  }
0x1c: {  	p1 =	slt.u32 s9, $0xF7A;
	s5 =	simm.s32 @!p2 $0x0  }
0x1d: {  	s5 =	simm.s32 @p1 $0x1;
	p0 =	seq.s32 s7, s2  }
0x1e: {  	s7 =	smul.u32 @!p0 $0xF7A, s2;
	p2 =	seq.s32 @!p0 s5, $0x0  }
0x1f: {  	s9 =	smul.u32 $0xF7A, s1;
	s8 =	simm.s32 @!p0 $0x1BF5;
	p2 =	por !p2, p0  }
0x20: {  	[sflag:s8] =	ssyncset.s32 @!p0 $0xFFFFF086;
	s6 =	sadd.s32 @!p0 s3, s7;
	s7 =	simm.s32 @!p0 $0x108  }
0x21: {  	s3 =	sadd.s32 s3, s9;
	s6 =	sadd.s32 @!p0 $0x88, s6;
	s7 =	simm.s32 @p2 $0x1082  }
0x22: {  	[simem:s7], [sflag:s8] =	dma.local @!p0 [hbm:s6], $0xF7A  }
0x23: {  	s9 =	sor.u32 $0xD0000000, s2;
	s6 =	simm.s32 $0x108;
	_ =	swait.ge @!p0 [sflag:s8], $0x0  }
0x24: {  	s3 =	sadd.s32 $0x88, s3;
	s6 =	simm.s32 @!p1 $0x1082;
	[sflag:s4] =	ssyncset.s32 $0xFFFFF086  }
0x25: {  	[simem:s6], [sflag:s4] =	dma.local [hbm:s3], $0xF7A  }
0x26: {  	[smem:$0x3F8B] =	sst s1;
	(tag) =	ssettag s2;
	_ =	strace s9  }
0x27: {  	s1 =	sld [smem:$0x3F9B]  }
0x28: {  	s2 =	sld [smem:$0x3F9C]  }
0x29: {  	s4 =	sld [smem:$0x3F9E]  }
0x2a: {  	p0 =	seq.s32 s5, $0x0;
	s5 =	sld [smem:$0x3F9F]  }
0x2b: {  	s6 =	sld [smem:$0x3FA0]  }
0x2c: {  	s7 =	sld [smem:$0x3FA1]  }
0x2d: {  	s3 =	simm.s32 $0x108;
	s8 =	sld [smem:$0x3FA2]  }
0x2e: {  	s3 =	simm.s32 @!p0 $0x1082;
	s9 =	sld [smem:$0x3FA3]  }
0x2f: {  	lr =	sadd.s32 s0, s3;
	s0 =	sld [smem:$0x3F9A]  }
0x30: {  	s3 =	sld [smem:$0x3F9D]  }
0x31: {  	[smem:$0x3FA6] =	sst s10  }
0x32: {  	s10 =	sld [smem:$0x3FA4];
	_ =	sdelay $0x3  }
0x33: {  	p0 =	seq.s32 s10, $0x1;
	s10 =	sld [smem:$0x3FA6];
	_ =	sdelay $0x3  }
0x34: {  	[smem:$0x3FA6] =	sst s10  }
0x35: {  	s10 =	sld [smem:$0x3FA5];
	_ =	sdelay $0x3  }
0x36: {  	p1 =	seq.s32 s10, $0x1;
	s10 =	sld [smem:$0x3FA6];
	_ =	sdelay $0x3  }
0x37: {  	[smem:$0x3FA6] =	sst s10  }
0x38: {  	s10 =	sld [smem:$0x3FA7]  }
0x39: {  	_ = 	snop;
	(pc) =	sbr.ind lr, $3  }
0x3a: {  	_ = 	snop  }
0x3b: {  	_ = 	snop  }
0x3c: {  	p2 =	seq.s32 s10, $0x1;
	s10 =	sld [smem:$0x3FA6]  }
0x3d: {  	_ =	shalt  }
0x3e: {  	_ =	shalt  }
0x3f: {  	_ =	shalt  }
0x40: {  	_ =	shalt  }
0x41: {  	_ =	shalt  }
0x42: {  	_ =	shalt  }
0x43: {  	_ =	shalt  }
0x44: {  	_ =	shalt  }
0x45: {  	_ =	shalt  }
0x46: {  	_ =	shalt  }
0x47: {  	_ =	shalt  }
0x48: {  	_ =	shalt  }
0x49: {  	_ =	shalt  }
0x4a: {  	_ =	shalt  }
0x4b: {  	_ =	shalt  }
0x4c: {  	_ =	shalt  }
0x4d: {  	_ =	shalt  }
0x4e: {  	_ =	shalt  }
0x4f: {  	_ =	shalt  }
0x50: {  	_ =	shalt  }
0x51: {  	_ =	shalt  }
0x52: {  	_ =	shalt  }
0x53: {  	_ =	shalt  }
0x54: {  	_ =	shalt  }
0x55: {  	_ =	shalt  }
0x56: {  	_ =	shalt  }
0x57: {  	_ =	shalt  }
0x58: {  	_ =	shalt  }
0x59: {  	_ =	shalt  }
0x5a: {  	_ =	shalt  }
0x5b: {  	_ =	shalt  }
0x5c: {  	_ =	shalt  }
0x5d: {  	_ =	shalt  }
0x5e: {  	_ =	shalt  }
0x5f: {  	_ =	shalt  }
0x60: {  	_ =	shalt  }
0x61: {  	_ =	shalt  }
0x62: {  	_ =	shalt  }
0x63: {  	_ =	shalt  }
0x64: {  	_ =	shalt  }
0x65: {  	_ =	shalt  }
0x66: {  	_ =	shalt  }
0x67: {  	_ =	shalt  }
0x68: {  	_ =	shalt  }
0x69: {  	_ =	shalt  }
0x6a: {  	_ =	shalt  }
0x6b: {  	_ =	shalt  }
0x6c: {  	_ =	shalt  }
0x6d: {  	_ =	shalt  }
0x6e: {  	_ =	shalt  }
0x6f: {  	_ =	shalt  }
0x70: {  	_ =	shalt  }
0x71: {  	_ =	shalt  }
0x72: {  	_ =	shalt  }
0x73: {  	_ =	shalt  }
0x74: {  	_ =	shalt  }
0x75: {  	_ =	shalt  }
0x76: {  	_ =	shalt  }
0x77: {  	_ =	shalt  }
0x78: {  	_ =	shalt  }
0x79: {  	_ =	shalt  }
0x7a: {  	_ =	shalt  }
0x7b: {  	_ =	shalt  }
0x7c: {  	_ =	shalt  }
0x7d: {  	_ =	shalt  }
0x7e: {  	_ =	shalt  }
0x7f: {  	_ =	shalt  }
0x80: {  	_ =	shalt  }
0x81: {  	_ =	shalt  }
0x82: {  	_ =	shalt  }
0x83: {  	_ =	shalt  }
0x84: {  	_ =	shalt  }
0x85: {  	_ =	shalt  }
0x86: {  	_ =	shalt  }
0x87: {  	_ =	shalt  }
.Lfunc_end0:
.L_simem_size_0:
called_computation_lowered:
.L_overlay_start_0:
0x88: {  	s2 =	sld [smem:$0x3FD9]  }
0x89: {  	s3 =	sld [smem:$0x3FFE];
	_ =	sdelay $0x1  }
0x8a: {  	s1 =	srdreg.scid  }
0x8b: {  	s0 =	sand.u32 $0x1, s1  }
0x8c: {  	s17 =	sshll.u32 s0, $0xA;
	s2 =	sadd.s32 s3, s2  }
0x8d: {  	s2 =	sadd.s32 s2, s17  }
0x8e: {  	[smem:$0x3FB2] =	sst s2  }
0x8f: {  	_ = 	snop  }
0x90: {  	s2 =	sld [smem:$0x3FC9];
	(tm) =	ssettm $0x1  }
0x91: {  	s18 =	sld [smem:$0x3FFB];
	_ =	sdelay $0x3  }
0x92: {  	_ =	strace s18  }
0x93: {  	s3 =	sld [smem:$0x3FFC];
	_ =	sdelay $0x3  }
0x94: {  	_ =	strace s3  }
0x95: {  	s3 =	sld [smem:$0x3FFD];
	_ =	sdelay $0x3  }
0x96: {  	_ =	strace s3  }
0x97: {  	_ =	strace $0x8FFFFFFF  }
0x98: {  	s19 =	sld [smem:$0x3FDB];
	_ =	sdelay $0x1  }
0x99: {  	s4 =	simm.s32 $_scs_section_size  }
0x9a: {  	s5 =	simm.s32 $_size__tile_overlayer_lowered;
	s6 =	simm.s32 $_tile_overlayer_lowered  }
0x9b: {  	s22 =	simm.s32 $0x1BFF;
	s21 =	sshll.u32 s6, $0x1;
	s3 =	sadd.s32 s4, s19  }
0x9c: {  	s7 =	simm.s32 $0x0;
	s20 =	sshll.u32 s5, $0x1;
	s5 =	sadd.s32 s21, s3  }
0x9d: {  	[timem:s7], [sflag:s22] =	dma.local [hbm:s5], s20  }
0x9e: {  	_ =	swait.ge [sflag:s22], s20  }
0x9f: {  	s4 =	ssub.s32 $0x0, s20;
	[sflag:s22] =	ssyncset.done $0x0  }
0xa0: {  	[sflag:s22] =	ssyncadd.s32 s4;
	_ =	sdelay $0x1  }
0xa1: {  	s23 =	simm.s32 $0x1B8B  }
0xa2: {  	_ =	swait.ge [sflag:s23], $0x1  }
0xa3: {  	[sflag:s23] =	ssyncset.done $0x0  }
0xa4: {  	s25 =	simm.s32 $0x1B8E;
	s24 =	sld [smem:$0x3FFE];
	[sflag:s23] =	ssyncadd.s32 $0xFFFFFFFF  }
0xa5: {  	s26 =	simm.s32 $execute0_lowered;
	[smem:$0x3FD2] =	sst s25  }
0xa6: {  	s5 =	sshll.u32 s26, $0x1;
	_ =	strace $0x80000046;
	[dreg:$0x1] =	wrdreg $0xFFFFFFFF  }
0xa7: {  	s28 =	simm.s32 $_size_execute0_lowered;
	s3 =	sadd.s32 s3, s5;
	[dreg:$0x0] =	wrdreg $0x0  }
0xa8: {  	s5 =	sshll.u32 s28, $0x1;
	[dreg:$0x2] =	wrdreg s3  }
0xa9: {  	[dreg:$0x3] =	wrdreg s5  }
0xaa: {  	[dreg:$0x4] =	wrdreg $0xC0  }
0xab: {  	_ =	task [dreg:s7], $0x5FFFF  }
0xac: {  	[dreg:$0x1] =	wrdreg $0xFFFFFFFF  }
0xad: {  	[dreg:$0x0] =	wrdreg $0x60  }
0xae: {  	[dreg:$0x2] =	wrdreg s2  }
0xaf: {  	[dreg:$0x3] =	wrdreg s24  }
0xb0: {  	[dreg:$0x4] =	wrdreg $0xA5000  }
0xb1: {  	[dreg:$0x5] =	wrdreg $0x9  }
0xb2: {  	_ =	task.clear_ibuf [dreg:s7], $0x6FFFF;
	_ =	strace $0x90000046  }
0xb3: {  	s29 =	simm.s32 $0x9;
	_ =	strace $0x80000048  }
0xb4: {  	_ =	swait.ge [sflag:s29], $0x1  }
0xb5: {  	[sflag:s29] =	ssyncadd.s32 $0xFFFFFFFF  }
0xb6: {  	_ =	strace $0x90000048  }
0xb7: {  	_ =	sfence  }
0xb8: {  	s30 =	sld [smem:$0x0];
	_ =	sdelay $0x2  }
0xb9: {  	s31 =	sshll.u32 s1, $0xD;
	s1 =	sshrl.u32 s1, $0x2  }
0xba: {  	s3 =	sand.u32 $0x4000, s31;
	s1 =	sadd.s32 s1, s30  }
0xbb: {  	s0 =	sor.u32 s3, s0;
	s1 =	sshll.u32 s1, $0x11  }
0xbc: {  	s0 =	sor.u32 s1, s0  }
0xbd: {  	s0 =	sadd.s32 $0x8F2B, s0  }
0xbe: {  	[sflag:s0] =	ssyncadd.remote.s32 $0x1  }
0xbf: {  	_ =	sfence.sel $0xFFFF  }
0xc0: {  	[dreg:$0x0] =	wrdreg $0xFFFFFFFF;
	(pc) =	sbr.abs _section_cstart, $3  }
0xc1: {  	[dreg:$0x1] =	wrdreg $0xFFFFFFFF  }
0xc2: {  	_ =	task.clear_ibuf [dreg:s7], $0x2FFFF;
	_ =	strace $0x9FFFFFFF  }
0xc3: {  	(tm) =	ssettm $0x7FFFFFFF  }
tec
execute0_lowered:
.L_overlay_start_1:
0x0: {  	(tag) =	ssettag $0x1  }
0x1: {  	s0 =	rddreg [dreg:$0x1]  }
0x2: {  	s11 =	stileid.u32;
	s1 =	srdreg.scid  }
0x3: {  	s30 =	simm.s32 $0x100;
	s29 =	simm.s32 $0x380;
	s28 =	simm.s32 $0x480  }
0x4: {  	s2 =	sand.u32 $0x1, s1;
	s3 =	smul.u32 $0x280, s11;
	s4 =	sshll.u32 s11, $0x1  }
0x5: {  	s1 =	simm.s32 $0x0;
	s7 =	sadd.s32 $0x4E00, s0;
	s21 =	smul.u32 $0x5000, s11  }
0x6: {  	s8 =	sadd.s32 $0xEE00, s0;
	p0 =	seq.s32 s11, $0xF;
	s5 =	smul.u32 $0x2710, s2  }
0x7: {  	s4 =	sor.u32 s2, s4;
	s6 =	ssub.s32 $0x2, s2;
	s2 =	smul.u32 $0x2800, s2  }
0x8: {  	[smem:$0x7FF] =	sst s1;
	s4 =	smul.u32 $0x2800, s4;
	s9 =	sshrl.u32 s6, $0x1  }
0x9: {  	s3 =	sadd.s32 s3, s5;
	s5 =	ssub.s32 s6, s9;
	s2 =	sadd.s32 s2, s21  }
0xa: {  	s21 =	rddreg [dreg:$0x0];
	s4 =	sshrl.u32 s4, $0x3;
	s31 =	sor.u32 $0x240, s2  }
0xb: {  	s13 =	sor.u32 $0x200, s2;
	s14 =	sor.u32 $0x1C0, s2;
	s16 =	sor.u32 $0x180, s2  }
0xc: {  	s2 =	sor.u32 $0x140, s2;
	s3 =	sshll.u32 s3, $0x4;
	s19 =	sadd.s32 s7, s4  }
0xd: {  	s20 =	sadd.s32 s8, s4;
	s22 =	sor.u32 $0x8, s4;
	[dreg:$0x4] =	wrdreg s19  }
0xe: {  	s10 =	sor.u32 $0x10, s4;
	[dreg:$0x5] =	wrdreg s20;
	s12 =	sadd.s32 s7, s22  }
0xf: {  	s25 =	sor.u32 $0x18, s4;
	s9 =	sadd.s32 s8, s22;
	[dreg:$0x6] =	wrdreg s12  }
0x10: {  	s4 =	sor.u32 $0x20, s4;
	s23 =	sadd.s32 s7, s10;
	[dreg:$0x7] =	wrdreg s9  }
0x11: {  	s6 =	sshrl.u32 s31, $0x3;
	s24 =	sadd.s32 s8, s10;
	[dreg:$0x8] =	wrdreg s23  }
0x12: {  	s18 =	sshrl.u32 s16, $0x3;
	s26 =	sadd.s32 s7, s25;
	[dreg:$0x9] =	wrdreg s24  }
0x13: {  	s2 =	sshrl.u32 s2, $0x3;
	s10 =	sadd.s32 s7, s4;
	[dreg:$0xa] =	wrdreg s26  }
0x14: {  	s3 =	sadd.s32 s3, s0;
	s4 =	sadd.s32 s8, s4;
	[dreg:$0xc] =	wrdreg s10  }
0x15: {  	s16 =	simm.s32 $0xC;
	s19 =	sadd.s32 s18, s8;
	[dreg:$0xd] =	wrdreg s4  }
0x16: {  	s20 =	sadd.s32 s2, s8;
	s22 =	smul.u32 $0x50000, s11;
	[dreg:$0x14] =	wrdreg s19  }
0x17: {  	s2 =	sadd.s32 s2, s7;
	s9 =	sadd.s32 s8, s25;
	[dreg:$0x16] =	wrdreg s20  }
0x18: {  	s12 =	sadd.s32 s6, s8;
	s6 =	sadd.s32 s6, s7;
	s23 =	rddreg [dreg:$0x2]  }
0x19: {  	s4 =	sshrl.u32 s13, $0x3;
	[dreg:$0x17] =	wrdreg s2;
	s24 =	smul.u32 $0x2800, s11  }
0x1a: {  	s25 =	sadd.s32 $0x40000, s3;
	s26 =	smax.u32 s5, $0x1;
	s11 =	simm.s32 $0x80  }
0x1b: {  	s13 =	simm.s32 $0x180;
	s10 =	simm.s32 $0x40;
	[dreg:$0xb] =	wrdreg s9  }
0x1c: {  	s19 =	simm.s32 $0x8;
	s20 =	simm.s32 $0xF;
	[dreg:$0xe] =	wrdreg s12  }
0x1d: {  	s3 =	simm.s32 $0x11;
	s5 =	simm.s32 $0x13;
	[dreg:$0xf] =	wrdreg s6  }
0x1e: {  	s15 =	sadd.s32 s4, s8;
	s6 =	sshrl.u32 s14, $0x3;
	s4 =	sadd.s32 s4, s7  }
0x1f: {  	s31 =	sadd.s32 $0x12C000, s23;
	s9 =	simm.s32 $0x400;
	[dreg:$0x10] =	wrdreg s15  }
0x20: {  	s12 =	simm.s32 $0x0;
	[dreg:$0x11] =	wrdreg s4;
	s17 =	sadd.s32 s6, s8  }
0x21: {  	s14 =	simm.s32 $0x4500;
	s6 =	sadd.s32 s6, s7;
	[dreg:$0x12] =	wrdreg s17  }
0x22: {  	s4 =	sadd.s32 s18, s7;
	s2 =	sadd.s32 s24, s0;
	[dreg:$0x13] =	wrdreg s6  }
0x23: {  	s0 =	sadd.s32 $0x3E600, s0;
	[dreg:$0x15] =	wrdreg s4;
	s2 =	sadd.s32 $0x18E00, s2  }
0x24: {  	s15 =	simm.s32 $0x6;
	_ =	strace $0x80000047;
	[dreg:$0x19] =	wrdreg s2  }
0x25: {  	s18 =	simm.s32 $0xD;
	s24 =	simm.s32 $0x9;
	[dreg:$0x1a] =	wrdreg s0  }
.Ltmp0:
0x26: {  	s4 =	sshrl.u32 s22, $0x2;
	[dreg:$0x1b] =	wrdreg s25;
	(pc) =	sbr.rel .LBB2_1-.Ltmp0, $4  }
0x27: {  	s17 =	simm.s32 $0x7;
	s22 =	simm.s32 $0xE;
	[dreg:$0x1c] =	wrdreg s26  }
0x28: {  	s6 =	simm.s32 $0x14;
	s4 =	sadd.s32 s4, s23;
	[dreg:$0x1d] =	wrdreg s31  }
0x29: {  	s26 =	simm.s32 $0x300;
	s25 =	simm.s32 $0x200;
	s0 =	simm.s32 $0xA  }
0x2a: {  	s2 =	simm.s32 $0x10;
	[dreg:$0x18] =	wrdreg s4;
	s4 =	simm.s32 $0x12  }
.LBB2_4:
0x2b: {  	_ =	swait.ge [sflag:s3], $0x2000  }
0x2c: {  	[sflag:s3] =	ssyncset.done $0x0  }
0x2d: {  	[sflag:s3] =	ssyncadd.s32 $0xFFFFE000  }
0x2e: {  	_ =	swait.ge [sflag:s4], $0x2000  }
0x2f: {  	[sflag:s4] =	ssyncset.done $0x0  }
0x30: {  	[sflag:s4] =	ssyncadd.s32 $0xFFFFE000  }
0x31: {  	_ =	swait.ge [sflag:s5], $0x2000  }
0x32: {  	[sflag:s5] =	ssyncset.done $0x0  }
0x33: {  	[sflag:s5] =	ssyncadd.s32 $0xFFFFE000  }
0x34: {  	_ =	swait.ge [sflag:s6], $0x2000  }
0x35: {  	[sflag:s6] =	ssyncset.done $0x0  }
0x36: {  	[sflag:s6] =	ssyncadd.s32 $0xFFFFE000  }
0x37: {  	[bflag:$0x0] =	sbarrier.arrive $0xFFFF  }
0x38: {  	s8 =	rddreg [dreg:$0x1b]  }
0x39: {  	s7 =	simm.s32 @p0 $0x1FD5;
	s9 =	rddreg [dreg:$0x1f]  }
0x3a: {  	[hbm:s8], [sflag:s7] =	dma.local @p0 [spmem:s9], $0x1900  }
0x3b: {  	s7 =	simm.s32 @p0 $0x15  }
0x3c: {  	_ =	swait.ge @p0 [sflag:s7], $0x1900  }
0x3d: {  	[sflag:s7] =	ssyncset.done @p0 $0x0;
	s9 =	sld [smem:$0x7FD]  }
0x3e: {  	[sflag:s7] =	ssyncadd.s32 @p0 $0xFFFFE700;
	s7 =	sld [smem:$0x7FC];
	_ =	sdelay $0x2  }
0x3f: {  	[hbm:s8], [sflag:s7] =	dma.local @!p0 [spmem:s9], $0x2800  }
0x40: {  	s7 =	simm.s32 @!p0 $0x15  }
0x41: {  	_ =	swait.ge @!p0 [sflag:s7], $0x2800  }
0x42: {  	s12 =	rddreg [dreg:$0x1e]  }
0x43: {  	s31 =	rddreg [dreg:$0x1c];
	s12 =	sadd.s32 $0x1, s12  }
0x44: {  	p1 =	sne.s32 s12, s31  }
.Ltmp1:
0x45: {  	_ = 	snop;
	(pc) =	sbr.rel @!p1 .LBB2_5-.Ltmp1, $4  }
0x46: {  	s11 =	simm.s32 $0x80  }
0x47: {  	s26 =	simm.s32 $0x300;
	s30 =	simm.s32 $0x100;
	s29 =	simm.s32 $0x380  }
0x48: {  	s13 =	simm.s32 $0x180;
	s25 =	simm.s32 $0x200;
	[sflag:s7] =	ssyncset.done @!p0 $0x0  }
0x49: {  	s28 =	simm.s32 $0x480;
	s9 =	simm.s32 $0x400;
	[sflag:s7] =	ssyncadd.s32 @!p0 $0xFFFFD800  }
.LBB2_1:
0x4a: {  	[dreg:$0x1e] =	wrdreg s12  }
0x4b: {  	s7 =	rddreg [dreg:$0x1d]  }
0x4c: {  	s8 =	rddreg [dreg:$0x1a];
	s12 =	sshrl.u32 @p0 s7, $0x3  }
0x4d: {  	s7 =	simm.s32 @p0 $0x1FD5;
	[dreg:$0x1f] =	wrdreg s12  }
0x4e: {  	[spmem:s12], [sflag:s7] =	dma.local @p0 [hbm:s8], $0x1900  }
0x4f: {  	s8 =	simm.s32 @p0 $0x15  }
0x50: {  	s7 =	stileid.u32;
	_ =	swait.ge @p0 [sflag:s8], $0x1900  }
0x51: {  	s7 =	sshll.u32 @!p0 s7, $0x6;
	[sflag:s8] =	ssyncset.done @p0 $0x0  }
0x52: {  	[sflag:s8] =	ssyncadd.s32 @p0 $0xFFFFE700;
	s8 =	sor.u32 @!p0 $0x1C15, s7;
	s7 =	rddreg [dreg:$0x18]  }
0x53: {  	s12 =	sshrl.u32 @!p0 s7, $0x3;
	s7 =	rddreg [dreg:$0x19]  }
0x54: {  	[smem:$0x7FC] =	sst s8  }
0x55: {  	[smem:$0x7FD] =	sst s12  }
0x56: {  	[spmem:s12], [sflag:s8] =	dma.local @!p0 [hbm:s7], $0x2800  }
0x57: {  	s7 =	simm.s32 @!p0 $0x15  }
0x58: {  	_ =	swait.ge @!p0 [sflag:s7], $0x2800  }
0x59: {  	[sflag:s7] =	ssyncset.done @!p0 $0x0  }
0x5a: {  	[sflag:s7] =	ssyncadd.s32 @!p0 $0xFFFFD800  }
0x5b: {  	[bflag:$0x0] =	sbarrier.arrive $0xFFFF  }
0x5c: {  	s12 =	rddreg [dreg:$0x4]  }
0x5d: {  	[tilespmem:s1], [sflag:$0x1] =	stream.linear.gather [hbm4b:s12+s1], $0x40, $0x38;
	[tilespmem:$0x1E580] =	vst v63  }
0x5e: {  	s8 =	simm.s32 $0x280;
	s31 =	rddreg [dreg:$0x5]  }
0x5f: {  	[tilespmem:s8], [sflag:$0x6] =	stream.linear.gather [hbm4b:s31+s1], $0x40, $0x38;
	[tilespmem:$0x1E580] =	vst v63  }
0x60: {  	s12 =	rddreg [dreg:$0x6]  }
0x61: {  	[tilespmem:s11], [sflag:$0x2] =	stream.linear.gather [hbm4b:s12+s1], $0x40, $0x38;
	[tilespmem:$0x1E580] =	vst v63  }
0x62: {  	s31 =	rddreg [dreg:$0x7]  }
0x63: {  	[tilespmem:s26], [sflag:$0x7] =	stream.linear.gather [hbm4b:s31+s1], $0x40, $0x38;
	[tilespmem:$0x1E580] =	vst v63  }
0x64: {  	s12 =	rddreg [dreg:$0x8]  }
0x65: {  	[tilespmem:s30], [sflag:$0x3] =	stream.linear.gather [hbm4b:s12+s1], $0x40, $0x38;
	[tilespmem:$0x1E580] =	vst v63  }
0x66: {  	s31 =	rddreg [dreg:$0x9]  }
0x67: {  	[tilespmem:s29], [sflag:$0x8] =	stream.linear.gather [hbm4b:s31+s1], $0x40, $0x38;
	[tilespmem:$0x1E580] =	vst v63  }
0x68: {  	s12 =	rddreg [dreg:$0xa]  }
0x69: {  	[tilespmem:s13], [sflag:$0x4] =	stream.linear.gather [hbm4b:s12+s1], $0x40, $0x38;
	[tilespmem:$0x1E580] =	vst v63  }
0x6a: {  	s31 =	rddreg [dreg:$0xb]  }
0x6b: {  	[tilespmem:s9], [sflag:$0x9] =	stream.linear.gather [hbm4b:s31+s1], $0x40, $0x38;
	[tilespmem:$0x1E580] =	vst v63  }
0x6c: {  	s12 =	rddreg [dreg:$0xc]  }
0x6d: {  	[tilespmem:s25], [sflag:$0x5] =	stream.linear.gather [hbm4b:s12+s1], $0x40, $0x38;
	[tilespmem:$0x1E580] =	vst v63  }
0x6e: {  	s7 =	simm.s32 $0x0;
	s31 =	rddreg [dreg:$0xd]  }
0x6f: {  	[tilespmem:s28], [sflag:$0xA] =	stream.linear.gather [hbm4b:s31+s1], $0x40, $0x38;
	[tilespmem:$0x1E580] =	vst v63  }
.LBB2_2:
0x70: {  	s31 =	simm.s32 $0x1  }
0x71: {  	_ =	swait.ge [sflag:s31], $0x40  }
0x72: {  	[sflag:s31] =	ssyncset.done $0x0  }
0x73: {  	s12 =	simm.s32 $0x2;
	[sflag:s31] =	ssyncadd.s32 $0xFFFFFFC0;
	s31 =	simm.s32 $0x500  }
0x74: {  	[tilespmem:s31], [sflag:$0xB] =	stream.indirect.gather [hbm4b:s21+s10], $0x80, s1, s10, $0xb8;
	[tilespmem:$0x1E580] =	vst v63  }
0x75: {  	_ =	swait.ge [sflag:s12], $0x40  }
0x76: {  	[sflag:s12] =	ssyncset.done $0x0  }
0x77: {  	[sflag:s12] =	ssyncadd.s32 $0xFFFFFFC0;
	s12 =	simm.s32 $0x2500  }
0x78: {  	[tilespmem:s12], [sflag:$0xC] =	stream.indirect.gather [hbm4b:s21+s10], $0x80, s11, s10, $0xb8;
	[tilespmem:$0x1E580] =	vst v63  }
0x79: {  	s11 =	simm.s32 $0x3  }
0x7a: {  	_ =	swait.ge [sflag:s11], $0x40  }
0x7b: {  	[sflag:s11] =	ssyncset.done $0x0  }
0x7c: {  	[sflag:s11] =	ssyncadd.s32 $0xFFFFFFC0;
	s11 =	simm.s32 $0x4  }
0x7d: {  	[tilespmem:s14], [sflag:$0xD] =	stream.indirect.gather [hbm4b:s21+s10], $0x80, s30, s10, $0xb8;
	[tilespmem:$0x1E580] =	vst v63  }
0x7e: {  	_ =	swait.ge [sflag:s11], $0x40  }
0x7f: {  	[sflag:s11] =	ssyncset.done $0x0  }
0x80: {  	s30 =	simm.s32 $0x6500;
	[sflag:s11] =	ssyncadd.s32 $0xFFFFFFC0  }
0x81: {  	[tilespmem:s30], [sflag:$0xE] =	stream.indirect.gather [hbm4b:s21+s10], $0x80, s13, s10, $0xb8;
	[tilespmem:$0x1E580] =	vst v63  }
0x82: {  	s13 =	simm.s32 $0x5  }
0x83: {  	_ =	swait.ge [sflag:s13], $0x40  }
0x84: {  	[sflag:s13] =	ssyncset.done $0x0  }
0x85: {  	[sflag:s13] =	ssyncadd.s32 $0xFFFFFFC0;
	s13 =	simm.s32 $0x8500  }
0x86: {  	[tilespmem:s13], [sflag:$0xF] =	stream.indirect.gather [hbm4b:s21+s10], $0x80, s25, s10, $0xb8;
	[tilespmem:$0x1E580] =	vst v63  }
0x87: {  	s25 =	simm.s32 $0xB  }
0x88: {  	_ =	swait.ge [sflag:s25], $0x2000  }
0x89: {  	[sflag:s25] =	ssyncset.done $0x0  }
0x8a: {  	[sflag:s25] =	ssyncadd.s32 $0xFFFFE000  }
0x8b: {  	_ =	swait.ge [sflag:s15], $0x40  }
0x8c: {  	[sflag:s15] =	ssyncset.done $0x0  }
0x8d: {  	[sflag:s15] =	ssyncadd.s32 $0xFFFFFFC0  }
0x8e: {  	[spmem:s23] =	stream.indirect.scatter.add.f32 [tilespmem:s31], [sflag:$0x10], $0x80, s8, s10, $0xb8;
	[tilespmem:$0x1E580] =	vst v63  }
0x8f: {  	_ =	swait.ge [sflag:s16], $0x2000  }
0x90: {  	[sflag:s16] =	ssyncset.done $0x0  }
0x91: {  	[sflag:s16] =	ssyncadd.s32 $0xFFFFE000  }
0x92: {  	_ =	swait.ge [sflag:s17], $0x40  }
0x93: {  	[sflag:s17] =	ssyncset.done $0x0  }
0x94: {  	[sflag:s17] =	ssyncadd.s32 $0xFFFFFFC0  }
0x95: {  	[spmem:s23] =	stream.indirect.scatter.add.f32 [tilespmem:s12], [sflag:$0x11], $0x80, s26, s10, $0xb8;
	[tilespmem:$0x1E580] =	vst v63  }
0x96: {  	_ =	swait.ge [sflag:s18], $0x2000  }
0x97: {  	[sflag:s18] =	ssyncset.done $0x0  }
0x98: {  	[sflag:s18] =	ssyncadd.s32 $0xFFFFE000  }
0x99: {  	_ =	swait.ge [sflag:s19], $0x40  }
0x9a: {  	[sflag:s19] =	ssyncset.done $0x0  }
0x9b: {  	[sflag:s19] =	ssyncadd.s32 $0xFFFFFFC0  }
0x9c: {  	[spmem:s23] =	stream.indirect.scatter.add.f32 [tilespmem:s14], [sflag:$0x12], $0x80, s29, s10, $0xb8;
	[tilespmem:$0x1E580] =	vst v63  }
0x9d: {  	_ =	swait.ge [sflag:s22], $0x2000  }
0x9e: {  	[sflag:s22] =	ssyncset.done $0x0  }
0x9f: {  	[sflag:s22] =	ssyncadd.s32 $0xFFFFE000  }
0xa0: {  	_ =	swait.ge [sflag:s24], $0x40  }
0xa1: {  	[sflag:s24] =	ssyncset.done $0x0  }
0xa2: {  	[sflag:s24] =	ssyncadd.s32 $0xFFFFFFC0  }
0xa3: {  	[spmem:s23] =	stream.indirect.scatter.add.f32 [tilespmem:s30], [sflag:$0x13], $0x80, s9, s10, $0xb8;
	[tilespmem:$0x1E580] =	vst v63  }
0xa4: {  	_ =	swait.ge [sflag:s20], $0x2000  }
0xa5: {  	[sflag:s20] =	ssyncset.done $0x0  }
0xa6: {  	[sflag:s20] =	ssyncadd.s32 $0xFFFFE000  }
0xa7: {  	p1 =	seq.s32 s7, $0x4D8;
	_ =	swait.ge [sflag:s0], $0x40  }
0xa8: {  	s11 =	simm.s32 $0x280;
	s25 =	simm.s32 $0x400;
	[sflag:s0] =	ssyncset.done $0x0  }
.Ltmp2:
0xa9: {  	s31 =	simm.s32 $0x480;
	[sflag:s0] =	ssyncadd.s32 $0xFFFFFFC0;
	(pc) =	sbr.rel @p1 .LBB2_4-.Ltmp2, $4  }
0xaa: {  	[spmem:s23] =	stream.indirect.scatter.add.f32 [tilespmem:s13], [sflag:$0x14], $0x80, s28, s10, $0xb8;
	[tilespmem:$0x1E580] =	vst v63  }
0xab: {  	s26 =	simm.s32 $0x80;
	s29 =	simm.s32 $0x100;
	_ =	swait.ge [sflag:s2], $0x2000  }
0xac: {  	s9 =	simm.s32 $0x180;
	s30 =	simm.s32 $0x300;
	[sflag:s2] =	ssyncset.done $0x0  }
0xad: {  	s28 =	simm.s32 $0x200;
	s13 =	simm.s32 $0x380;
	[sflag:s2] =	ssyncadd.s32 $0xFFFFE000  }
0xae: {  	s8 =	rddreg [dreg:$0x17]  }
0xaf: {  	s12 =	rddreg [dreg:$0x16];
	s8 =	sadd.s32 s7, s8  }
0xb0: {  	[tilespmem:s1], [sflag:$0x1] =	stream.linear.gather [hbm4b:s8+s1], $0x40, $0x38;
	[tilespmem:$0x1E580] =	vst v63  }
0xb1: {  	s8 =	sadd.s32 s7, s12  }
0xb2: {  	[tilespmem:s11], [sflag:$0x6] =	stream.linear.gather [hbm4b:s8+s1], $0x40, $0x38;
	[tilespmem:$0x1E580] =	vst v63  }
0xb3: {  	_ =	swait.ge [sflag:s3], $0x2000  }
0xb4: {  	[sflag:s3] =	ssyncset.done $0x0;
	s11 =	rddreg [dreg:$0x15]  }
0xb5: {  	s12 =	rddreg [dreg:$0x14];
	[sflag:s3] =	ssyncadd.s32 $0xFFFFE000;
	s8 =	sadd.s32 s7, s11  }
0xb6: {  	[tilespmem:s26], [sflag:$0x2] =	stream.linear.gather [hbm4b:s8+s1], $0x40, $0x38;
	[tilespmem:$0x1E580] =	vst v63  }
0xb7: {  	s8 =	sadd.s32 s7, s12  }
0xb8: {  	[tilespmem:s30], [sflag:$0x7] =	stream.linear.gather [hbm4b:s8+s1], $0x40, $0x38;
	[tilespmem:$0x1E580] =	vst v63  }
0xb9: {  	_ =	swait.ge [sflag:s4], $0x2000  }
0xba: {  	[sflag:s4] =	ssyncset.done $0x0;
	s26 =	rddreg [dreg:$0x13]  }
0xbb: {  	s11 =	rddreg [dreg:$0x12];
	[sflag:s4] =	ssyncadd.s32 $0xFFFFE000;
	s8 =	sadd.s32 s7, s26  }
0xbc: {  	[tilespmem:s29], [sflag:$0x3] =	stream.linear.gather [hbm4b:s8+s1], $0x40, $0x38;
	[tilespmem:$0x1E580] =	vst v63  }
0xbd: {  	s8 =	sadd.s32 s7, s11  }
0xbe: {  	[tilespmem:s13], [sflag:$0x8] =	stream.linear.gather [hbm4b:s8+s1], $0x40, $0x38;
	[tilespmem:$0x1E580] =	vst v63  }
0xbf: {  	_ =	swait.ge [sflag:s5], $0x2000  }
0xc0: {  	[sflag:s5] =	ssyncset.done $0x0;
	s12 =	rddreg [dreg:$0x11]  }
0xc1: {  	s13 =	rddreg [dreg:$0x10];
	[sflag:s5] =	ssyncadd.s32 $0xFFFFE000;
	s8 =	sadd.s32 s7, s12  }
0xc2: {  	[tilespmem:s9], [sflag:$0x4] =	stream.linear.gather [hbm4b:s8+s1], $0x40, $0x38;
	[tilespmem:$0x1E580] =	vst v63  }
0xc3: {  	s8 =	sadd.s32 s7, s13  }
0xc4: {  	[tilespmem:s25], [sflag:$0x9] =	stream.linear.gather [hbm4b:s8+s1], $0x40, $0x38;
	[tilespmem:$0x1E580] =	vst v63  }
0xc5: {  	s30 =	simm.s32 $0x100;
	s11 =	simm.s32 $0x80;
	_ =	swait.ge [sflag:s6], $0x2000  }
0xc6: {  	s29 =	simm.s32 $0x380;
	s13 =	simm.s32 $0x180;
	s25 =	rddreg [dreg:$0xf]  }
0xc7: {  	s9 =	simm.s32 $0x400;
	[sflag:s6] =	ssyncset.done $0x0;
	s26 =	rddreg [dreg:$0xe]  }
.Ltmp3:
0xc8: {  	[sflag:s6] =	ssyncadd.s32 $0xFFFFE000;
	s8 =	sadd.s32 s7, s25;
	(pc) =	sbr.rel .LBB2_2-.Ltmp3, $4  }
0xc9: {  	[tilespmem:s28], [sflag:$0x5] =	stream.linear.gather [hbm4b:s8+s1], $0x40, $0x38;
	[tilespmem:$0x1E580] =	vst v63  }
0xca: {  	s25 =	simm.s32 $0x200;
	s8 =	sadd.s32 s7, s26;
	s7 =	sadd.s32 $0x28, s7  }
0xcb: {  	[tilespmem:s31], [sflag:$0xA] =	stream.linear.gather [hbm4b:s8+s1], $0x40, $0x38;
	[tilespmem:$0x1E580] =	vst v63  }
0xcc: {  	s26 =	simm.s32 $0x300;
	s28 =	simm.s32 $0x480;
	s8 =	simm.s32 $0x280  }
.LBB2_5:
0xcd: {  	_ =	sfence.sel $0x180000  }
0xce: {  	[bflag:$0x0] =	sbarrier.arrive $0xFFFF  }
0xcf: {  	_ =	strace $0x90000047  }
0xd0: {  	s0 =	stileid.u32;
	[bflag:$0x2] =	sbarrier.arrive $0xFFFF  }
0xd1: {  	p0 =	sne.s32 s0, $0x0;
	s0 =	rddreg [dreg:$0x3]  }
0xd2: {  	s0 =	sadd.s32 @!p0 $0x100000, s0  }
0xd3: {  	[sflag:s0] =	ssyncadd.tile.s32 @!p0 $0x1;
	_ =	shalt  }
.Lfunc_end2:
_tile_overlayer_lowered:
.L_overlay_start_2:
0xd4: {  	(tag) =	ssettag $0x2  }
0xd5: {  	s0 =	rddreg [dreg:$0x0];
	s2 =	stileid.u32  }
0xd6: {  	s1 =	rddreg [dreg:$0x1];
	p0 =	sne.s32 s2, $0x0  }
0xd7: {  	s3 =	rddreg [dreg:$0x2];
	[bflag:$0x3] =	sbarrier.arrive $0xFFFF;
	s2 =	simm.s32 @!p0 $0x1C15  }
0xd8: {  	[timem:s3], [sflag:s2] =	dma.local @!p0 [hbm:s0], s1  }
0xd9: {  	s0 =	simm.s32 @!p0 $0x15  }
0xda: {  	_ =	swait.ge @!p0 [sflag:s0], s1  }
0xdb: {  	s1 =	ssub.s32 @!p0 $0x0, s1;
	[sflag:s0] =	ssyncset.done @!p0 $0x0  }
0xdc: {  	[sflag:s0] =	ssyncadd.s32 @!p0 s1  }
0xdd: {  	[bflag:$0x3] =	sbarrier.arrive $0xFFFF  }
0xde: {  	_ =	shalt  }

// kernel: kernel.13.cloned.1.call-start
scs
__scs_entry_jumppad:
0x0: {  	(pc) =	sbr.rel $0x88, $3  }
0x1: {  	(tag) =	ssettag $0x0;
	lr =	simm.s32 $0x1  }
0x2: {  	[smem:$0x3F8B] =	sst lr;
	_ =	strace $0xD0000000  }
0x3: {  	_ = 	snop  }
0x4: {  	_ = 	snop  }
0x5: {  	_ = 	snop  }
0x6: {  	_ = 	snop  }
0x7: {  	_ = 	snop  }
__scs_overlays_trampoline_lowered:
0x8: {  	[smem:$0x3F9A] =	sst s0  }
0x9: {  	[smem:$0x3F9B] =	sst s1  }
0xa: {  	[smem:$0x3F9C] =	sst s2  }
0xb: {  	[smem:$0x3F9D] =	sst s3  }
0xc: {  	[smem:$0x3F9E] =	sst s4  }
0xd: {  	[smem:$0x3F9F] =	sst s5  }
0xe: {  	[smem:$0x3FA0] =	sst s6  }
0xf: {  	[smem:$0x3FA1] =	sst s7  }
0x10: {  	[smem:$0x3FA2] =	sst s8  }
0x11: {  	[smem:$0x3FA3] =	sst s9;
	s0 =	simm.s32 @!p0 $0x0  }
0x12: {  	s1 =	sld [smem:$0x3F89];
	s0 =	simm.s32 @p0 $0x1  }
0x13: {  	[smem:$0x3FA4] =	sst s0;
	s0 =	simm.s32 @!p1 $0x0  }
0x14: {  	s2 =	sld [smem:$0x3F88];
	s0 =	simm.s32 @p1 $0x1  }
0x15: {  	[smem:$0x3FA5] =	sst s0;
	s0 =	simm.s32 @!p2 $0x0  }
0x16: {  	s3 =	sld [smem:$0x3FDB];
	s0 =	simm.s32 @p2 $0x1  }
0x17: {  	s4 =	simm.s32 $0x1BF5;
	[smem:$0x3FA7] =	sst s0  }
0x18: {  	s0 =	sld [smem:$0x3F8A];
	_ =	swait.ge [sflag:s4], $0x0  }
0x19: {  	s7 =	sld [smem:$0x3F8B]  }
0x1a: {  	s8 =	sadd.s32 $0xFFFFE003, lr  }
0x1b: {  	s9 =	sadd.s32 $0xFFFFFEF7, lr;
	s5 =	simm.s32 $0xFFFFFFFF;
	p2 =	slt.u32 s8, $0xFFFFF086  }
0x1c: {  	p1 =	slt.u32 s9, $0xF7A;
	s5 =	simm.s32 @!p2 $0x0  }
0x1d: {  	s5 =	simm.s32 @p1 $0x1;
	p0 =	seq.s32 s7, s2  }
0x1e: {  	s7 =	smul.u32 @!p0 $0xF7A, s2;
	p2 =	seq.s32 @!p0 s5, $0x0  }
0x1f: {  	s9 =	smul.u32 $0xF7A, s1;
	s8 =	simm.s32 @!p0 $0x1BF5;
	p2 =	por !p2, p0  }
0x20: {  	[sflag:s8] =	ssyncset.s32 @!p0 $0xFFFFF086;
	s6 =	sadd.s32 @!p0 s3, s7;
	s7 =	simm.s32 @!p0 $0x108  }
0x21: {  	s3 =	sadd.s32 s3, s9;
	s6 =	sadd.s32 @!p0 $0x88, s6;
	s7 =	simm.s32 @p2 $0x1082  }
0x22: {  	[simem:s7], [sflag:s8] =	dma.local @!p0 [hbm:s6], $0xF7A  }
0x23: {  	s9 =	sor.u32 $0xD0000000, s2;
	s6 =	simm.s32 $0x108;
	_ =	swait.ge @!p0 [sflag:s8], $0x0  }
0x24: {  	s3 =	sadd.s32 $0x88, s3;
	s6 =	simm.s32 @!p1 $0x1082;
	[sflag:s4] =	ssyncset.s32 $0xFFFFF086  }
0x25: {  	[simem:s6], [sflag:s4] =	dma.local [hbm:s3], $0xF7A  }
0x26: {  	[smem:$0x3F8B] =	sst s1;
	(tag) =	ssettag s2;
	_ =	strace s9  }
0x27: {  	s1 =	sld [smem:$0x3F9B]  }
0x28: {  	s2 =	sld [smem:$0x3F9C]  }
0x29: {  	s4 =	sld [smem:$0x3F9E]  }
0x2a: {  	p0 =	seq.s32 s5, $0x0;
	s5 =	sld [smem:$0x3F9F]  }
0x2b: {  	s6 =	sld [smem:$0x3FA0]  }
0x2c: {  	s7 =	sld [smem:$0x3FA1]  }
0x2d: {  	s3 =	simm.s32 $0x108;
	s8 =	sld [smem:$0x3FA2]  }
0x2e: {  	s3 =	simm.s32 @!p0 $0x1082;
	s9 =	sld [smem:$0x3FA3]  }
0x2f: {  	lr =	sadd.s32 s0, s3;
	s0 =	sld [smem:$0x3F9A]  }
0x30: {  	s3 =	sld [smem:$0x3F9D]  }
0x31: {  	[smem:$0x3FA6] =	sst s10  }
0x32: {  	s10 =	sld [smem:$0x3FA4];
	_ =	sdelay $0x3  }
0x33: {  	p0 =	seq.s32 s10, $0x1;
	s10 =	sld [smem:$0x3FA6];
	_ =	sdelay $0x3  }
0x34: {  	[smem:$0x3FA6] =	sst s10  }
0x35: {  	s10 =	sld [smem:$0x3FA5];
	_ =	sdelay $0x3  }
0x36: {  	p1 =	seq.s32 s10, $0x1;
	s10 =	sld [smem:$0x3FA6];
	_ =	sdelay $0x3  }
0x37: {  	[smem:$0x3FA6] =	sst s10  }
0x38: {  	s10 =	sld [smem:$0x3FA7]  }
0x39: {  	_ = 	snop;
	(pc) =	sbr.ind lr, $3  }
0x3a: {  	_ = 	snop  }
0x3b: {  	_ = 	snop  }
0x3c: {  	p2 =	seq.s32 s10, $0x1;
	s10 =	sld [smem:$0x3FA6]  }
0x3d: {  	_ =	shalt  }
0x3e: {  	_ =	shalt  }
0x3f: {  	_ =	shalt  }
0x40: {  	_ =	shalt  }
0x41: {  	_ =	shalt  }
0x42: {  	_ =	shalt  }
0x43: {  	_ =	shalt  }
0x44: {  	_ =	shalt  }
0x45: {  	_ =	shalt  }
0x46: {  	_ =	shalt  }
0x47: {  	_ =	shalt  }
0x48: {  	_ =	shalt  }
0x49: {  	_ =	shalt  }
0x4a: {  	_ =	shalt  }
0x4b: {  	_ =	shalt  }
0x4c: {  	_ =	shalt  }
0x4d: {  	_ =	shalt  }
0x4e: {  	_ =	shalt  }
0x4f: {  	_ =	shalt  }
0x50: {  	_ =	shalt  }
0x51: {  	_ =	shalt  }
0x52: {  	_ =	shalt  }
0x53: {  	_ =	shalt  }
0x54: {  	_ =	shalt  }
0x55: {  	_ =	shalt  }
0x56: {  	_ =	shalt  }
0x57: {  	_ =	shalt  }
0x58: {  	_ =	shalt  }
0x59: {  	_ =	shalt  }
0x5a: {  	_ =	shalt  }
0x5b: {  	_ =	shalt  }
0x5c: {  	_ =	shalt  }
0x5d: {  	_ =	shalt  }
0x5e: {  	_ =	shalt  }
0x5f: {  	_ =	shalt  }
0x60: {  	_ =	shalt  }
0x61: {  	_ =	shalt  }
0x62: {  	_ =	shalt  }
0x63: {  	_ =	shalt  }
0x64: {  	_ =	shalt  }
0x65: {  	_ =	shalt  }
0x66: {  	_ =	shalt  }
0x67: {  	_ =	shalt  }
0x68: {  	_ =	shalt  }
0x69: {  	_ =	shalt  }
0x6a: {  	_ =	shalt  }
0x6b: {  	_ =	shalt  }
0x6c: {  	_ =	shalt  }
0x6d: {  	_ =	shalt  }
0x6e: {  	_ =	shalt  }
0x6f: {  	_ =	shalt  }
0x70: {  	_ =	shalt  }
0x71: {  	_ =	shalt  }
0x72: {  	_ =	shalt  }
0x73: {  	_ =	shalt  }
0x74: {  	_ =	shalt  }
0x75: {  	_ =	shalt  }
0x76: {  	_ =	shalt  }
0x77: {  	_ =	shalt  }
0x78: {  	_ =	shalt  }
0x79: {  	_ =	shalt  }
0x7a: {  	_ =	shalt  }
0x7b: {  	_ =	shalt  }
0x7c: {  	_ =	shalt  }
0x7d: {  	_ =	shalt  }
0x7e: {  	_ =	shalt  }
0x7f: {  	_ =	shalt  }
0x80: {  	_ =	shalt  }
0x81: {  	_ =	shalt  }
0x82: {  	_ =	shalt  }
0x83: {  	_ =	shalt  }
0x84: {  	_ =	shalt  }
0x85: {  	_ =	shalt  }
0x86: {  	_ =	shalt  }
0x87: {  	_ =	shalt  }
.Lfunc_end0:
.L_simem_size_0:
called_computation.1_lowered:
.L_overlay_start_0:
0x88: {  	s2 =	sld [smem:$0x3FD9]  }
0x89: {  	s3 =	sld [smem:$0x3FFE];
	_ =	sdelay $0x1  }
0x8a: {  	s1 =	srdreg.scid  }
0x8b: {  	s0 =	sand.u32 $0x1, s1  }
0x8c: {  	s16 =	sshll.u32 s0, $0xA;
	s2 =	sadd.s32 s3, s2  }
0x8d: {  	s2 =	sadd.s32 s2, s16  }
0x8e: {  	[smem:$0x3FB2] =	sst s2  }
0x8f: {  	_ = 	snop  }
0x90: {  	(tm) =	ssettm $0x1  }
0x91: {  	s17 =	sld [smem:$0x3FFB];
	_ =	sdelay $0x3  }
0x92: {  	_ =	strace s17  }
0x93: {  	s2 =	sld [smem:$0x3FFC];
	_ =	sdelay $0x3  }
0x94: {  	_ =	strace s2  }
0x95: {  	s2 =	sld [smem:$0x3FFD];
	_ =	sdelay $0x3  }
0x96: {  	_ =	strace s2  }
0x97: {  	_ =	strace $0x8FFFFFFF  }
0x98: {  	s18 =	sld [smem:$0x3FDB];
	_ =	sdelay $0x1  }
0x99: {  	s19 =	simm.s32 $_scs_section_size  }
0x9a: {  	s4 =	simm.s32 $_size__tile_overlayer_lowered;
	s5 =	simm.s32 $_tile_overlayer_lowered  }
0x9b: {  	s22 =	simm.s32 $0x1BFF;
	s21 =	sshll.u32 s5, $0x1;
	s2 =	sadd.s32 s19, s18  }
0x9c: {  	s6 =	simm.s32 $0x0;
	s20 =	sshll.u32 s4, $0x1;
	s4 =	sadd.s32 s21, s2  }
0x9d: {  	[timem:s6], [sflag:s22] =	dma.local [hbm:s4], s20  }
0x9e: {  	_ =	swait.ge [sflag:s22], s20  }
0x9f: {  	s3 =	ssub.s32 $0x0, s20;
	[sflag:s22] =	ssyncset.done $0x0  }
0xa0: {  	[sflag:s22] =	ssyncadd.s32 s3;
	_ =	sdelay $0x1  }
0xa1: {  	s23 =	simm.s32 $0x1B8B  }
0xa2: {  	_ =	swait.ge [sflag:s23], $0x1  }
0xa3: {  	[sflag:s23] =	ssyncset.done $0x0  }
0xa4: {  	s25 =	simm.s32 $0x1B8E;
	s24 =	sld [smem:$0x3FFE];
	[sflag:s23] =	ssyncadd.s32 $0xFFFFFFFF  }
0xa5: {  	s26 =	simm.s32 $execute0_lowered;
	[smem:$0x3FD2] =	sst s25  }
0xa6: {  	s4 =	sshll.u32 s26, $0x1;
	_ =	strace $0x80000049;
	[dreg:$0x1] =	wrdreg $0xFFFFFFFF  }
0xa7: {  	s28 =	simm.s32 $_size_execute0_lowered;
	s2 =	sadd.s32 s2, s4;
	[dreg:$0x0] =	wrdreg $0x0  }
0xa8: {  	s4 =	sshll.u32 s28, $0x1;
	[dreg:$0x2] =	wrdreg s2  }
0xa9: {  	[dreg:$0x3] =	wrdreg s4  }
0xaa: {  	[dreg:$0x4] =	wrdreg $0xC0  }
0xab: {  	_ =	task [dreg:s6], $0x5FFFF  }
0xac: {  	[dreg:$0x1] =	wrdreg $0xFFFFFFFF  }
0xad: {  	[dreg:$0x0] =	wrdreg $0x60  }
0xae: {  	[dreg:$0x2] =	wrdreg s24  }
0xaf: {  	[dreg:$0x3] =	wrdreg $0xA5000  }
0xb0: {  	[dreg:$0x4] =	wrdreg $0x9  }
0xb1: {  	_ =	task.clear_ibuf [dreg:s6], $0x5FFFF;
	_ =	strace $0x90000049  }
0xb2: {  	s29 =	simm.s32 $0x9;
	_ =	strace $0x8000004B  }
0xb3: {  	_ =	swait.ge [sflag:s29], $0x1  }
0xb4: {  	[sflag:s29] =	ssyncadd.s32 $0xFFFFFFFF  }
0xb5: {  	_ =	strace $0x9000004B  }
0xb6: {  	_ =	sfence  }
0xb7: {  	s30 =	sld [smem:$0x0];
	_ =	sdelay $0x2  }
0xb8: {  	s31 =	sshll.u32 s1, $0xD;
	s1 =	sshrl.u32 s1, $0x2  }
0xb9: {  	s3 =	sand.u32 $0x4000, s31;
	s1 =	sadd.s32 s1, s30  }
0xba: {  	s0 =	sor.u32 s3, s0;
	s1 =	sshll.u32 s1, $0x11  }
0xbb: {  	s0 =	sor.u32 s1, s0  }
0xbc: {  	s0 =	sadd.s32 $0x8F2B, s0  }
0xbd: {  	[sflag:s0] =	ssyncadd.remote.s32 $0x1  }
0xbe: {  	_ =	sfence.sel $0xFFFF  }
0xbf: {  	[dreg:$0x0] =	wrdreg $0xFFFFFFFF;
	(pc) =	sbr.abs _section_cstart, $3  }
0xc0: {  	[dreg:$0x1] =	wrdreg $0xFFFFFFFF  }
0xc1: {  	_ =	task.clear_ibuf [dreg:s6], $0x2FFFF;
	_ =	strace $0x9FFFFFFF  }
0xc2: {  	(tm) =	ssettm $0x7FFFFFFF  }
0xc3: {  	_ =	shalt  }
tec
execute0_lowered:
.L_overlay_start_1:
0x0: {  	(tag) =	ssettag $0x1  }
0x1: {  	s0 =	rddreg [dreg:$0x0]  }
0x2: {  	s11 =	stileid.u32;
	s1 =	srdreg.scid  }
0x3: {  	s30 =	simm.s32 $0x100;
	s29 =	simm.s32 $0x380;
	s28 =	simm.s32 $0x480  }
0x4: {  	s2 =	sand.u32 $0x1, s1;
	s3 =	smul.u32 $0x280, s11;
	s4 =	sshll.u32 s11, $0x1  }
0x5: {  	s1 =	simm.s32 $0x0;
	s7 =	sadd.s32 $0x4E00, s0;
	s20 =	smul.u32 $0x5000, s11  }
0x6: {  	s8 =	sadd.s32 $0xEE00, s0;
	p0 =	seq.s32 s11, $0xF;
	s5 =	smul.u32 $0x2710, s2  }
0x7: {  	s4 =	sor.u32 s2, s4;
	s6 =	ssub.s32 $0x2, s2;
	s2 =	smul.u32 $0x2800, s2  }
0x8: {  	[smem:$0x7FF] =	sst s1;
	s4 =	smul.u32 $0x2800, s4;
	s9 =	sshrl.u32 s6, $0x1  }
0x9: {  	s3 =	sadd.s32 s3, s5;
	s5 =	ssub.s32 s6, s9;
	s2 =	sadd.s32 s2, s20  }
0xa: {  	s20 =	smul.u32 $0x50000, s11;
	s4 =	sshrl.u32 s4, $0x3;
	s26 =	sor.u32 $0x240, s2  }
0xb: {  	s13 =	sor.u32 $0x1C0, s2;
	s15 =	sor.u32 $0x180, s2;
	s18 =	sadd.s32 s7, s4  }
0xc: {  	s3 =	sshll.u32 s3, $0x4;
	s19 =	sadd.s32 s8, s4;
	[dreg:$0x3] =	wrdreg s18  }
0xd: {  	s21 =	sor.u32 $0x8, s4;
	s10 =	sor.u32 $0x10, s4;
	[dreg:$0x4] =	wrdreg s19  }
0xe: {  	s12 =	sadd.s32 s7, s21;
	s9 =	sadd.s32 s8, s21;
	s21 =	rddreg [dreg:$0x1]  }
0xf: {  	s24 =	sor.u32 $0x18, s4;
	s4 =	sor.u32 $0x20, s4;
	[dreg:$0x5] =	wrdreg s12  }
0x10: {  	s6 =	sshrl.u32 s26, $0x3;
	s22 =	sadd.s32 s7, s10;
	[dreg:$0x6] =	wrdreg s9  }
0x11: {  	s17 =	sshrl.u32 s15, $0x3;
	s23 =	sadd.s32 s8, s10;
	[dreg:$0x7] =	wrdreg s22  }
0x12: {  	s3 =	sadd.s32 s3, s0;
	s25 =	sadd.s32 s7, s24;
	[dreg:$0x8] =	wrdreg s23  }
0x13: {  	s26 =	sadd.s32 $0x40000, s0;
	s31 =	sadd.s32 s7, s4;
	[dreg:$0x9] =	wrdreg s25  }
0x14: {  	s15 =	simm.s32 $0x6;
	s4 =	sadd.s32 s8, s4;
	[dreg:$0xb] =	wrdreg s31  }
0x15: {  	s10 =	sadd.s32 s6, s8;
	s6 =	sadd.s32 s6, s7;
	[dreg:$0xc] =	wrdreg s4  }
0x16: {  	s18 =	sadd.s32 s17, s8;
	s19 =	smul.u32 $0x2800, s11;
	[dreg:$0xd] =	wrdreg s10  }
0x17: {  	s11 =	simm.s32 $0x80;
	s9 =	sadd.s32 s8, s24;
	[dreg:$0xe] =	wrdreg s6  }
0x18: {  	s12 =	sor.u32 $0x200, s2;
	s6 =	sshrl.u32 s13, $0x3;
	[dreg:$0x13] =	wrdreg s18  }
0x19: {  	s2 =	sor.u32 $0x140, s2;
	s23 =	sshrl.u32 s20, $0x2;
	s24 =	sadd.s32 $0x67200, s3  }
0x1a: {  	s25 =	smax.u32 s5, $0x1;
	s31 =	sadd.s32 $0x12C000, s21;
	s13 =	simm.s32 $0x180  }
0x1b: {  	s10 =	simm.s32 $0x40;
	s20 =	simm.s32 $0x8;
	s18 =	simm.s32 $0xF  }
0x1c: {  	s3 =	simm.s32 $0x11;
	[dreg:$0xa] =	wrdreg s9;
	s16 =	sadd.s32 s6, s8  }
0x1d: {  	s4 =	sshrl.u32 s12, $0x3;
	s6 =	sadd.s32 s6, s7;
	[dreg:$0x11] =	wrdreg s16  }
0x1e: {  	s5 =	simm.s32 $0x13;
	s14 =	sadd.s32 s4, s8;
	[dreg:$0x12] =	wrdreg s6  }
0x1f: {  	s2 =	sshrl.u32 s2, $0x3;
	s4 =	sadd.s32 s4, s7;
	[dreg:$0xf] =	wrdreg s14  }
0x20: {  	s22 =	sadd.s32 s19, s0;
	s8 =	sadd.s32 s2, s8;
	[dreg:$0x10] =	wrdreg s4  }
0x21: {  	s0 =	sadd.s32 $0x3E600, s0;
	s2 =	sadd.s32 s2, s7;
	[dreg:$0x15] =	wrdreg s8  }
0x22: {  	s9 =	simm.s32 $0x400;
	s4 =	sadd.s32 s17, s7;
	[dreg:$0x16] =	wrdreg s2  }
0x23: {  	s19 =	simm.s32 $0xD;
	[dreg:$0x14] =	wrdreg s4;
	s4 =	sadd.s32 s23, s21  }
0x24: {  	s2 =	sadd.s32 $0x18E00, s22;
	_ =	strace $0x8000004A;
	[dreg:$0x17] =	wrdreg s4  }
0x25: {  	s12 =	simm.s32 $0x0;
	s16 =	simm.s32 $0xC;
	[dreg:$0x18] =	wrdreg s2  }
.Ltmp0:
0x26: {  	s6 =	simm.s32 $0x14;
	[dreg:$0x19] =	wrdreg s0;
	(pc) =	sbr.rel .LBB2_1-.Ltmp0, $4  }
0x27: {  	s17 =	simm.s32 $0x7;
	s22 =	simm.s32 $0xE;
	[dreg:$0x1a] =	wrdreg s24  }
0x28: {  	s14 =	simm.s32 $0x4500;
	s23 =	simm.s32 $0x9;
	[dreg:$0x1b] =	wrdreg s25  }
0x29: {  	[dreg:$0x1c] =	wrdreg s31;
	s25 =	simm.s32 $0x300;
	s24 =	simm.s32 $0x200  }
0x2a: {  	s0 =	simm.s32 $0xA;
	s2 =	simm.s32 $0x10;
	s4 =	simm.s32 $0x12  }
.LBB2_4:
0x2b: {  	_ =	swait.ge [sflag:s3], $0x2000  }
0x2c: {  	[sflag:s3] =	ssyncset.done $0x0  }
0x2d: {  	[sflag:s3] =	ssyncadd.s32 $0xFFFFE000  }
0x2e: {  	_ =	swait.ge [sflag:s4], $0x2000  }
0x2f: {  	[sflag:s4] =	ssyncset.done $0x0  }
0x30: {  	[sflag:s4] =	ssyncadd.s32 $0xFFFFE000  }
0x31: {  	_ =	swait.ge [sflag:s5], $0x2000  }
0x32: {  	[sflag:s5] =	ssyncset.done $0x0  }
0x33: {  	[sflag:s5] =	ssyncadd.s32 $0xFFFFE000  }
0x34: {  	_ =	swait.ge [sflag:s6], $0x2000  }
0x35: {  	[sflag:s6] =	ssyncset.done $0x0  }
0x36: {  	[sflag:s6] =	ssyncadd.s32 $0xFFFFE000  }
0x37: {  	[bflag:$0x0] =	sbarrier.arrive $0xFFFF  }
0x38: {  	s8 =	rddreg [dreg:$0x1a]  }
0x39: {  	s7 =	simm.s32 @p0 $0x1FD5;
	s9 =	rddreg [dreg:$0x1e]  }
0x3a: {  	[hbm:s8], [sflag:s7] =	dma.local @p0 [spmem:s9], $0x1900  }
0x3b: {  	s7 =	simm.s32 @p0 $0x15  }
0x3c: {  	_ =	swait.ge @p0 [sflag:s7], $0x1900  }
0x3d: {  	s9 =	sld [smem:$0x7FD]  }
0x3e: {  	[sflag:s7] =	ssyncset.done @p0 $0x0  }
0x3f: {  	[sflag:s7] =	ssyncadd.s32 @p0 $0xFFFFE700;
	s7 =	rddreg [dreg:$0x1f]  }
0x40: {  	[hbm:s8], [sflag:s7] =	dma.local @!p0 [spmem:s9], $0x2800  }
0x41: {  	s7 =	simm.s32 @!p0 $0x15  }
0x42: {  	_ =	swait.ge @!p0 [sflag:s7], $0x2800  }
0x43: {  	s12 =	rddreg [dreg:$0x1d]  }
0x44: {  	s31 =	rddreg [dreg:$0x1b];
	s12 =	sadd.s32 $0x1, s12  }
0x45: {  	p1 =	sne.s32 s12, s31  }
.Ltmp1:
0x46: {  	_ = 	snop;
	(pc) =	sbr.rel @!p1 .LBB2_5-.Ltmp1, $4  }
0x47: {  	s11 =	simm.s32 $0x80  }
0x48: {  	s25 =	simm.s32 $0x300;
	s30 =	simm.s32 $0x100;
	s29 =	simm.s32 $0x380  }
0x49: {  	s13 =	simm.s32 $0x180;
	s24 =	simm.s32 $0x200;
	[sflag:s7] =	ssyncset.done @!p0 $0x0  }
0x4a: {  	s28 =	simm.s32 $0x480;
	s9 =	simm.s32 $0x400;
	[sflag:s7] =	ssyncadd.s32 @!p0 $0xFFFFD800  }
.LBB2_1:
0x4b: {  	[dreg:$0x1d] =	wrdreg s12  }
0x4c: {  	s7 =	rddreg [dreg:$0x1c]  }
0x4d: {  	s8 =	rddreg [dreg:$0x19];
	s12 =	sshrl.u32 @p0 s7, $0x3  }
0x4e: {  	s7 =	simm.s32 @p0 $0x1FD5;
	[dreg:$0x1e] =	wrdreg s12  }
0x4f: {  	[spmem:s12], [sflag:s7] =	dma.local @p0 [hbm:s8], $0x1900  }
0x50: {  	s8 =	simm.s32 @p0 $0x15  }
0x51: {  	s7 =	stileid.u32;
	_ =	swait.ge @p0 [sflag:s8], $0x1900  }
0x52: {  	s7 =	sshll.u32 @!p0 s7, $0x6;
	[sflag:s8] =	ssyncset.done @p0 $0x0  }
0x53: {  	[sflag:s8] =	ssyncadd.s32 @p0 $0xFFFFE700;
	s8 =	sor.u32 @!p0 $0x1C15, s7;
	s7 =	rddreg [dreg:$0x17]  }
0x54: {  	s12 =	sshrl.u32 @!p0 s7, $0x3;
	s7 =	rddreg [dreg:$0x18]  }
0x55: {  	[dreg:$0x1f] =	wrdreg s8  }
0x56: {  	[smem:$0x7FD] =	sst s12  }
0x57: {  	[spmem:s12], [sflag:s8] =	dma.local @!p0 [hbm:s7], $0x2800  }
0x58: {  	s7 =	simm.s32 @!p0 $0x15  }
0x59: {  	_ =	swait.ge @!p0 [sflag:s7], $0x2800  }
0x5a: {  	[sflag:s7] =	ssyncset.done @!p0 $0x0  }
0x5b: {  	[sflag:s7] =	ssyncadd.s32 @!p0 $0xFFFFD800  }
0x5c: {  	[bflag:$0x0] =	sbarrier.arrive $0xFFFF  }
0x5d: {  	s12 =	rddreg [dreg:$0x3]  }
0x5e: {  	[tilespmem:s1], [sflag:$0x1] =	stream.linear.gather [hbm4b:s12+s1], $0x40, $0x38;
	[tilespmem:$0x1E580] =	vst v63  }
0x5f: {  	s8 =	simm.s32 $0x280;
	s31 =	rddreg [dreg:$0x4]  }
0x60: {  	[tilespmem:s8], [sflag:$0x6] =	stream.linear.gather [hbm4b:s31+s1], $0x40, $0x38;
	[tilespmem:$0x1E580] =	vst v63  }
0x61: {  	s12 =	rddreg [dreg:$0x5]  }
0x62: {  	[tilespmem:s11], [sflag:$0x2] =	stream.linear.gather [hbm4b:s12+s1], $0x40, $0x38;
	[tilespmem:$0x1E580] =	vst v63  }
0x63: {  	s31 =	rddreg [dreg:$0x6]  }
0x64: {  	[tilespmem:s25], [sflag:$0x7] =	stream.linear.gather [hbm4b:s31+s1], $0x40, $0x38;
	[tilespmem:$0x1E580] =	vst v63  }
0x65: {  	s12 =	rddreg [dreg:$0x7]  }
0x66: {  	[tilespmem:s30], [sflag:$0x3] =	stream.linear.gather [hbm4b:s12+s1], $0x40, $0x38;
	[tilespmem:$0x1E580] =	vst v63  }
0x67: {  	s31 =	rddreg [dreg:$0x8]  }
0x68: {  	[tilespmem:s29], [sflag:$0x8] =	stream.linear.gather [hbm4b:s31+s1], $0x40, $0x38;
	[tilespmem:$0x1E580] =	vst v63  }
0x69: {  	s12 =	rddreg [dreg:$0x9]  }
0x6a: {  	[tilespmem:s13], [sflag:$0x4] =	stream.linear.gather [hbm4b:s12+s1], $0x40, $0x38;
	[tilespmem:$0x1E580] =	vst v63  }
0x6b: {  	s31 =	rddreg [dreg:$0xa]  }
0x6c: {  	[tilespmem:s9], [sflag:$0x9] =	stream.linear.gather [hbm4b:s31+s1], $0x40, $0x38;
	[tilespmem:$0x1E580] =	vst v63  }
0x6d: {  	s12 =	rddreg [dreg:$0xb]  }
0x6e: {  	[tilespmem:s24], [sflag:$0x5] =	stream.linear.gather [hbm4b:s12+s1], $0x40, $0x38;
	[tilespmem:$0x1E580] =	vst v63  }
0x6f: {  	s7 =	simm.s32 $0x0;
	s31 =	rddreg [dreg:$0xc]  }
0x70: {  	[tilespmem:s28], [sflag:$0xA] =	stream.linear.gather [hbm4b:s31+s1], $0x40, $0x38;
	[tilespmem:$0x1E580] =	vst v63  }
.LBB2_2:
0x71: {  	s31 =	simm.s32 $0x1  }
0x72: {  	_ =	swait.ge [sflag:s31], $0x40  }
0x73: {  	[sflag:s31] =	ssyncset.done $0x0  }
0x74: {  	s12 =	simm.s32 $0x2;
	[sflag:s31] =	ssyncadd.s32 $0xFFFFFFC0;
	s31 =	simm.s32 $0x500  }
0x75: {  	[tilespmem:s31], [sflag:$0xB] =	stream.indirect.gather [hbm4b:s26+s10], $0x80, s1, s10, $0xb8;
	[tilespmem:$0x1E580] =	vst v63  }
0x76: {  	_ =	swait.ge [sflag:s12], $0x40  }
0x77: {  	[sflag:s12] =	ssyncset.done $0x0  }
0x78: {  	[sflag:s12] =	ssyncadd.s32 $0xFFFFFFC0;
	s12 =	simm.s32 $0x2500  }
0x79: {  	[tilespmem:s12], [sflag:$0xC] =	stream.indirect.gather [hbm4b:s26+s10], $0x80, s11, s10, $0xb8;
	[tilespmem:$0x1E580] =	vst v63  }
0x7a: {  	s11 =	simm.s32 $0x3  }
0x7b: {  	_ =	swait.ge [sflag:s11], $0x40  }
0x7c: {  	[sflag:s11] =	ssyncset.done $0x0  }
0x7d: {  	[sflag:s11] =	ssyncadd.s32 $0xFFFFFFC0;
	s11 =	simm.s32 $0x4  }
0x7e: {  	[tilespmem:s14], [sflag:$0xD] =	stream.indirect.gather [hbm4b:s26+s10], $0x80, s30, s10, $0xb8;
	[tilespmem:$0x1E580] =	vst v63  }
0x7f: {  	_ =	swait.ge [sflag:s11], $0x40  }
0x80: {  	[sflag:s11] =	ssyncset.done $0x0  }
0x81: {  	s30 =	simm.s32 $0x6500;
	[sflag:s11] =	ssyncadd.s32 $0xFFFFFFC0  }
0x82: {  	[tilespmem:s30], [sflag:$0xE] =	stream.indirect.gather [hbm4b:s26+s10], $0x80, s13, s10, $0xb8;
	[tilespmem:$0x1E580] =	vst v63  }
0x83: {  	s13 =	simm.s32 $0x5  }
0x84: {  	_ =	swait.ge [sflag:s13], $0x40  }
0x85: {  	[sflag:s13] =	ssyncset.done $0x0  }
0x86: {  	[sflag:s13] =	ssyncadd.s32 $0xFFFFFFC0;
	s13 =	simm.s32 $0x8500  }
0x87: {  	[tilespmem:s13], [sflag:$0xF] =	stream.indirect.gather [hbm4b:s26+s10], $0x80, s24, s10, $0xb8;
	[tilespmem:$0x1E580] =	vst v63  }
0x88: {  	s24 =	simm.s32 $0xB  }
0x89: {  	_ =	swait.ge [sflag:s24], $0x2000  }
0x8a: {  	[sflag:s24] =	ssyncset.done $0x0  }
0x8b: {  	[sflag:s24] =	ssyncadd.s32 $0xFFFFE000  }
0x8c: {  	_ =	swait.ge [sflag:s15], $0x40  }
0x8d: {  	[sflag:s15] =	ssyncset.done $0x0  }
0x8e: {  	[sflag:s15] =	ssyncadd.s32 $0xFFFFFFC0  }
0x8f: {  	[spmem:s21] =	stream.indirect.scatter.add.f32 [tilespmem:s31], [sflag:$0x10], $0x80, s8, s10, $0xb8;
	[tilespmem:$0x1E580] =	vst v63  }
0x90: {  	_ =	swait.ge [sflag:s16], $0x2000  }
0x91: {  	[sflag:s16] =	ssyncset.done $0x0  }
0x92: {  	[sflag:s16] =	ssyncadd.s32 $0xFFFFE000  }
0x93: {  	_ =	swait.ge [sflag:s17], $0x40  }
0x94: {  	[sflag:s17] =	ssyncset.done $0x0  }
0x95: {  	[sflag:s17] =	ssyncadd.s32 $0xFFFFFFC0  }
0x96: {  	[spmem:s21] =	stream.indirect.scatter.add.f32 [tilespmem:s12], [sflag:$0x11], $0x80, s25, s10, $0xb8;
	[tilespmem:$0x1E580] =	vst v63  }
0x97: {  	_ =	swait.ge [sflag:s19], $0x2000  }
0x98: {  	[sflag:s19] =	ssyncset.done $0x0  }
0x99: {  	[sflag:s19] =	ssyncadd.s32 $0xFFFFE000  }
0x9a: {  	_ =	swait.ge [sflag:s20], $0x40  }
0x9b: {  	[sflag:s20] =	ssyncset.done $0x0  }
0x9c: {  	[sflag:s20] =	ssyncadd.s32 $0xFFFFFFC0  }
0x9d: {  	[spmem:s21] =	stream.indirect.scatter.add.f32 [tilespmem:s14], [sflag:$0x12], $0x80, s29, s10, $0xb8;
	[tilespmem:$0x1E580] =	vst v63  }
0x9e: {  	_ =	swait.ge [sflag:s22], $0x2000  }
0x9f: {  	[sflag:s22] =	ssyncset.done $0x0  }
0xa0: {  	[sflag:s22] =	ssyncadd.s32 $0xFFFFE000  }
0xa1: {  	_ =	swait.ge [sflag:s23], $0x40  }
0xa2: {  	[sflag:s23] =	ssyncset.done $0x0  }
0xa3: {  	[sflag:s23] =	ssyncadd.s32 $0xFFFFFFC0  }
0xa4: {  	[spmem:s21] =	stream.indirect.scatter.add.f32 [tilespmem:s30], [sflag:$0x13], $0x80, s9, s10, $0xb8;
	[tilespmem:$0x1E580] =	vst v63  }
0xa5: {  	_ =	swait.ge [sflag:s18], $0x2000  }
0xa6: {  	[sflag:s18] =	ssyncset.done $0x0  }
0xa7: {  	[sflag:s18] =	ssyncadd.s32 $0xFFFFE000  }
0xa8: {  	p1 =	seq.s32 s7, $0x4D8;
	_ =	swait.ge [sflag:s0], $0x40  }
0xa9: {  	s11 =	simm.s32 $0x280;
	s24 =	simm.s32 $0x400;
	[sflag:s0] =	ssyncset.done $0x0  }
.Ltmp2:
0xaa: {  	s31 =	simm.s32 $0x480;
	[sflag:s0] =	ssyncadd.s32 $0xFFFFFFC0;
	(pc) =	sbr.rel @p1 .LBB2_4-.Ltmp2, $4  }
0xab: {  	[spmem:s21] =	stream.indirect.scatter.add.f32 [tilespmem:s13], [sflag:$0x14], $0x80, s28, s10, $0xb8;
	[tilespmem:$0x1E580] =	vst v63  }
0xac: {  	s25 =	simm.s32 $0x80;
	s29 =	simm.s32 $0x100;
	_ =	swait.ge [sflag:s2], $0x2000  }
0xad: {  	s9 =	simm.s32 $0x180;
	s30 =	simm.s32 $0x300;
	[sflag:s2] =	ssyncset.done $0x0  }
0xae: {  	s28 =	simm.s32 $0x200;
	s13 =	simm.s32 $0x380;
	[sflag:s2] =	ssyncadd.s32 $0xFFFFE000  }
0xaf: {  	s8 =	rddreg [dreg:$0x16]  }
0xb0: {  	s12 =	rddreg [dreg:$0x15];
	s8 =	sadd.s32 s7, s8  }
0xb1: {  	[tilespmem:s1], [sflag:$0x1] =	stream.linear.gather [hbm4b:s8+s1], $0x40, $0x38;
	[tilespmem:$0x1E580] =	vst v63  }
0xb2: {  	s8 =	sadd.s32 s7, s12  }
0xb3: {  	[tilespmem:s11], [sflag:$0x6] =	stream.linear.gather [hbm4b:s8+s1], $0x40, $0x38;
	[tilespmem:$0x1E580] =	vst v63  }
0xb4: {  	_ =	swait.ge [sflag:s3], $0x2000  }
0xb5: {  	[sflag:s3] =	ssyncset.done $0x0;
	s11 =	rddreg [dreg:$0x14]  }
0xb6: {  	s12 =	rddreg [dreg:$0x13];
	[sflag:s3] =	ssyncadd.s32 $0xFFFFE000;
	s8 =	sadd.s32 s7, s11  }
0xb7: {  	[tilespmem:s25], [sflag:$0x2] =	stream.linear.gather [hbm4b:s8+s1], $0x40, $0x38;
	[tilespmem:$0x1E580] =	vst v63  }
0xb8: {  	s8 =	sadd.s32 s7, s12  }
0xb9: {  	[tilespmem:s30], [sflag:$0x7] =	stream.linear.gather [hbm4b:s8+s1], $0x40, $0x38;
	[tilespmem:$0x1E580] =	vst v63  }
0xba: {  	_ =	swait.ge [sflag:s4], $0x2000  }
0xbb: {  	[sflag:s4] =	ssyncset.done $0x0;
	s25 =	rddreg [dreg:$0x12]  }
0xbc: {  	s11 =	rddreg [dreg:$0x11];
	[sflag:s4] =	ssyncadd.s32 $0xFFFFE000;
	s8 =	sadd.s32 s7, s25  }
0xbd: {  	[tilespmem:s29], [sflag:$0x3] =	stream.linear.gather [hbm4b:s8+s1], $0x40, $0x38;
	[tilespmem:$0x1E580] =	vst v63  }
0xbe: {  	s8 =	sadd.s32 s7, s11  }
0xbf: {  	[tilespmem:s13], [sflag:$0x8] =	stream.linear.gather [hbm4b:s8+s1], $0x40, $0x38;
	[tilespmem:$0x1E580] =	vst v63  }
0xc0: {  	_ =	swait.ge [sflag:s5], $0x2000  }
0xc1: {  	[sflag:s5] =	ssyncset.done $0x0;
	s12 =	rddreg [dreg:$0x10]  }
0xc2: {  	s13 =	rddreg [dreg:$0xf];
	[sflag:s5] =	ssyncadd.s32 $0xFFFFE000;
	s8 =	sadd.s32 s7, s12  }
0xc3: {  	[tilespmem:s9], [sflag:$0x4] =	stream.linear.gather [hbm4b:s8+s1], $0x40, $0x38;
	[tilespmem:$0x1E580] =	vst v63  }
0xc4: {  	s8 =	sadd.s32 s7, s13  }
0xc5: {  	[tilespmem:s24], [sflag:$0x9] =	stream.linear.gather [hbm4b:s8+s1], $0x40, $0x38;
	[tilespmem:$0x1E580] =	vst v63  }
0xc6: {  	s30 =	simm.s32 $0x100;
	s11 =	simm.s32 $0x80;
	_ =	swait.ge [sflag:s6], $0x2000  }
0xc7: {  	s29 =	simm.s32 $0x380;
	s13 =	simm.s32 $0x180;
	s24 =	rddreg [dreg:$0xe]  }
0xc8: {  	s9 =	simm.s32 $0x400;
	[sflag:s6] =	ssyncset.done $0x0;
	s25 =	rddreg [dreg:$0xd]  }
.Ltmp3:
0xc9: {  	[sflag:s6] =	ssyncadd.s32 $0xFFFFE000;
	s8 =	sadd.s32 s7, s24;
	(pc) =	sbr.rel .LBB2_2-.Ltmp3, $4  }
0xca: {  	[tilespmem:s28], [sflag:$0x5] =	stream.linear.gather [hbm4b:s8+s1], $0x40, $0x38;
	[tilespmem:$0x1E580] =	vst v63  }
0xcb: {  	s24 =	simm.s32 $0x200;
	s8 =	sadd.s32 s7, s25;
	s7 =	sadd.s32 $0x28, s7  }
0xcc: {  	[tilespmem:s31], [sflag:$0xA] =	stream.linear.gather [hbm4b:s8+s1], $0x40, $0x38;
	[tilespmem:$0x1E580] =	vst v63  }
0xcd: {  	s25 =	simm.s32 $0x300;
	s28 =	simm.s32 $0x480;
	s8 =	simm.s32 $0x280  }
.LBB2_5:
0xce: {  	_ =	sfence.sel $0x180000  }
0xcf: {  	[bflag:$0x0] =	sbarrier.arrive $0xFFFF  }
0xd0: {  	_ =	strace $0x9000004A  }
0xd1: {  	s0 =	stileid.u32;
	[bflag:$0x2] =	sbarrier.arrive $0xFFFF  }
0xd2: {  	p0 =	sne.s32 s0, $0x0;
	s0 =	rddreg [dreg:$0x2]  }
0xd3: {  	s0 =	sadd.s32 @!p0 $0x100000, s0  }
0xd4: {  	[sflag:s0] =	ssyncadd.tile.s32 @!p0 $0x1;
	_ =	shalt  }
.Lfunc_end2:
_tile_overlayer_lowered:
.L_overlay_start_2:
0xd5: {  	(tag) =	ssettag $0x2  }
0xd6: {  	s0 =	rddreg [dreg:$0x0];
	s2 =	stileid.u32  }
0xd7: {  	s1 =	rddreg [dreg:$0x1];
	p0 =	sne.s32 s2, $0x0  }
0xd8: {  	s3 =	rddreg [dreg:$0x2];
	[bflag:$0x3] =	sbarrier.arrive $0xFFFF;
	s2 =	simm.s32 @!p0 $0x1C15  }
0xd9: {  	[timem:s3], [sflag:s2] =	dma.local @!p0 [hbm:s0], s1  }
0xda: {  	s0 =	simm.s32 @!p0 $0x15  }
0xdb: {  	_ =	swait.ge @!p0 [sflag:s0], s1  }
0xdc: {  	s1 =	ssub.s32 @!p0 $0x0, s1;
	[sflag:s0] =	ssyncset.done @!p0 $0x0  }
0xdd: {  	[sflag:s0] =	ssyncadd.s32 @!p0 s1  }
0xde: {  	[bflag:$0x3] =	sbarrier.arrive $0xFFFF  }
0xdf: {  	_ =	shalt  }

// kernel: kernel.16.cloned.1.call-start
scs
__scs_entry_jumppad:
0x0: {  	(pc) =	sbr.rel $0x88, $3  }
0x1: {  	(tag) =	ssettag $0x0;
	lr =	simm.s32 $0x1  }
0x2: {  	[smem:$0x3F8B] =	sst lr;
	_ =	strace $0xD0000000  }
0x3: {  	_ = 	snop  }
0x4: {  	_ = 	snop  }
0x5: {  	_ = 	snop  }
0x6: {  	_ = 	snop  }
0x7: {  	_ = 	snop  }
__scs_overlays_trampoline_lowered:
0x8: {  	[smem:$0x3F9A] =	sst s0  }
0x9: {  	[smem:$0x3F9B] =	sst s1  }
0xa: {  	[smem:$0x3F9C] =	sst s2  }
0xb: {  	[smem:$0x3F9D] =	sst s3  }
0xc: {  	[smem:$0x3F9E] =	sst s4  }
0xd: {  	[smem:$0x3F9F] =	sst s5  }
0xe: {  	[smem:$0x3FA0] =	sst s6  }
0xf: {  	[smem:$0x3FA1] =	sst s7  }
0x10: {  	[smem:$0x3FA2] =	sst s8  }
0x11: {  	[smem:$0x3FA3] =	sst s9;
	s0 =	simm.s32 @!p0 $0x0  }
0x12: {  	s1 =	sld [smem:$0x3F89];
	s0 =	simm.s32 @p0 $0x1  }
0x13: {  	[smem:$0x3FA4] =	sst s0;
	s0 =	simm.s32 @!p1 $0x0  }
0x14: {  	s2 =	sld [smem:$0x3F88];
	s0 =	simm.s32 @p1 $0x1  }
0x15: {  	[smem:$0x3FA5] =	sst s0;
	s0 =	simm.s32 @!p2 $0x0  }
0x16: {  	s3 =	sld [smem:$0x3FDB];
	s0 =	simm.s32 @p2 $0x1  }
0x17: {  	s4 =	simm.s32 $0x1BF5;
	[smem:$0x3FA7] =	sst s0  }
0x18: {  	s0 =	sld [smem:$0x3F8A];
	_ =	swait.ge [sflag:s4], $0x0  }
0x19: {  	s7 =	sld [smem:$0x3F8B]  }
0x1a: {  	s8 =	sadd.s32 $0xFFFFE003, lr  }
0x1b: {  	s9 =	sadd.s32 $0xFFFFFEF7, lr;
	s5 =	simm.s32 $0xFFFFFFFF;
	p2 =	slt.u32 s8, $0xFFFFF086  }
0x1c: {  	p1 =	slt.u32 s9, $0xF7A;
	s5 =	simm.s32 @!p2 $0x0  }
0x1d: {  	s5 =	simm.s32 @p1 $0x1;
	p0 =	seq.s32 s7, s2  }
0x1e: {  	s7 =	smul.u32 @!p0 $0xF7A, s2;
	p2 =	seq.s32 @!p0 s5, $0x0  }
0x1f: {  	s9 =	smul.u32 $0xF7A, s1;
	s8 =	simm.s32 @!p0 $0x1BF5;
	p2 =	por !p2, p0  }
0x20: {  	[sflag:s8] =	ssyncset.s32 @!p0 $0xFFFFF086;
	s6 =	sadd.s32 @!p0 s3, s7;
	s7 =	simm.s32 @!p0 $0x108  }
0x21: {  	s3 =	sadd.s32 s3, s9;
	s6 =	sadd.s32 @!p0 $0x88, s6;
	s7 =	simm.s32 @p2 $0x1082  }
0x22: {  	[simem:s7], [sflag:s8] =	dma.local @!p0 [hbm:s6], $0xF7A  }
0x23: {  	s9 =	sor.u32 $0xD0000000, s2;
	s6 =	simm.s32 $0x108;
	_ =	swait.ge @!p0 [sflag:s8], $0x0  }
0x24: {  	s3 =	sadd.s32 $0x88, s3;
	s6 =	simm.s32 @!p1 $0x1082;
	[sflag:s4] =	ssyncset.s32 $0xFFFFF086  }
0x25: {  	[simem:s6], [sflag:s4] =	dma.local [hbm:s3], $0xF7A  }
0x26: {  	[smem:$0x3F8B] =	sst s1;
	(tag) =	ssettag s2;
	_ =	strace s9  }
0x27: {  	s1 =	sld [smem:$0x3F9B]  }
0x28: {  	s2 =	sld [smem:$0x3F9C]  }
0x29: {  	s4 =	sld [smem:$0x3F9E]  }
0x2a: {  	p0 =	seq.s32 s5, $0x0;
	s5 =	sld [smem:$0x3F9F]  }
0x2b: {  	s6 =	sld [smem:$0x3FA0]  }
0x2c: {  	s7 =	sld [smem:$0x3FA1]  }
0x2d: {  	s3 =	simm.s32 $0x108;
	s8 =	sld [smem:$0x3FA2]  }
0x2e: {  	s3 =	simm.s32 @!p0 $0x1082;
	s9 =	sld [smem:$0x3FA3]  }
0x2f: {  	lr =	sadd.s32 s0, s3;
	s0 =	sld [smem:$0x3F9A]  }
0x30: {  	s3 =	sld [smem:$0x3F9D]  }
0x31: {  	[smem:$0x3FA6] =	sst s10  }
0x32: {  	s10 =	sld [smem:$0x3FA4];
	_ =	sdelay $0x3  }
0x33: {  	p0 =	seq.s32 s10, $0x1;
	s10 =	sld [smem:$0x3FA6];
	_ =	sdelay $0x3  }
0x34: {  	[smem:$0x3FA6] =	sst s10  }
0x35: {  	s10 =	sld [smem:$0x3FA5];
	_ =	sdelay $0x3  }
0x36: {  	p1 =	seq.s32 s10, $0x1;
	s10 =	sld [smem:$0x3FA6];
	_ =	sdelay $0x3  }
0x37: {  	[smem:$0x3FA6] =	sst s10  }
0x38: {  	s10 =	sld [smem:$0x3FA7]  }
0x39: {  	_ = 	snop;
	(pc) =	sbr.ind lr, $3  }
0x3a: {  	_ = 	snop  }
0x3b: {  	_ = 	snop  }
0x3c: {  	p2 =	seq.s32 s10, $0x1;
	s10 =	sld [smem:$0x3FA6]  }
0x3d: {  	_ =	shalt  }
0x3e: {  	_ =	shalt  }
0x3f: {  	_ =	shalt  }
0x40: {  	_ =	shalt  }
0x41: {  	_ =	shalt  }
0x42: {  	_ =	shalt  }
0x43: {  	_ =	shalt  }
0x44: {  	_ =	shalt  }
0x45: {  	_ =	shalt  }
0x46: {  	_ =	shalt  }
0x47: {  	_ =	shalt  }
0x48: {  	_ =	shalt  }
0x49: {  	_ =	shalt  }
0x4a: {  	_ =	shalt  }
0x4b: {  	_ =	shalt  }
0x4c: {  	_ =	shalt  }
0x4d: {  	_ =	shalt  }
0x4e: {  	_ =	shalt  }
0x4f: {  	_ =	shalt  }
0x50: {  	_ =	shalt  }
0x51: {  	_ =	shalt  }
0x52: {  	_ =	shalt  }
0x53: {  	_ =	shalt  }
0x54: {  	_ =	shalt  }
0x55: {  	_ =	shalt  }
0x56: {  	_ =	shalt  }
0x57: {  	_ =	shalt  }
0x58: {  	_ =	shalt  }
0x59: {  	_ =	shalt  }
0x5a: {  	_ =	shalt  }
0x5b: {  	_ =	shalt  }
0x5c: {  	_ =	shalt  }
0x5d: {  	_ =	shalt  }
0x5e: {  	_ =	shalt  }
0x5f: {  	_ =	shalt  }
0x60: {  	_ =	shalt  }
0x61: {  	_ =	shalt  }
0x62: {  	_ =	shalt  }
0x63: {  	_ =	shalt  }
0x64: {  	_ =	shalt  }
0x65: {  	_ =	shalt  }
0x66: {  	_ =	shalt  }
0x67: {  	_ =	shalt  }
0x68: {  	_ =	shalt  }
0x69: {  	_ =	shalt  }
0x6a: {  	_ =	shalt  }
0x6b: {  	_ =	shalt  }
0x6c: {  	_ =	shalt  }
0x6d: {  	_ =	shalt  }
0x6e: {  	_ =	shalt  }
0x6f: {  	_ =	shalt  }
0x70: {  	_ =	shalt  }
0x71: {  	_ =	shalt  }
0x72: {  	_ =	shalt  }
0x73: {  	_ =	shalt  }
0x74: {  	_ =	shalt  }
0x75: {  	_ =	shalt  }
0x76: {  	_ =	shalt  }
0x77: {  	_ =	shalt  }
0x78: {  	_ =	shalt  }
0x79: {  	_ =	shalt  }
0x7a: {  	_ =	shalt  }
0x7b: {  	_ =	shalt  }
0x7c: {  	_ =	shalt  }
0x7d: {  	_ =	shalt  }
0x7e: {  	_ =	shalt  }
0x7f: {  	_ =	shalt  }
0x80: {  	_ =	shalt  }
0x81: {  	_ =	shalt  }
0x82: {  	_ =	shalt  }
0x83: {  	_ =	shalt  }
0x84: {  	_ =	shalt  }
0x85: {  	_ =	shalt  }
0x86: {  	_ =	shalt  }
0x87: {  	_ =	shalt  }
.Lfunc_end0:
.L_simem_size_0:
called_computation.2_lowered:
.L_overlay_start_0:
0x88: {  	s2 =	sld [smem:$0x3FD9]  }
0x89: {  	s3 =	sld [smem:$0x3FFE];
	_ =	sdelay $0x1  }
0x8a: {  	s1 =	srdreg.scid  }
0x8b: {  	s0 =	sand.u32 $0x1, s1  }
0x8c: {  	s16 =	sshll.u32 s0, $0xA;
	s2 =	sadd.s32 s3, s2  }
0x8d: {  	s2 =	sadd.s32 s2, s16  }
0x8e: {  	[smem:$0x3FB2] =	sst s2  }
0x8f: {  	_ = 	snop  }
0x90: {  	(tm) =	ssettm $0x1  }
0x91: {  	s17 =	sld [smem:$0x3FFB];
	_ =	sdelay $0x3  }
0x92: {  	_ =	strace s17  }
0x93: {  	s2 =	sld [smem:$0x3FFC];
	_ =	sdelay $0x3  }
0x94: {  	_ =	strace s2  }
0x95: {  	s2 =	sld [smem:$0x3FFD];
	_ =	sdelay $0x3  }
0x96: {  	_ =	strace s2  }
0x97: {  	_ =	strace $0x8FFFFFFF  }
0x98: {  	s18 =	sld [smem:$0x3FDB];
	_ =	sdelay $0x1  }
0x99: {  	s19 =	simm.s32 $_scs_section_size  }
0x9a: {  	s4 =	simm.s32 $_size__tile_overlayer_lowered;
	s5 =	simm.s32 $_tile_overlayer_lowered  }
0x9b: {  	s22 =	simm.s32 $0x1BFF;
	s21 =	sshll.u32 s5, $0x1;
	s2 =	sadd.s32 s19, s18  }
0x9c: {  	s6 =	simm.s32 $0x0;
	s20 =	sshll.u32 s4, $0x1;
	s4 =	sadd.s32 s21, s2  }
0x9d: {  	[timem:s6], [sflag:s22] =	dma.local [hbm:s4], s20  }
0x9e: {  	_ =	swait.ge [sflag:s22], s20  }
0x9f: {  	s3 =	ssub.s32 $0x0, s20;
	[sflag:s22] =	ssyncset.done $0x0  }
0xa0: {  	[sflag:s22] =	ssyncadd.s32 s3;
	_ =	sdelay $0x1  }
0xa1: {  	s23 =	simm.s32 $0x1B8B  }
0xa2: {  	_ =	swait.ge [sflag:s23], $0x1  }
0xa3: {  	[sflag:s23] =	ssyncset.done $0x0  }
0xa4: {  	s25 =	simm.s32 $0x1B8E;
	s24 =	sld [smem:$0x3FFE];
	[sflag:s23] =	ssyncadd.s32 $0xFFFFFFFF  }
0xa5: {  	s26 =	simm.s32 $execute0_lowered;
	[smem:$0x3FD2] =	sst s25  }
0xa6: {  	s4 =	sshll.u32 s26, $0x1;
	_ =	strace $0x8000004C;
	[dreg:$0x1] =	wrdreg $0xFFFFFFFF  }
0xa7: {  	s28 =	simm.s32 $_size_execute0_lowered;
	s2 =	sadd.s32 s2, s4;
	[dreg:$0x0] =	wrdreg $0x0  }
0xa8: {  	s4 =	sshll.u32 s28, $0x1;
	[dreg:$0x2] =	wrdreg s2  }
0xa9: {  	[dreg:$0x3] =	wrdreg s4  }
0xaa: {  	[dreg:$0x4] =	wrdreg $0xC0  }
0xab: {  	_ =	task [dreg:s6], $0x5FFFF  }
0xac: {  	[dreg:$0x1] =	wrdreg $0xFFFFFFFF  }
0xad: {  	[dreg:$0x0] =	wrdreg $0x60  }
0xae: {  	[dreg:$0x2] =	wrdreg s24  }
0xaf: {  	[dreg:$0x3] =	wrdreg $0xA5000  }
0xb0: {  	[dreg:$0x4] =	wrdreg $0x9  }
0xb1: {  	_ =	task.clear_ibuf [dreg:s6], $0x5FFFF;
	_ =	strace $0x9000004C  }
0xb2: {  	s29 =	simm.s32 $0x9;
	_ =	strace $0x8000004E  }
0xb3: {  	_ =	swait.ge [sflag:s29], $0x1  }
0xb4: {  	[sflag:s29] =	ssyncadd.s32 $0xFFFFFFFF  }
0xb5: {  	_ =	strace $0x9000004E  }
0xb6: {  	_ =	sfence  }
0xb7: {  	s30 =	sld [smem:$0x0];
	_ =	sdelay $0x2  }
0xb8: {  	s31 =	sshll.u32 s1, $0xD;
	s1 =	sshrl.u32 s1, $0x2  }
0xb9: {  	s3 =	sand.u32 $0x4000, s31;
	s1 =	sadd.s32 s1, s30  }
0xba: {  	s0 =	sor.u32 s3, s0;
	s1 =	sshll.u32 s1, $0x11  }
0xbb: {  	s0 =	sor.u32 s1, s0  }
0xbc: {  	s0 =	sadd.s32 $0x8F2B, s0  }
0xbd: {  	[sflag:s0] =	ssyncadd.remote.s32 $0x1  }
0xbe: {  	_ =	sfence.sel $0xFFFF  }
0xbf: {  	[dreg:$0x0] =	wrdreg $0xFFFFFFFF;
	(pc) =	sbr.abs _section_cstart, $3  }
0xc0: {  	[dreg:$0x1] =	wrdreg $0xFFFFFFFF  }
0xc1: {  	_ =	task.clear_ibuf [dreg:s6], $0x2FFFF;
	_ =	strace $0x9FFFFFFF  }
0xc2: {  	(tm) =	ssettm $0x7FFFFFFF  }
0xc3: {  	_ =	shalt  }
tec
execute0_lowered:
.L_overlay_start_1:
0x0: {  	(tag) =	ssettag $0x1  }
0x1: {  	s0 =	rddreg [dreg:$0x0]  }
0x2: {  	s11 =	stileid.u32;
	s1 =	srdreg.scid  }
0x3: {  	s30 =	simm.s32 $0x100;
	s29 =	simm.s32 $0x380;
	s28 =	simm.s32 $0x480  }
0x4: {  	s2 =	sand.u32 $0x1, s1;
	s3 =	smul.u32 $0x280, s11;
	s4 =	sshll.u32 s11, $0x1  }
0x5: {  	s1 =	simm.s32 $0x0;
	s7 =	sadd.s32 $0x4E00, s0;
	s20 =	smul.u32 $0x5000, s11  }
0x6: {  	s8 =	sadd.s32 $0xEE00, s0;
	p0 =	seq.s32 s11, $0xF;
	s5 =	smul.u32 $0x2710, s2  }
0x7: {  	s4 =	sor.u32 s2, s4;
	s6 =	ssub.s32 $0x2, s2;
	s2 =	smul.u32 $0x2800, s2  }
0x8: {  	[smem:$0x7FF] =	sst s1;
	s4 =	smul.u32 $0x2800, s4;
	s9 =	sshrl.u32 s6, $0x1  }
0x9: {  	s3 =	sadd.s32 s3, s5;
	s5 =	ssub.s32 s6, s9;
	s2 =	sadd.s32 s2, s20  }
0xa: {  	s20 =	smul.u32 $0x50000, s11;
	s4 =	sshrl.u32 s4, $0x3;
	s26 =	sor.u32 $0x240, s2  }
0xb: {  	s13 =	sor.u32 $0x1C0, s2;
	s15 =	sor.u32 $0x180, s2;
	s18 =	sadd.s32 s7, s4  }
0xc: {  	s3 =	sshll.u32 s3, $0x4;
	s19 =	sadd.s32 s8, s4;
	[dreg:$0x3] =	wrdreg s18  }
0xd: {  	s21 =	sor.u32 $0x8, s4;
	s10 =	sor.u32 $0x10, s4;
	[dreg:$0x4] =	wrdreg s19  }
0xe: {  	s12 =	sadd.s32 s7, s21;
	s9 =	sadd.s32 s8, s21;
	s21 =	rddreg [dreg:$0x1]  }
0xf: {  	s24 =	sor.u32 $0x18, s4;
	s4 =	sor.u32 $0x20, s4;
	[dreg:$0x5] =	wrdreg s12  }
0x10: {  	s6 =	sshrl.u32 s26, $0x3;
	s22 =	sadd.s32 s7, s10;
	[dreg:$0x6] =	wrdreg s9  }
0x11: {  	s17 =	sshrl.u32 s15, $0x3;
	s23 =	sadd.s32 s8, s10;
	[dreg:$0x7] =	wrdreg s22  }
0x12: {  	s3 =	sadd.s32 s3, s0;
	s25 =	sadd.s32 s7, s24;
	[dreg:$0x8] =	wrdreg s23  }
0x13: {  	s26 =	sadd.s32 $0x40000, s0;
	s31 =	sadd.s32 s7, s4;
	[dreg:$0x9] =	wrdreg s25  }
0x14: {  	s15 =	simm.s32 $0x6;
	s4 =	sadd.s32 s8, s4;
	[dreg:$0xb] =	wrdreg s31  }
0x15: {  	s10 =	sadd.s32 s6, s8;
	s6 =	sadd.s32 s6, s7;
	[dreg:$0xc] =	wrdreg s4  }
0x16: {  	s18 =	sadd.s32 s17, s8;
	s19 =	smul.u32 $0x2800, s11;
	[dreg:$0xd] =	wrdreg s10  }
0x17: {  	s11 =	simm.s32 $0x80;
	s9 =	sadd.s32 s8, s24;
	[dreg:$0xe] =	wrdreg s6  }
0x18: {  	s12 =	sor.u32 $0x200, s2;
	s6 =	sshrl.u32 s13, $0x3;
	[dreg:$0x13] =	wrdreg s18  }
0x19: {  	s2 =	sor.u32 $0x140, s2;
	s23 =	sshrl.u32 s20, $0x2;
	s24 =	sadd.s32 $0x67200, s3  }
0x1a: {  	s25 =	smax.u32 s5, $0x1;
	s31 =	sadd.s32 $0x12C000, s21;
	s13 =	simm.s32 $0x180  }
0x1b: {  	s10 =	simm.s32 $0x40;
	s20 =	simm.s32 $0x8;
	s18 =	simm.s32 $0xF  }
0x1c: {  	s3 =	simm.s32 $0x11;
	[dreg:$0xa] =	wrdreg s9;
	s16 =	sadd.s32 s6, s8  }
0x1d: {  	s4 =	sshrl.u32 s12, $0x3;
	s6 =	sadd.s32 s6, s7;
	[dreg:$0x11] =	wrdreg s16  }
0x1e: {  	s5 =	simm.s32 $0x13;
	s14 =	sadd.s32 s4, s8;
	[dreg:$0x12] =	wrdreg s6  }
0x1f: {  	s2 =	sshrl.u32 s2, $0x3;
	s4 =	sadd.s32 s4, s7;
	[dreg:$0xf] =	wrdreg s14  }
0x20: {  	s22 =	sadd.s32 s19, s0;
	s8 =	sadd.s32 s2, s8;
	[dreg:$0x10] =	wrdreg s4  }
0x21: {  	s0 =	sadd.s32 $0x3E600, s0;
	s2 =	sadd.s32 s2, s7;
	[dreg:$0x15] =	wrdreg s8  }
0x22: {  	s9 =	simm.s32 $0x400;
	s4 =	sadd.s32 s17, s7;
	[dreg:$0x16] =	wrdreg s2  }
0x23: {  	s19 =	simm.s32 $0xD;
	[dreg:$0x14] =	wrdreg s4;
	s4 =	sadd.s32 s23, s21  }
0x24: {  	s2 =	sadd.s32 $0x18E00, s22;
	_ =	strace $0x8000004D;
	[dreg:$0x17] =	wrdreg s4  }
0x25: {  	s12 =	simm.s32 $0x0;
	s16 =	simm.s32 $0xC;
	[dreg:$0x18] =	wrdreg s2  }
.Ltmp0:
0x26: {  	s6 =	simm.s32 $0x14;
	[dreg:$0x19] =	wrdreg s0;
	(pc) =	sbr.rel .LBB2_1-.Ltmp0, $4  }
0x27: {  	s17 =	simm.s32 $0x7;
	s22 =	simm.s32 $0xE;
	[dreg:$0x1a] =	wrdreg s24  }
0x28: {  	s14 =	simm.s32 $0x4500;
	s23 =	simm.s32 $0x9;
	[dreg:$0x1b] =	wrdreg s25  }
0x29: {  	[dreg:$0x1c] =	wrdreg s31;
	s25 =	simm.s32 $0x300;
	s24 =	simm.s32 $0x200  }
0x2a: {  	s0 =	simm.s32 $0xA;
	s2 =	simm.s32 $0x10;
	s4 =	simm.s32 $0x12  }
.LBB2_4:
0x2b: {  	_ =	swait.ge [sflag:s3], $0x2000  }
0x2c: {  	[sflag:s3] =	ssyncset.done $0x0  }
0x2d: {  	[sflag:s3] =	ssyncadd.s32 $0xFFFFE000  }
0x2e: {  	_ =	swait.ge [sflag:s4], $0x2000  }
0x2f: {  	[sflag:s4] =	ssyncset.done $0x0  }
0x30: {  	[sflag:s4] =	ssyncadd.s32 $0xFFFFE000  }
0x31: {  	_ =	swait.ge [sflag:s5], $0x2000  }
0x32: {  	[sflag:s5] =	ssyncset.done $0x0  }
0x33: {  	[sflag:s5] =	ssyncadd.s32 $0xFFFFE000  }
0x34: {  	_ =	swait.ge [sflag:s6], $0x2000  }
0x35: {  	[sflag:s6] =	ssyncset.done $0x0  }
0x36: {  	[sflag:s6] =	ssyncadd.s32 $0xFFFFE000  }
0x37: {  	[bflag:$0x0] =	sbarrier.arrive $0xFFFF  }
0x38: {  	s8 =	rddreg [dreg:$0x1a]  }
0x39: {  	s7 =	simm.s32 @p0 $0x1FD5;
	s9 =	rddreg [dreg:$0x1e]  }
0x3a: {  	[hbm:s8], [sflag:s7] =	dma.local @p0 [spmem:s9], $0x1900  }
0x3b: {  	s7 =	simm.s32 @p0 $0x15  }
0x3c: {  	_ =	swait.ge @p0 [sflag:s7], $0x1900  }
0x3d: {  	s9 =	sld [smem:$0x7FD]  }
0x3e: {  	[sflag:s7] =	ssyncset.done @p0 $0x0  }
0x3f: {  	[sflag:s7] =	ssyncadd.s32 @p0 $0xFFFFE700;
	s7 =	rddreg [dreg:$0x1f]  }
0x40: {  	[hbm:s8], [sflag:s7] =	dma.local @!p0 [spmem:s9], $0x2800  }
0x41: {  	s7 =	simm.s32 @!p0 $0x15  }
0x42: {  	_ =	swait.ge @!p0 [sflag:s7], $0x2800  }
0x43: {  	s12 =	rddreg [dreg:$0x1d]  }
0x44: {  	s31 =	rddreg [dreg:$0x1b];
	s12 =	sadd.s32 $0x1, s12  }
0x45: {  	p1 =	sne.s32 s12, s31  }
.Ltmp1:
0x46: {  	_ = 	snop;
	(pc) =	sbr.rel @!p1 .LBB2_5-.Ltmp1, $4  }
0x47: {  	s11 =	simm.s32 $0x80  }
0x48: {  	s25 =	simm.s32 $0x300;
	s30 =	simm.s32 $0x100;
	s29 =	simm.s32 $0x380  }
0x49: {  	s13 =	simm.s32 $0x180;
	s24 =	simm.s32 $0x200;
	[sflag:s7] =	ssyncset.done @!p0 $0x0  }
0x4a: {  	s28 =	simm.s32 $0x480;
	s9 =	simm.s32 $0x400;
	[sflag:s7] =	ssyncadd.s32 @!p0 $0xFFFFD800  }
.LBB2_1:
0x4b: {  	[dreg:$0x1d] =	wrdreg s12  }
0x4c: {  	s7 =	rddreg [dreg:$0x1c]  }
0x4d: {  	s8 =	rddreg [dreg:$0x19];
	s12 =	sshrl.u32 @p0 s7, $0x3  }
0x4e: {  	s7 =	simm.s32 @p0 $0x1FD5;
	[dreg:$0x1e] =	wrdreg s12  }
0x4f: {  	[spmem:s12], [sflag:s7] =	dma.local @p0 [hbm:s8], $0x1900  }
0x50: {  	s8 =	simm.s32 @p0 $0x15  }
0x51: {  	s7 =	stileid.u32;
	_ =	swait.ge @p0 [sflag:s8], $0x1900  }
0x52: {  	s7 =	sshll.u32 @!p0 s7, $0x6;
	[sflag:s8] =	ssyncset.done @p0 $0x0  }
0x53: {  	[sflag:s8] =	ssyncadd.s32 @p0 $0xFFFFE700;
	s8 =	sor.u32 @!p0 $0x1C15, s7;
	s7 =	rddreg [dreg:$0x17]  }
0x54: {  	s12 =	sshrl.u32 @!p0 s7, $0x3;
	s7 =	rddreg [dreg:$0x18]  }
0x55: {  	[dreg:$0x1f] =	wrdreg s8  }
0x56: {  	[smem:$0x7FD] =	sst s12  }
0x57: {  	[spmem:s12], [sflag:s8] =	dma.local @!p0 [hbm:s7], $0x2800  }
0x58: {  	s7 =	simm.s32 @!p0 $0x15  }
0x59: {  	_ =	swait.ge @!p0 [sflag:s7], $0x2800  }
0x5a: {  	[sflag:s7] =	ssyncset.done @!p0 $0x0  }
0x5b: {  	[sflag:s7] =	ssyncadd.s32 @!p0 $0xFFFFD800  }
0x5c: {  	[bflag:$0x0] =	sbarrier.arrive $0xFFFF  }
0x5d: {  	s12 =	rddreg [dreg:$0x3]  }
0x5e: {  	[tilespmem:s1], [sflag:$0x1] =	stream.linear.gather [hbm4b:s12+s1], $0x40, $0x38;
	[tilespmem:$0x1E580] =	vst v63  }
0x5f: {  	s8 =	simm.s32 $0x280;
	s31 =	rddreg [dreg:$0x4]  }
0x60: {  	[tilespmem:s8], [sflag:$0x6] =	stream.linear.gather [hbm4b:s31+s1], $0x40, $0x38;
	[tilespmem:$0x1E580] =	vst v63  }
0x61: {  	s12 =	rddreg [dreg:$0x5]  }
0x62: {  	[tilespmem:s11], [sflag:$0x2] =	stream.linear.gather [hbm4b:s12+s1], $0x40, $0x38;
	[tilespmem:$0x1E580] =	vst v63  }
0x63: {  	s31 =	rddreg [dreg:$0x6]  }
0x64: {  	[tilespmem:s25], [sflag:$0x7] =	stream.linear.gather [hbm4b:s31+s1], $0x40, $0x38;
	[tilespmem:$0x1E580] =	vst v63  }
0x65: {  	s12 =	rddreg [dreg:$0x7]  }
0x66: {  	[tilespmem:s30], [sflag:$0x3] =	stream.linear.gather [hbm4b:s12+s1], $0x40, $0x38;
	[tilespmem:$0x1E580] =	vst v63  }
0x67: {  	s31 =	rddreg [dreg:$0x8]  }
0x68: {  	[tilespmem:s29], [sflag:$0x8] =	stream.linear.gather [hbm4b:s31+s1], $0x40, $0x38;
	[tilespmem:$0x1E580] =	vst v63  }
0x69: {  	s12 =	rddreg [dreg:$0x9]  }
0x6a: {  	[tilespmem:s13], [sflag:$0x4] =	stream.linear.gather [hbm4b:s12+s1], $0x40, $0x38;
	[tilespmem:$0x1E580] =	vst v63  }
0x6b: {  	s31 =	rddreg [dreg:$0xa]  }
0x6c: {  	[tilespmem:s9], [sflag:$0x9] =	stream.linear.gather [hbm4b:s31+s1], $0x40, $0x38;
	[tilespmem:$0x1E580] =	vst v63  }
0x6d: {  	s12 =	rddreg [dreg:$0xb]  }
0x6e: {  	[tilespmem:s24], [sflag:$0x5] =	stream.linear.gather [hbm4b:s12+s1], $0x40, $0x38;
	[tilespmem:$0x1E580] =	vst v63  }
0x6f: {  	s7 =	simm.s32 $0x0;
	s31 =	rddreg [dreg:$0xc]  }
0x70: {  	[tilespmem:s28], [sflag:$0xA] =	stream.linear.gather [hbm4b:s31+s1], $0x40, $0x38;
	[tilespmem:$0x1E580] =	vst v63  }
.LBB2_2:
0x71: {  	s31 =	simm.s32 $0x1  }
0x72: {  	_ =	swait.ge [sflag:s31], $0x40  }
0x73: {  	[sflag:s31] =	ssyncset.done $0x0  }
0x74: {  	s12 =	simm.s32 $0x2;
	[sflag:s31] =	ssyncadd.s32 $0xFFFFFFC0;
	s31 =	simm.s32 $0x500  }
0x75: {  	[tilespmem:s31], [sflag:$0xB] =	stream.indirect.gather [hbm4b:s26+s10], $0x80, s1, s10, $0xb8;
	[tilespmem:$0x1E580] =	vst v63  }
0x76: {  	_ =	swait.ge [sflag:s12], $0x40  }
0x77: {  	[sflag:s12] =	ssyncset.done $0x0  }
0x78: {  	[sflag:s12] =	ssyncadd.s32 $0xFFFFFFC0;
	s12 =	simm.s32 $0x2500  }
0x79: {  	[tilespmem:s12], [sflag:$0xC] =	stream.indirect.gather [hbm4b:s26+s10], $0x80, s11, s10, $0xb8;
	[tilespmem:$0x1E580] =	vst v63  }
0x7a: {  	s11 =	simm.s32 $0x3  }
0x7b: {  	_ =	swait.ge [sflag:s11], $0x40  }
0x7c: {  	[sflag:s11] =	ssyncset.done $0x0  }
0x7d: {  	[sflag:s11] =	ssyncadd.s32 $0xFFFFFFC0;
	s11 =	simm.s32 $0x4  }
0x7e: {  	[tilespmem:s14], [sflag:$0xD] =	stream.indirect.gather [hbm4b:s26+s10], $0x80, s30, s10, $0xb8;
	[tilespmem:$0x1E580] =	vst v63  }
0x7f: {  	_ =	swait.ge [sflag:s11], $0x40  }
0x80: {  	[sflag:s11] =	ssyncset.done $0x0  }
0x81: {  	s30 =	simm.s32 $0x6500;
	[sflag:s11] =	ssyncadd.s32 $0xFFFFFFC0  }
0x82: {  	[tilespmem:s30], [sflag:$0xE] =	stream.indirect.gather [hbm4b:s26+s10], $0x80, s13, s10, $0xb8;
	[tilespmem:$0x1E580] =	vst v63  }
0x83: {  	s13 =	simm.s32 $0x5  }
0x84: {  	_ =	swait.ge [sflag:s13], $0x40  }
0x85: {  	[sflag:s13] =	ssyncset.done $0x0  }
0x86: {  	[sflag:s13] =	ssyncadd.s32 $0xFFFFFFC0;
	s13 =	simm.s32 $0x8500  }
0x87: {  	[tilespmem:s13], [sflag:$0xF] =	stream.indirect.gather [hbm4b:s26+s10], $0x80, s24, s10, $0xb8;
	[tilespmem:$0x1E580] =	vst v63  }
0x88: {  	s24 =	simm.s32 $0xB  }
0x89: {  	_ =	swait.ge [sflag:s24], $0x2000  }
0x8a: {  	[sflag:s24] =	ssyncset.done $0x0  }
0x8b: {  	[sflag:s24] =	ssyncadd.s32 $0xFFFFE000  }
0x8c: {  	_ =	swait.ge [sflag:s15], $0x40  }
0x8d: {  	[sflag:s15] =	ssyncset.done $0x0  }
0x8e: {  	[sflag:s15] =	ssyncadd.s32 $0xFFFFFFC0  }
0x8f: {  	[spmem:s21] =	stream.indirect.scatter.add.f32 [tilespmem:s31], [sflag:$0x10], $0x80, s8, s10, $0xb8;
	[tilespmem:$0x1E580] =	vst v63  }
0x90: {  	_ =	swait.ge [sflag:s16], $0x2000  }
0x91: {  	[sflag:s16] =	ssyncset.done $0x0  }
0x92: {  	[sflag:s16] =	ssyncadd.s32 $0xFFFFE000  }
0x93: {  	_ =	swait.ge [sflag:s17], $0x40  }
0x94: {  	[sflag:s17] =	ssyncset.done $0x0  }
0x95: {  	[sflag:s17] =	ssyncadd.s32 $0xFFFFFFC0  }
0x96: {  	[spmem:s21] =	stream.indirect.scatter.add.f32 [tilespmem:s12], [sflag:$0x11], $0x80, s25, s10, $0xb8;
	[tilespmem:$0x1E580] =	vst v63  }
0x97: {  	_ =	swait.ge [sflag:s19], $0x2000  }
0x98: {  	[sflag:s19] =	ssyncset.done $0x0  }
0x99: {  	[sflag:s19] =	ssyncadd.s32 $0xFFFFE000  }
0x9a: {  	_ =	swait.ge [sflag:s20], $0x40  }
0x9b: {  	[sflag:s20] =	ssyncset.done $0x0  }
0x9c: {  	[sflag:s20] =	ssyncadd.s32 $0xFFFFFFC0  }
0x9d: {  	[spmem:s21] =	stream.indirect.scatter.add.f32 [tilespmem:s14], [sflag:$0x12], $0x80, s29, s10, $0xb8;
	[tilespmem:$0x1E580] =	vst v63  }
0x9e: {  	_ =	swait.ge [sflag:s22], $0x2000  }
0x9f: {  	[sflag:s22] =	ssyncset.done $0x0  }
0xa0: {  	[sflag:s22] =	ssyncadd.s32 $0xFFFFE000  }
0xa1: {  	_ =	swait.ge [sflag:s23], $0x40  }
0xa2: {  	[sflag:s23] =	ssyncset.done $0x0  }
0xa3: {  	[sflag:s23] =	ssyncadd.s32 $0xFFFFFFC0  }
0xa4: {  	[spmem:s21] =	stream.indirect.scatter.add.f32 [tilespmem:s30], [sflag:$0x13], $0x80, s9, s10, $0xb8;
	[tilespmem:$0x1E580] =	vst v63  }
0xa5: {  	_ =	swait.ge [sflag:s18], $0x2000  }
0xa6: {  	[sflag:s18] =	ssyncset.done $0x0  }
0xa7: {  	[sflag:s18] =	ssyncadd.s32 $0xFFFFE000  }
0xa8: {  	p1 =	seq.s32 s7, $0x4D8;
	_ =	swait.ge [sflag:s0], $0x40  }
0xa9: {  	s11 =	simm.s32 $0x280;
	s24 =	simm.s32 $0x400;
	[sflag:s0] =	ssyncset.done $0x0  }
.Ltmp2:
0xaa: {  	s31 =	simm.s32 $0x480;
	[sflag:s0] =	ssyncadd.s32 $0xFFFFFFC0;
	(pc) =	sbr.rel @p1 .LBB2_4-.Ltmp2, $4  }
0xab: {  	[spmem:s21] =	stream.indirect.scatter.add.f32 [tilespmem:s13], [sflag:$0x14], $0x80, s28, s10, $0xb8;
	[tilespmem:$0x1E580] =	vst v63  }
0xac: {  	s25 =	simm.s32 $0x80;
	s29 =	simm.s32 $0x100;
	_ =	swait.ge [sflag:s2], $0x2000  }
0xad: {  	s9 =	simm.s32 $0x180;
	s30 =	simm.s32 $0x300;
	[sflag:s2] =	ssyncset.done $0x0  }
0xae: {  	s28 =	simm.s32 $0x200;
	s13 =	simm.s32 $0x380;
	[sflag:s2] =	ssyncadd.s32 $0xFFFFE000  }
0xaf: {  	s8 =	rddreg [dreg:$0x16]  }
0xb0: {  	s12 =	rddreg [dreg:$0x15];
	s8 =	sadd.s32 s7, s8  }
0xb1: {  	[tilespmem:s1], [sflag:$0x1] =	stream.linear.gather [hbm4b:s8+s1], $0x40, $0x38;
	[tilespmem:$0x1E580] =	vst v63  }
0xb2: {  	s8 =	sadd.s32 s7, s12  }
0xb3: {  	[tilespmem:s11], [sflag:$0x6] =	stream.linear.gather [hbm4b:s8+s1], $0x40, $0x38;
	[tilespmem:$0x1E580] =	vst v63  }
0xb4: {  	_ =	swait.ge [sflag:s3], $0x2000  }
0xb5: {  	[sflag:s3] =	ssyncset.done $0x0;
	s11 =	rddreg [dreg:$0x14]  }
0xb6: {  	s12 =	rddreg [dreg:$0x13];
	[sflag:s3] =	ssyncadd.s32 $0xFFFFE000;
	s8 =	sadd.s32 s7, s11  }
0xb7: {  	[tilespmem:s25], [sflag:$0x2] =	stream.linear.gather [hbm4b:s8+s1], $0x40, $0x38;
	[tilespmem:$0x1E580] =	vst v63  }
0xb8: {  	s8 =	sadd.s32 s7, s12  }
0xb9: {  	[tilespmem:s30], [sflag:$0x7] =	stream.linear.gather [hbm4b:s8+s1], $0x40, $0x38;
	[tilespmem:$0x1E580] =	vst v63  }
0xba: {  	_ =	swait.ge [sflag:s4], $0x2000  }
0xbb: {  	[sflag:s4] =	ssyncset.done $0x0;
	s25 =	rddreg [dreg:$0x12]  }
0xbc: {  	s11 =	rddreg [dreg:$0x11];
	[sflag:s4] =	ssyncadd.s32 $0xFFFFE000;
	s8 =	sadd.s32 s7, s25  }
0xbd: {  	[tilespmem:s29], [sflag:$0x3] =	stream.linear.gather [hbm4b:s8+s1], $0x40, $0x38;
	[tilespmem:$0x1E580] =	vst v63  }
0xbe: {  	s8 =	sadd.s32 s7, s11  }
0xbf: {  	[tilespmem:s13], [sflag:$0x8] =	stream.linear.gather [hbm4b:s8+s1], $0x40, $0x38;
	[tilespmem:$0x1E580] =	vst v63  }
0xc0: {  	_ =	swait.ge [sflag:s5], $0x2000  }
0xc1: {  	[sflag:s5] =	ssyncset.done $0x0;
	s12 =	rddreg [dreg:$0x10]  }
0xc2: {  	s13 =	rddreg [dreg:$0xf];
	[sflag:s5] =	ssyncadd.s32 $0xFFFFE000;
	s8 =	sadd.s32 s7, s12  }
0xc3: {  	[tilespmem:s9], [sflag:$0x4] =	stream.linear.gather [hbm4b:s8+s1], $0x40, $0x38;
	[tilespmem:$0x1E580] =	vst v63  }
0xc4: {  	s8 =	sadd.s32 s7, s13  }
0xc5: {  	[tilespmem:s24], [sflag:$0x9] =	stream.linear.gather [hbm4b:s8+s1], $0x40, $0x38;
	[tilespmem:$0x1E580] =	vst v63  }
0xc6: {  	s30 =	simm.s32 $0x100;
	s11 =	simm.s32 $0x80;
	_ =	swait.ge [sflag:s6], $0x2000  }
0xc7: {  	s29 =	simm.s32 $0x380;
	s13 =	simm.s32 $0x180;
	s24 =	rddreg [dreg:$0xe]  }
0xc8: {  	s9 =	simm.s32 $0x400;
	[sflag:s6] =	ssyncset.done $0x0;
	s25 =	rddreg [dreg:$0xd]  }
.Ltmp3:
0xc9: {  	[sflag:s6] =	ssyncadd.s32 $0xFFFFE000;
	s8 =	sadd.s32 s7, s24;
	(pc) =	sbr.rel .LBB2_2-.Ltmp3, $4  }
0xca: {  	[tilespmem:s28], [sflag:$0x5] =	stream.linear.gather [hbm4b:s8+s1], $0x40, $0x38;
	[tilespmem:$0x1E580] =	vst v63  }
0xcb: {  	s24 =	simm.s32 $0x200;
	s8 =	sadd.s32 s7, s25;
	s7 =	sadd.s32 $0x28, s7  }
0xcc: {  	[tilespmem:s31], [sflag:$0xA] =	stream.linear.gather [hbm4b:s8+s1], $0x40, $0x38;
	[tilespmem:$0x1E580] =	vst v63  }
0xcd: {  	s25 =	simm.s32 $0x300;
	s28 =	simm.s32 $0x480;
	s8 =	simm.s32 $0x280  }
.LBB2_5:
0xce: {  	_ =	sfence.sel $0x180000  }
0xcf: {  	[bflag:$0x0] =	sbarrier.arrive $0xFFFF  }
0xd0: {  	_ =	strace $0x9000004D  }
0xd1: {  	s0 =	stileid.u32;
	[bflag:$0x2] =	sbarrier.arrive $0xFFFF  }
0xd2: {  	p0 =	sne.s32 s0, $0x0;
	s0 =	rddreg [dreg:$0x2]  }
0xd3: {  	s0 =	sadd.s32 @!p0 $0x100000, s0  }
0xd4: {  	[sflag:s0] =	ssyncadd.tile.s32 @!p0 $0x1;
	_ =	shalt  }
.Lfunc_end2:
_tile_overlayer_lowered:
.L_overlay_start_2:
0xd5: {  	(tag) =	ssettag $0x2  }
0xd6: {  	s0 =	rddreg [dreg:$0x0];
	s2 =	stileid.u32  }
0xd7: {  	s1 =	rddreg [dreg:$0x1];
	p0 =	sne.s32 s2, $0x0  }
0xd8: {  	s3 =	rddreg [dreg:$0x2];
	[bflag:$0x3] =	sbarrier.arrive $0xFFFF;
	s2 =	simm.s32 @!p0 $0x1C15  }
0xd9: {  	[timem:s3], [sflag:s2] =	dma.local @!p0 [hbm:s0], s1  }
0xda: {  	s0 =	simm.s32 @!p0 $0x15  }
0xdb: {  	_ =	swait.ge @!p0 [sflag:s0], s1  }
0xdc: {  	s1 =	ssub.s32 @!p0 $0x0, s1;
	[sflag:s0] =	ssyncset.done @!p0 $0x0  }
0xdd: {  	[sflag:s0] =	ssyncadd.s32 @!p0 s1  }
0xde: {  	[bflag:$0x3] =	sbarrier.arrive $0xFFFF  }
0xdf: {  	_ =	shalt  }

// kernel: kernel.19.cloned.1.call-start
scs
__scs_entry_jumppad:
0x0: {  	(pc) =	sbr.rel $0x88, $3  }
0x1: {  	(tag) =	ssettag $0x0;
	lr =	simm.s32 $0x1  }
0x2: {  	[smem:$0x3F8B] =	sst lr;
	_ =	strace $0xD0000000  }
0x3: {  	_ = 	snop  }
0x4: {  	_ = 	snop  }
0x5: {  	_ = 	snop  }
0x6: {  	_ = 	snop  }
0x7: {  	_ = 	snop  }
__scs_overlays_trampoline_lowered:
0x8: {  	[smem:$0x3F9A] =	sst s0  }
0x9: {  	[smem:$0x3F9B] =	sst s1  }
0xa: {  	[smem:$0x3F9C] =	sst s2  }
0xb: {  	[smem:$0x3F9D] =	sst s3  }
0xc: {  	[smem:$0x3F9E] =	sst s4  }
0xd: {  	[smem:$0x3F9F] =	sst s5  }
0xe: {  	[smem:$0x3FA0] =	sst s6  }
0xf: {  	[smem:$0x3FA1] =	sst s7  }
0x10: {  	[smem:$0x3FA2] =	sst s8  }
0x11: {  	[smem:$0x3FA3] =	sst s9;
	s0 =	simm.s32 @!p0 $0x0  }
0x12: {  	s1 =	sld [smem:$0x3F89];
	s0 =	simm.s32 @p0 $0x1  }
0x13: {  	[smem:$0x3FA4] =	sst s0;
	s0 =	simm.s32 @!p1 $0x0  }
0x14: {  	s2 =	sld [smem:$0x3F88];
	s0 =	simm.s32 @p1 $0x1  }
0x15: {  	[smem:$0x3FA5] =	sst s0;
	s0 =	simm.s32 @!p2 $0x0  }
0x16: {  	s3 =	sld [smem:$0x3FDB];
	s0 =	simm.s32 @p2 $0x1  }
0x17: {  	s4 =	simm.s32 $0x1BF5;
	[smem:$0x3FA7] =	sst s0  }
0x18: {  	s0 =	sld [smem:$0x3F8A];
	_ =	swait.ge [sflag:s4], $0x0  }
0x19: {  	s7 =	sld [smem:$0x3F8B]  }
0x1a: {  	s8 =	sadd.s32 $0xFFFFE003, lr  }
0x1b: {  	s9 =	sadd.s32 $0xFFFFFEF7, lr;
	s5 =	simm.s32 $0xFFFFFFFF;
	p2 =	slt.u32 s8, $0xFFFFF086  }
0x1c: {  	p1 =	slt.u32 s9, $0xF7A;
	s5 =	simm.s32 @!p2 $0x0  }
0x1d: {  	s5 =	simm.s32 @p1 $0x1;
	p0 =	seq.s32 s7, s2  }
0x1e: {  	s7 =	smul.u32 @!p0 $0xF7A, s2;
	p2 =	seq.s32 @!p0 s5, $0x0  }
0x1f: {  	s9 =	smul.u32 $0xF7A, s1;
	s8 =	simm.s32 @!p0 $0x1BF5;
	p2 =	por !p2, p0  }
0x20: {  	[sflag:s8] =	ssyncset.s32 @!p0 $0xFFFFF086;
	s6 =	sadd.s32 @!p0 s3, s7;
	s7 =	simm.s32 @!p0 $0x108  }
0x21: {  	s3 =	sadd.s32 s3, s9;
	s6 =	sadd.s32 @!p0 $0x88, s6;
	s7 =	simm.s32 @p2 $0x1082  }
0x22: {  	[simem:s7], [sflag:s8] =	dma.local @!p0 [hbm:s6], $0xF7A  }
0x23: {  	s9 =	sor.u32 $0xD0000000, s2;
	s6 =	simm.s32 $0x108;
	_ =	swait.ge @!p0 [sflag:s8], $0x0  }
0x24: {  	s3 =	sadd.s32 $0x88, s3;
	s6 =	simm.s32 @!p1 $0x1082;
	[sflag:s4] =	ssyncset.s32 $0xFFFFF086  }
0x25: {  	[simem:s6], [sflag:s4] =	dma.local [hbm:s3], $0xF7A  }
0x26: {  	[smem:$0x3F8B] =	sst s1;
	(tag) =	ssettag s2;
	_ =	strace s9  }
0x27: {  	s1 =	sld [smem:$0x3F9B]  }
0x28: {  	s2 =	sld [smem:$0x3F9C]  }
0x29: {  	s4 =	sld [smem:$0x3F9E]  }
0x2a: {  	p0 =	seq.s32 s5, $0x0;
	s5 =	sld [smem:$0x3F9F]  }
0x2b: {  	s6 =	sld [smem:$0x3FA0]  }
0x2c: {  	s7 =	sld [smem:$0x3FA1]  }
0x2d: {  	s3 =	simm.s32 $0x108;
	s8 =	sld [smem:$0x3FA2]  }
0x2e: {  	s3 =	simm.s32 @!p0 $0x1082;
	s9 =	sld [smem:$0x3FA3]  }
0x2f: {  	lr =	sadd.s32 s0, s3;
	s0 =	sld [smem:$0x3F9A]  }
0x30: {  	s3 =	sld [smem:$0x3F9D]  }
0x31: {  	[smem:$0x3FA6] =	sst s10  }
0x32: {  	s10 =	sld [smem:$0x3FA4];
	_ =	sdelay $0x3  }
0x33: {  	p0 =	seq.s32 s10, $0x1;
	s10 =	sld [smem:$0x3FA6];
	_ =	sdelay $0x3  }
0x34: {  	[smem:$0x3FA6] =	sst s10  }
0x35: {  	s10 =	sld [smem:$0x3FA5];
	_ =	sdelay $0x3  }
0x36: {  	p1 =	seq.s32 s10, $0x1;
	s10 =	sld [smem:$0x3FA6];
	_ =	sdelay $0x3  }
0x37: {  	[smem:$0x3FA6] =	sst s10  }
0x38: {  	s10 =	sld [smem:$0x3FA7]  }
0x39: {  	_ = 	snop;
	(pc) =	sbr.ind lr, $3  }
0x3a: {  	_ = 	snop  }
0x3b: {  	_ = 	snop  }
0x3c: {  	p2 =	seq.s32 s10, $0x1;
	s10 =	sld [smem:$0x3FA6]  }
0x3d: {  	_ =	shalt  }
0x3e: {  	_ =	shalt  }
0x3f: {  	_ =	shalt  }
0x40: {  	_ =	shalt  }
0x41: {  	_ =	shalt  }
0x42: {  	_ =	shalt  }
0x43: {  	_ =	shalt  }
0x44: {  	_ =	shalt  }
0x45: {  	_ =	shalt  }
0x46: {  	_ =	shalt  }
0x47: {  	_ =	shalt  }
0x48: {  	_ =	shalt  }
0x49: {  	_ =	shalt  }
0x4a: {  	_ =	shalt  }
0x4b: {  	_ =	shalt  }
0x4c: {  	_ =	shalt  }
0x4d: {  	_ =	shalt  }
0x4e: {  	_ =	shalt  }
0x4f: {  	_ =	shalt  }
0x50: {  	_ =	shalt  }
0x51: {  	_ =	shalt  }
0x52: {  	_ =	shalt  }
0x53: {  	_ =	shalt  }
0x54: {  	_ =	shalt  }
0x55: {  	_ =	shalt  }
0x56: {  	_ =	shalt  }
0x57: {  	_ =	shalt  }
0x58: {  	_ =	shalt  }
0x59: {  	_ =	shalt  }
0x5a: {  	_ =	shalt  }
0x5b: {  	_ =	shalt  }
0x5c: {  	_ =	shalt  }
0x5d: {  	_ =	shalt  }
0x5e: {  	_ =	shalt  }
0x5f: {  	_ =	shalt  }
0x60: {  	_ =	shalt  }
0x61: {  	_ =	shalt  }
0x62: {  	_ =	shalt  }
0x63: {  	_ =	shalt  }
0x64: {  	_ =	shalt  }
0x65: {  	_ =	shalt  }
0x66: {  	_ =	shalt  }
0x67: {  	_ =	shalt  }
0x68: {  	_ =	shalt  }
0x69: {  	_ =	shalt  }
0x6a: {  	_ =	shalt  }
0x6b: {  	_ =	shalt  }
0x6c: {  	_ =	shalt  }
0x6d: {  	_ =	shalt  }
0x6e: {  	_ =	shalt  }
0x6f: {  	_ =	shalt  }
0x70: {  	_ =	shalt  }
0x71: {  	_ =	shalt  }
0x72: {  	_ =	shalt  }
0x73: {  	_ =	shalt  }
0x74: {  	_ =	shalt  }
0x75: {  	_ =	shalt  }
0x76: {  	_ =	shalt  }
0x77: {  	_ =	shalt  }
0x78: {  	_ =	shalt  }
0x79: {  	_ =	shalt  }
0x7a: {  	_ =	shalt  }
0x7b: {  	_ =	shalt  }
0x7c: {  	_ =	shalt  }
0x7d: {  	_ =	shalt  }
0x7e: {  	_ =	shalt  }
0x7f: {  	_ =	shalt  }
0x80: {  	_ =	shalt  }
0x81: {  	_ =	shalt  }
0x82: {  	_ =	shalt  }
0x83: {  	_ =	shalt  }
0x84: {  	_ =	shalt  }
0x85: {  	_ =	shalt  }
0x86: {  	_ =	shalt  }
0x87: {  	_ =	shalt  }
.Lfunc_end0:
.L_simem_size_0:
called_computation.3_lowered:
.L_overlay_start_0:
0x88: {  	s2 =	sld [smem:$0x3FD9]  }
0x89: {  	s3 =	sld [smem:$0x3FFE];
	_ =	sdelay $0x1  }
0x8a: {  	s1 =	srdreg.scid  }
0x8b: {  	s0 =	sand.u32 $0x1, s1  }
0x8c: {  	s16 =	sshll.u32 s0, $0xA;
	s2 =	sadd.s32 s3, s2  }
0x8d: {  	s2 =	sadd.s32 s2, s16  }
0x8e: {  	[smem:$0x3FB2] =	sst s2  }
0x8f: {  	_ = 	snop  }
0x90: {  	(tm) =	ssettm $0x1  }
0x91: {  	s17 =	sld [smem:$0x3FFB];
	_ =	sdelay $0x3  }
0x92: {  	_ =	strace s17  }
0x93: {  	s2 =	sld [smem:$0x3FFC];
	_ =	sdelay $0x3  }
0x94: {  	_ =	strace s2  }
0x95: {  	s2 =	sld [smem:$0x3FFD];
	_ =	sdelay $0x3  }
0x96: {  	_ =	strace s2  }
0x97: {  	_ =	strace $0x8FFFFFFF  }
0x98: {  	s18 =	sld [smem:$0x3FDB];
	_ =	sdelay $0x1  }
0x99: {  	s19 =	simm.s32 $_scs_section_size  }
0x9a: {  	s4 =	simm.s32 $_size__tile_overlayer_lowered;
	s5 =	simm.s32 $_tile_overlayer_lowered  }
0x9b: {  	s22 =	simm.s32 $0x1BFF;
	s21 =	sshll.u32 s5, $0x1;
	s2 =	sadd.s32 s19, s18  }
0x9c: {  	s6 =	simm.s32 $0x0;
	s20 =	sshll.u32 s4, $0x1;
	s4 =	sadd.s32 s21, s2  }
0x9d: {  	[timem:s6], [sflag:s22] =	dma.local [hbm:s4], s20  }
0x9e: {  	_ =	swait.ge [sflag:s22], s20  }
0x9f: {  	s3 =	ssub.s32 $0x0, s20;
	[sflag:s22] =	ssyncset.done $0x0  }
0xa0: {  	[sflag:s22] =	ssyncadd.s32 s3;
	_ =	sdelay $0x1  }
0xa1: {  	s23 =	simm.s32 $0x1B8B  }
0xa2: {  	_ =	swait.ge [sflag:s23], $0x1  }
0xa3: {  	[sflag:s23] =	ssyncset.done $0x0  }
0xa4: {  	s25 =	simm.s32 $0x1B8E;
	s24 =	sld [smem:$0x3FFE];
	[sflag:s23] =	ssyncadd.s32 $0xFFFFFFFF  }
0xa5: {  	s26 =	simm.s32 $execute0_lowered;
	[smem:$0x3FD2] =	sst s25  }
0xa6: {  	s4 =	sshll.u32 s26, $0x1;
	_ =	strace $0x8000004F;
	[dreg:$0x1] =	wrdreg $0xFFFFFFFF  }
0xa7: {  	s28 =	simm.s32 $_size_execute0_lowered;
	s2 =	sadd.s32 s2, s4;
	[dreg:$0x0] =	wrdreg $0x0  }
0xa8: {  	s4 =	sshll.u32 s28, $0x1;
	[dreg:$0x2] =	wrdreg s2  }
0xa9: {  	[dreg:$0x3] =	wrdreg s4  }
0xaa: {  	[dreg:$0x4] =	wrdreg $0xC0  }
0xab: {  	_ =	task [dreg:s6], $0x5FFFF  }
0xac: {  	[dreg:$0x1] =	wrdreg $0xFFFFFFFF  }
0xad: {  	[dreg:$0x0] =	wrdreg $0x60  }
0xae: {  	[dreg:$0x2] =	wrdreg s24  }
0xaf: {  	[dreg:$0x3] =	wrdreg $0x9  }
0xb0: {  	_ =	task.clear_ibuf [dreg:s6], $0x4FFFF;
	_ =	strace $0x9000004F  }
0xb1: {  	s29 =	simm.s32 $0x9;
	_ =	strace $0x80000051  }
0xb2: {  	_ =	swait.ge [sflag:s29], $0x1  }
0xb3: {  	[sflag:s29] =	ssyncadd.s32 $0xFFFFFFFF  }
0xb4: {  	_ =	strace $0x90000051  }
0xb5: {  	_ =	sfence  }
0xb6: {  	s30 =	sld [smem:$0x0];
	_ =	sdelay $0x2  }
0xb7: {  	s31 =	sshll.u32 s1, $0xD;
	s1 =	sshrl.u32 s1, $0x2  }
0xb8: {  	s3 =	sand.u32 $0x4000, s31;
	s1 =	sadd.s32 s1, s30  }
0xb9: {  	s0 =	sor.u32 s3, s0;
	s1 =	sshll.u32 s1, $0x11  }
0xba: {  	s0 =	sor.u32 s1, s0  }
0xbb: {  	s0 =	sadd.s32 $0x8F2B, s0  }
0xbc: {  	[sflag:s0] =	ssyncadd.remote.s32 $0x1  }
0xbd: {  	_ =	sfence.sel $0xFFFF  }
0xbe: {  	[dreg:$0x0] =	wrdreg $0xFFFFFFFF;
	(pc) =	sbr.abs _section_cstart, $3  }
0xbf: {  	[dreg:$0x1] =	wrdreg $0xFFFFFFFF  }
0xc0: {  	_ =	task.clear_ibuf [dreg:s6], $0x2FFFF;
	_ =	strace $0x9FFFFFFF  }
0xc1: {  	(tm) =	ssettm $0x7FFFFFFF  }
tec
execute0_lowered:
.L_overlay_start_1:
0x0: {  	(tag) =	ssettag $0x1  }
0x1: {  	s1 =	srdreg.scid;
	s0 =	stileid.u32  }
0x2: {  	s6 =	sand.u32 $0x1, s1;
	s30 =	sshll.u32 s0, $0x1  }
0x3: {  	s9 =	rddreg [dreg:$0x0];
	s7 =	sor.u32 s6, s30  }
0x4: {  	s2 =	simm.s32 $0x0;
	s1 =	rddreg [dreg:$0x1];
	s3 =	smul.u32 $0x3, s7  }
0x5: {  	s8 =	simm.s32 $0x1;
	[smem:$0x7FF] =	sst s2;
	s5 =	sadd.s32 $0x4E00, s9  }
0x6: {  	_ =	strace $0x80000050;
	s11 =	ssub.s32 $0x2, s6;
	s3 =	sadd.s32 s3, s9  }
0x7: {  	s6 =	simm.s32 $0x18;
	s4 =	sadd.s32 $0xB5400, s3;
	s3 =	simm.s32 $0x2  }
0x8: {  	[tilespmem:s2], [sflag:$0x2] =	stream.linear.gather [hbm4b:s4+s2], $0x18, $0x38;
	[tilespmem:$0xC80] =	vst v63  }
0x9: {  	s10 =	smul.u32 $0x180, s7;
	s12 =	sshrl.u32 s11, $0x1;
	_ =	swait.ge [sflag:s3], $0x18  }
0xa: {  	s7 =	simm.s32 $0x80;
	s31 =	ssub.s32 s11, s12;
	[sflag:s3] =	ssyncset.done $0x0  }
0xb: {  	s9 =	sadd.s32 s10, s9;
	s10 =	smax.u32 s31, $0x1;
	[sflag:s3] =	ssyncadd.s32 $0xFFFFFFE8  }
0xc: {  	[tilespmem:s7], [sflag:$0x1] =	stream.indirect.gather [hbm4b:s5+s6], $0x80, s2, s6, $0xb8;
	[tilespmem:$0xC80] =	vst v63  }
0xd: {  	p0 =	sne.s32 s10, $0x1;
	_ =	swait.ge [sflag:s8], $0xC00  }
.Ltmp0:
0xe: {  	[sflag:s8] =	ssyncset.done $0x0;
	(pc) =	sbr.rel @!p0 .LBB2_2-.Ltmp0, $4  }
0xf: {  	s9 =	sadd.s32 $0x2C000, s9;
	[sflag:s8] =	ssyncadd.s32 $0xFFFFF400  }
0x10: {  	[hbm4b:s9+s2] =	stream.linear.scatter [tilespmem:s7], [sflag:$0x2], $0xC00, $0x38;
	[tilespmem:$0xC80] =	vst v63  }
0x11: {  	_ =	swait.ge [sflag:s3], $0xC00  }
0x12: {  	s10 =	sadd.s32 $0xFFFFFFFF, s10;
	[sflag:s3] =	ssyncset.done $0x0  }
.LBB2_1:
0x13: {  	p0 =	sne.s32 s10, $0x1;
	s10 =	sadd.s32 $0xFFFFFFFF, s10;
	[sflag:s3] =	ssyncadd.s32 $0xFFFFF400  }
0x14: {  	[tilespmem:s2], [sflag:$0x2] =	stream.linear.gather [hbm4b:s4+s2], $0x18, $0x38;
	[tilespmem:$0xC80] =	vst v63  }
0x15: {  	_ =	swait.ge [sflag:s3], $0x18  }
0x16: {  	[sflag:s3] =	ssyncset.done $0x0  }
0x17: {  	[sflag:s3] =	ssyncadd.s32 $0xFFFFFFE8  }
0x18: {  	[tilespmem:s7], [sflag:$0x1] =	stream.indirect.gather [hbm4b:s5+s6], $0x80, s2, s6, $0xb8;
	[tilespmem:$0xC80] =	vst v63  }
0x19: {  	_ =	swait.ge [sflag:s8], $0xC00  }
.Ltmp1:
0x1a: {  	[sflag:s8] =	ssyncset.done $0x0;
	(pc) =	sbr.rel @p0 .LBB2_1-.Ltmp1, $4  }
0x1b: {  	[sflag:s8] =	ssyncadd.s32 $0xFFFFF400  }
0x1c: {  	[hbm4b:s9+s2] =	stream.linear.scatter [tilespmem:s7], [sflag:$0x2], $0xC00, $0x38;
	[tilespmem:$0xC80] =	vst v63  }
0x1d: {  	_ =	swait.ge [sflag:s3], $0xC00  }
0x1e: {  	[sflag:s3] =	ssyncset.done $0x0  }
.LBB2_2:
0x1f: {  	[sflag:s3] =	ssyncadd.s32 $0xFFFFF400  }
0x20: {  	_ =	sfence.sel $0x180000  }
0x21: {  	[bflag:$0x0] =	sbarrier.arrive $0xFFFF  }
0x22: {  	p0 =	sne.s32 s0, $0x0;
	_ =	strace $0x90000050  }
0x23: {  	s0 =	sadd.s32 @!p0 $0x100000, s1;
	[bflag:$0x2] =	sbarrier.arrive $0xFFFF  }
0x24: {  	[sflag:s0] =	ssyncadd.tile.s32 @!p0 $0x1;
	_ =	shalt  }
.Lfunc_end2:
_tile_overlayer_lowered:
.L_overlay_start_2:
0x25: {  	(tag) =	ssettag $0x2  }
0x26: {  	s0 =	rddreg [dreg:$0x0];
	s2 =	stileid.u32  }
0x27: {  	s1 =	rddreg [dreg:$0x1];
	p0 =	sne.s32 s2, $0x0  }
0x28: {  	s3 =	rddreg [dreg:$0x2];
	[bflag:$0x3] =	sbarrier.arrive $0xFFFF;
	s2 =	simm.s32 @!p0 $0x1C02  }
0x29: {  	[timem:s3], [sflag:s2] =	dma.local @!p0 [hbm:s0], s1  }
0x2a: {  	s0 =	simm.s32 @!p0 $0x2  }
0x2b: {  	_ =	swait.ge @!p0 [sflag:s0], s1  }
0x2c: {  	s1 =	ssub.s32 @!p0 $0x0, s1;
	[sflag:s0] =	ssyncset.done @!p0 $0x0  }
0x2d: {  	[sflag:s0] =	ssyncadd.s32 @!p0 s1  }
0x2e: {  	[bflag:$0x3] =	sbarrier.arrive $0xFFFF  }
0x2f: {  	_ =	shalt  }

</sc_bundles>
